<compile_context>
chip_gen: v7x
topology: tpu7x:2x2x1
jax: 0.10.2.dev20260603
libtpu: 0.0.44.dev20260713+nightly
codegen_flags: <defaults>
</compile_context>

<pallas_src>
import functools

import jax
import jax.numpy as jnp
from jax import lax
from jax.experimental import pallas as pl
from jax.experimental.pallas import tpu as pltpu
from jax.experimental.pallas import tpu_sc as plsc

B = 65536
LANES = 16
NSC = 2
NSUB = 16
CHUNK = 16384


def _minmax_body(x_ref, t_ref, o_ref, mn_ref, mx_ref):
    i = pl.program_id(0)
    xb = x_ref[...]
    tb = t_ref[...]
    mnv = jnp.minimum(jnp.min(xb, axis=0), jnp.min(tb, axis=0))[None, :]
    mxv = jnp.maximum(jnp.max(xb, axis=0), jnp.max(tb, axis=0))[None, :]

    @pl.when(i == 0)
    def _():
        mn_ref[...] = mnv
        mx_ref[...] = mxv

    @pl.when(i > 0)
    def _():
        mn_ref[...] = jnp.minimum(mn_ref[...], mnv)
        mx_ref[...] = jnp.maximum(mx_ref[...], mxv)

    @pl.when(i == pl.num_programs(0) - 1)
    def _():
        gmn = jnp.min(mn_ref[...])
        gmx = jnp.max(mx_ref[...])
        o_ref[...] = jnp.concatenate(
            [jnp.full((1, 128), gmn, jnp.float32),
             jnp.full((1, 128), gmx, jnp.float32)], axis=0)


def _minmax(xr, tr):
    rows = xr.shape[0]
    grid = 8
    blk = rows // grid
    return pl.pallas_call(
        _minmax_body,
        grid=(grid,),
        in_specs=[pl.BlockSpec((blk, 128), lambda i: (i, 0)),
                  pl.BlockSpec((blk, 128), lambda i: (i, 0))],
        out_specs=pl.BlockSpec((2, 128), lambda i: (0, 0)),
        out_shape=jax.ShapeDtypeStruct((2, 128), jnp.float32),
        scratch_shapes=[pltpu.VMEM((1, 128), jnp.float32),
                        pltpu.VMEM((1, 128), jnp.float32)],
    )(xr, tr)


def _make_hist_kernel(n):
    shard = n // NSUB
    nchunk = shard // CHUNK
    slice_b = B // NSUB
    mesh = plsc.VectorSubcoreMesh(core_axis_name="c", subcore_axis_name="s")

    @functools.partial(
        pl.kernel,
        mesh=mesh,
        out_type=jax.ShapeDtypeStruct((NSC * B,), jnp.int32),
        scratch_types=[
            pltpu.VMEM((CHUNK,), jnp.float32),
            pltpu.VMEM((CHUNK,), jnp.float32),
            pltpu.VMEM((CHUNK,), jnp.int32),
            pltpu.VMEM((CHUNK,), jnp.int32),
            pltpu.VMEM((CHUNK,), jnp.int32),
            pltpu.VMEM((slice_b,), jnp.int32),
            pltpu.VMEM((2 * LANES,), jnp.float32),
            pltpu.VMEM_SHARED((B,), jnp.int32),
            pltpu.SemaphoreType.DMA,
            pltpu.SemaphoreType.DMA,
            pltpu.SemaphoreType.DMA,
            pltpu.SemaphoreType.DMA,
            pltpu.SemaphoreType.DMA,
        ],
    )
    def hist_kernel(x_hbm, t_hbm, mm_hbm, ones_hbm, zeros_hbm,
                    out_hbm,
                    win0, win1, idx0, idx1, ones_v, buf, mm_v, hist,
                    sem_in0, sem_in1, sem_sc0, sem_sc1, sem_on):
        c = lax.axis_index("c")
        s = lax.axis_index("s")

        cp_ones = pltpu.async_copy(ones_hbm, ones_v, sem_on)
        pltpu.sync_copy(mm_hbm, mm_v)
        gmin = mm_v[pl.ds(0, LANES)]
        rng = jnp.maximum(mm_v[pl.ds(LANES, LANES)] - gmin,
                          jnp.float32(1e-30))
        invbw = jnp.float32(B) / rng

        pltpu.sync_copy(zeros_hbm, buf)
        pltpu.sync_copy(buf, hist.at[pl.ds(s * slice_b, slice_b)])
        plsc.subcore_barrier()

        def process(arr_ref):
            wins = (win0, win1)
            idxs = (idx0, idx1)
            sin = (sem_in0, sem_in1)
            ssc = (sem_sc0, sem_sc1)
            cp_in = [None, None]
            cp_sc = [None, None]
            cp_in[0] = pltpu.async_copy(
                arr_ref.at[pl.ds(s * shard, CHUNK)], wins[0], sin[0])
            for k in range(nchunk):
                p = k & 1
                if k + 1 < nchunk:
                    base = s * shard + (k + 1) * CHUNK
                    cp_in[1 - p] = pltpu.async_copy(
                        arr_ref.at[pl.ds(base, CHUNK)], wins[1 - p],
                        sin[1 - p])
                cp_in[p].wait()
                if cp_sc[p] is not None:
                    cp_sc[p].wait()
                win = wins[p]
                idx1d = idxs[p]

                def bbody(r, _):
                    for j in range(8):
                        off = (r * 8 + j) * LANES
                        v = win[pl.ds(off, LANES)]
                        b = ((v - gmin) * invbw).astype(jnp.int32)
                        b = jnp.minimum(b, jnp.int32(B - 1))
                        idx1d[pl.ds(off, LANES)] = b
                    return 0
                lax.fori_loop(0, CHUNK // (8 * LANES), bbody, 0)
                if k == 0:
                    cp_ones.wait()
                cp_sc[p] = pltpu.async_copy(
                    ones_v, hist.at[idx1d], ssc[p], add=True)
            for p in range(2):
                if cp_sc[p] is not None:
                    cp_sc[p].wait()

        @pl.when(c == 0)
        def _():
            process(x_hbm)

        @pl.when(c == 1)
        def _():
            process(t_hbm)

        plsc.subcore_barrier()
        pltpu.sync_copy(hist.at[pl.ds(s * slice_b, slice_b)], buf)
        pltpu.sync_copy(buf, out_hbm.at[pl.ds(c * B + s * slice_b, slice_b)])

    return hist_kernel


def _w1_body(n, hx_ref, ht_ref, mm_ref, o_ref):
    d = (hx_ref[...].astype(jnp.float32)
         - ht_ref[...].astype(jnp.float32))
    r128 = lax.broadcasted_iota(jnp.int32, (128, 128), 0)
    c128 = lax.broadcasted_iota(jnp.int32, (128, 128), 1)
    upper = (r128 <= c128).astype(jnp.float32)
    rowcum = lax.dot_general(
        d, upper, (((1,), (0,)), ((), ())),
        precision=lax.Precision.HIGHEST,
        preferred_element_type=jnp.float32)
    tot = rowcum[:, 127:128]
    r512 = lax.broadcasted_iota(jnp.int32, (512, 512), 0)
    c512 = lax.broadcasted_iota(jnp.int32, (512, 512), 1)
    strict_lower = (r512 > c512).astype(jnp.float32)
    off = lax.dot_general(
        strict_lower, tot, (((1,), (0,)), ((), ())),
        precision=lax.Precision.HIGHEST,
        preferred_element_type=jnp.float32)
    cum = rowcum + off
    ssum = jnp.sum(jnp.abs(cum))
    mm = mm_ref[...]
    rng = jnp.max(mm[1:2, :]) - jnp.min(mm[0:1, :])
    val = ssum * rng / jnp.float32(B) / jnp.float32(n)
    o_ref[...] = jnp.full((1, 128), val, jnp.float32)


def _w1(hx, ht, mm, n):
    return pl.pallas_call(
        functools.partial(_w1_body, n),
        out_shape=jax.ShapeDtypeStruct((1, 128), jnp.float32),
    )(hx, ht, mm)


def kernel(x, target):
    n = x.shape[0]
    xr = x.reshape(n // 128, 128)
    tr = target.reshape(n // 128, 128)
    mm = _minmax(xr, tr)
    mm32 = lax.slice(mm, (0, 0), (2, LANES)).reshape(2 * LANES)
    ones = jnp.ones((CHUNK,), jnp.int32)
    zeros = jnp.zeros((B // NSUB,), jnp.int32)
    hists = _make_hist_kernel(n)(x, target, mm32, ones, zeros)
    h3 = hists.reshape(NSC, B // 128, 128)
    out = _w1(h3[0], h3[1], mm, n)
    return out[0, 0]

# --- scband reference (transcript-rebuilt; emitter-appended) ---
"""Pipeline reference for scband-loss-wasserstein-full-34230889349410 (READ-ONLY COPY).

The authoritative reference and input builder live on the scoring server;
editing this copy changes nothing except your own understanding.
"""

import jax, jax.numpy as jnp
import numpy as np


def wasserstein_distance(u, v):
    # 1D empirical Wasserstein-1 distance between equal-size samples:
    # mean absolute difference of the sorted samples (equivalent to
    # scipy.stats.wasserstein_distance for equal-weight, equal-size samples).
    u_sorted = jnp.sort(u)
    v_sorted = jnp.sort(v)
    return jnp.mean(jnp.abs(u_sorted - v_sorted))


def setup_inputs(seed: int = 0) -> dict:
    key = jax.random.key(seed)
    k1, k2 = jax.random.split(key)
    N = 1048576
    x = jax.random.normal(k1, (N,), dtype=jnp.float32)
    # target distribution (detached constant in the torch module, built in __init__)
    target = jax.random.normal(k2, (N,), dtype=jnp.float32) * 1.5 + 0.25
    return {"x": x, "target": target}


def reference(x, target):
    # Faithful translation of LossWassersteinFull.forward:
    #   x_resized = x[randperm(len(x))][:min_size]
    #   target_resized = target[randperm(len(target))][:min_size]
    #   return wasserstein_distance(x_resized, target_resized)
    size_x = x.shape[0]
    size_target = target.shape[0]
    min_size = min(size_x, size_target)
    kp = jax.random.key(42)
    kx, kt = jax.random.split(kp)
    perm_x = jax.random.permutation(kx, size_x)
    perm_t = jax.random.permutation(kt, size_target)
    x_resized = jnp.take(x, perm_x, axis=0)[:min_size]
    target_resized = jnp.take(target, perm_t, axis=0)[:min_size]
    return wasserstein_distance(x_resized, target_resized)

if __name__ == "__main__":
    import jax
    _d = setup_inputs()
    print(jax.jit(kernel)(*tuple(_d.values())))

</pallas_src>

<mosaic_0001>
#map = affine_map<(d0, d1) -> (0)>
module attributes {stable_mosaic.version = 14 : i64} {
  func.func @hist_kernel(%arg0: i32, %arg1: i32, %arg2: memref<1048576xf32, #tpu.memory_space<hbm>>, %arg3: memref<1048576xf32, #tpu.memory_space<hbm>>, %arg4: memref<32xf32, #tpu.memory_space<hbm>>, %arg5: memref<16384xi32, #tpu.memory_space<hbm>>, %arg6: memref<4096xi32, #tpu.memory_space<hbm>>, %arg7: memref<131072xi32, #tpu.memory_space<hbm>>, %arg8: memref<16384xf32, #tpu.memory_space<vmem>>, %arg9: memref<16384xf32, #tpu.memory_space<vmem>>, %arg10: memref<16384xi32, #tpu.memory_space<vmem>>, %arg11: memref<16384xi32, #tpu.memory_space<vmem>>, %arg12: memref<16384xi32, #tpu.memory_space<vmem>>, %arg13: memref<4096xi32, #tpu.memory_space<vmem>>, %arg14: memref<32xf32, #tpu.memory_space<vmem>>, %arg15: memref<65536xi32, #tpu.memory_space<vmem_shared>>, %arg16: memref<!tpu.dma_semaphore, #tpu.memory_space<semaphore_mem>>, %arg17: memref<!tpu.dma_semaphore, #tpu.memory_space<semaphore_mem>>, %arg18: memref<!tpu.dma_semaphore, #tpu.memory_space<semaphore_mem>>, %arg19: memref<!tpu.dma_semaphore, #tpu.memory_space<semaphore_mem>>, %arg20: memref<!tpu.dma_semaphore, #tpu.memory_space<semaphore_mem>>) attributes {dimension_semantics = [#tpu.dimension_semantics<core_parallel>, #tpu.dimension_semantics<subcore_parallel>], iteration_bounds = array<i64: 2, 16>, scalar_prefetch = 0 : i64, scratch_operands = 13 : i64, tpu.core_type = #tpu.core_type<sc_vector_subcore>, window_params = [{transform_indices = #map}, {transform_indices = #map}, {transform_indices = #map}, {transform_indices = #map}, {transform_indices = #map}, {transform_indices = #map}]} {
    tpu.enqueue_dma source(%arg5 : memref<16384xi32, #tpu.memory_space<hbm>>) target(%arg12 : memref<16384xi32, #tpu.memory_space<vmem>>) target_semaphore(%arg20 : memref<!tpu.dma_semaphore, #tpu.memory_space<semaphore_mem>>)
    "tpu.region"() ({
      %run_scoped3A = tpu.sem_alloc : memref<!tpu.dma_semaphore, #tpu.memory_space<semaphore_mem>>
      tpu.enqueue_dma source(%arg4 : memref<32xf32, #tpu.memory_space<hbm>>) target(%arg14 : memref<32xf32, #tpu.memory_space<vmem>>) target_semaphore(%run_scoped3A : memref<!tpu.dma_semaphore, #tpu.memory_space<semaphore_mem>>)
      tpu.wait_dma2 semaphore(%run_scoped3A : memref<!tpu.dma_semaphore, #tpu.memory_space<semaphore_mem>>) src(%arg4 : memref<32xf32, #tpu.memory_space<hbm>>) dst(%arg14 : memref<32xf32, #tpu.memory_space<vmem>>)
      tpu.yield
    }) : () -> ()
    %get3A = arith.constant 0 : index
    %get3A_0 = tpu.vector_load %arg14[%get3A] {strides = array<i32>} : memref<32xf32, #tpu.memory_space<vmem>>, vector<16xf32>,
    %get3A_1 = vector.shape_cast %get3A_0 : vector<16xf32> to vector<16xf32>
    %get3A_2 = arith.constant 16 : index
    %get3A_3 = tpu.vector_load %arg14[%get3A_2] {strides = array<i32>} : memref<32xf32, #tpu.memory_space<vmem>>, vector<16xf32>,
    %get3A_4 = vector.shape_cast %get3A_3 : vector<16xf32> to vector<16xf32>
    %sub3A = arith.subf %get3A_4, %get3A_1 : vector<16xf32>
    %max3A = arith.constant 1.000000e-30 : f32
    %max3A_5 = vector.broadcast %max3A : f32 to vector<16xf32>
    %max3A_6 = arith.maximumf %sub3A, %max3A_5 : vector<16xf32>
    %div3A = arith.constant 6.553600e+04 : f32
    %div3A_7 = vector.broadcast %div3A : f32 to vector<16xf32>
    %div3A_8 = arith.divf %div3A_7, %max3A_6 : vector<16xf32>
    "tpu.region"() ({
      %run_scoped3A = tpu.sem_alloc : memref<!tpu.dma_semaphore, #tpu.memory_space<semaphore_mem>>
      tpu.enqueue_dma source(%arg6 : memref<4096xi32, #tpu.memory_space<hbm>>) target(%arg13 : memref<4096xi32, #tpu.memory_space<vmem>>) target_semaphore(%run_scoped3A : memref<!tpu.dma_semaphore, #tpu.memory_space<semaphore_mem>>)
      tpu.wait_dma2 semaphore(%run_scoped3A : memref<!tpu.dma_semaphore, #tpu.memory_space<semaphore_mem>>) src(%arg6 : memref<4096xi32, #tpu.memory_space<hbm>>) dst(%arg13 : memref<4096xi32, #tpu.memory_space<vmem>>)
      tpu.yield
    }) : () -> ()
    %mul3A = arith.constant 4096 : i32
    %mul3A_9 = arith.muli %arg1, %mul3A : i32
    "tpu.region"() ({
      %run_scoped3A = tpu.sem_alloc : memref<!tpu.dma_semaphore, #tpu.memory_space<semaphore_mem>>
      %dma_start3A = tpu.memref_slice %arg15[%mul3A_9] : memref<65536xi32, #tpu.memory_space<vmem_shared>> -> memref<4096xi32, #tpu.memory_space<vmem_shared>>
      %dma_start3A_24 = tpu.memref_slice %arg15[%mul3A_9] : memref<65536xi32, #tpu.memory_space<vmem_shared>> -> memref<4096xi32, #tpu.memory_space<vmem_shared>>
      tpu.enqueue_dma source(%arg13 : memref<4096xi32, #tpu.memory_space<vmem>>) target(%dma_start3A_24 : memref<4096xi32, #tpu.memory_space<vmem_shared>>) target_semaphore(%run_scoped3A : memref<!tpu.dma_semaphore, #tpu.memory_space<semaphore_mem>>)
      %dma_wait3A = tpu.memref_slice %arg15[%mul3A_9] : memref<65536xi32, #tpu.memory_space<vmem_shared>> -> memref<4096xi32, #tpu.memory_space<vmem_shared>>
      %dma_wait3A_25 = tpu.memref_slice %arg15[%mul3A_9] : memref<65536xi32, #tpu.memory_space<vmem_shared>> -> memref<4096xi32, #tpu.memory_space<vmem_shared>>
      tpu.wait_dma2 semaphore(%run_scoped3A : memref<!tpu.dma_semaphore, #tpu.memory_space<semaphore_mem>>) src(%arg13 : memref<4096xi32, #tpu.memory_space<vmem>>) dst(%dma_wait3A_25 : memref<4096xi32, #tpu.memory_space<vmem_shared>>)
      tpu.yield
    }) : () -> ()
    %barrier3A = arith.constant 0 : index
    tpu.barrier barrier_id(%barrier3A)
    %eq3A = arith.constant 0 : i32
    %eq3A_10 = arith.cmpi eq, %arg0, %eq3A : i32
    %convert_element_type3A = arith.extui %eq3A_10 : i1 to i32
    %cond3A = arith.constant 0 : i32
    %cond3A_11 = arith.cmpi ne, %convert_element_type3A, %cond3A : i32
    scf.if %cond3A_11 {
      %mul3A_24 = arith.constant 65536 : i32
      %mul3A_25 = arith.muli %arg1, %mul3A_24 : i32
      %dma_start3A = tpu.memref_slice %arg2[%mul3A_25] : memref<1048576xf32, #tpu.memory_space<hbm>> -> memref<16384xf32, #tpu.memory_space<hbm>>
      %dma_start3A_26 = tpu.memref_slice %arg2[%mul3A_25] : memref<1048576xf32, #tpu.memory_space<hbm>> -> memref<16384xf32, #tpu.memory_space<hbm>>
      tpu.enqueue_dma source(%dma_start3A_26 : memref<16384xf32, #tpu.memory_space<hbm>>) target(%arg8 : memref<16384xf32, #tpu.memory_space<vmem>>) target_semaphore(%arg16 : memref<!tpu.dma_semaphore, #tpu.memory_space<semaphore_mem>>)
      %mul3A_27 = arith.constant 65536 : i32
      %mul3A_28 = arith.muli %arg1, %mul3A_27 : i32
      %add3A_29 = arith.constant 16384 : i32
      %add3A_30 = arith.addi %mul3A_28, %add3A_29 : i32
      %dma_start3A_31 = tpu.memref_slice %arg2[%add3A_30] : memref<1048576xf32, #tpu.memory_space<hbm>> -> memref<16384xf32, #tpu.memory_space<hbm>>
      %dma_start3A_32 = tpu.memref_slice %arg2[%add3A_30] : memref<1048576xf32, #tpu.memory_space<hbm>> -> memref<16384xf32, #tpu.memory_space<hbm>>
      tpu.enqueue_dma source(%dma_start3A_32 : memref<16384xf32, #tpu.memory_space<hbm>>) target(%arg9 : memref<16384xf32, #tpu.memory_space<vmem>>) target_semaphore(%arg17 : memref<!tpu.dma_semaphore, #tpu.memory_space<semaphore_mem>>)
      %dma_wait3A = tpu.memref_slice %arg2[%mul3A_25] : memref<1048576xf32, #tpu.memory_space<hbm>> -> memref<16384xf32, #tpu.memory_space<hbm>>
      %dma_wait3A_33 = tpu.memref_slice %arg2[%mul3A_25] : memref<1048576xf32, #tpu.memory_space<hbm>> -> memref<16384xf32, #tpu.memory_space<hbm>>
      tpu.wait_dma2 semaphore(%arg16 : memref<!tpu.dma_semaphore, #tpu.memory_space<semaphore_mem>>) src(%dma_wait3A_33 : memref<16384xf32, #tpu.memory_space<hbm>>) dst(%arg8 : memref<16384xf32, #tpu.memory_space<vmem>>)
      %scan3A = arith.constant 0 : i32
      %scan3A_34 = arith.constant 0 : i32
      %scan3A_35 = arith.constant 128 : i32
      %scan3A_36 = arith.addi %scan3A_34, %scan3A_35 : i32
      %scan3A_37 = arith.constant 1 : i32
      %scan3A_38 = scf.for %scan3A_95 = %scan3A_34 to %scan3A_36 step %scan3A_37 iter_args(%scan3A_96 = %scan3A) -> (i32)  : i32 {
        %mul3A_97 = arith.constant 8 : i32
        %mul3A_98 = arith.muli %scan3A_95, %mul3A_97 : i32
        %add3A_99 = arith.constant 0 : i32
        %add3A_100 = arith.addi %mul3A_98, %add3A_99 : i32
        %mul3A_101 = arith.constant 16 : i32
        %mul3A_102 = arith.muli %add3A_100, %mul3A_101 : i32
        %get3A_103 = arith.index_cast %mul3A_102 : i32 to index
        %get3A_104 = tpu.vector_load %arg8[%get3A_103] {strides = array<i32>} : memref<16384xf32, #tpu.memory_space<vmem>>, vector<16xf32>,
        %get3A_105 = vector.shape_cast %get3A_104 : vector<16xf32> to vector<16xf32>
        %sub3A_106 = arith.subf %get3A_105, %get3A_1 : vector<16xf32>
        %mul3A_107 = arith.mulf %sub3A_106, %div3A_8 : vector<16xf32>
        %convert_element_type3A_108 = arith.fptosi %mul3A_107 : vector<16xf32> to vector<16xi32>
        %min3A = arith.constant 65535 : i32
        %min3A_109 = vector.broadcast %min3A : i32 to vector<16xi32>
        %min3A_110 = arith.minsi %convert_element_type3A_108, %min3A_109 : vector<16xi32>
        %swap3A = arith.index_cast %mul3A_102 : i32 to index
        %swap3A_111 = tpu.vector_load %arg10[%swap3A] {strides = array<i32>} : memref<16384xi32, #tpu.memory_space<vmem>>, vector<16xi32>,
        %swap3A_112 = vector.shape_cast %swap3A_111 : vector<16xi32> to vector<16xi32>
        %swap3A_113 = vector.shape_cast %min3A_110 : vector<16xi32> to vector<16xi32>
        tpu.vector_store %arg10[%swap3A], %swap3A_113 {strides = array<i32>} : memref<16384xi32, #tpu.memory_space<vmem>>, vector<16xi32>,
        %mul3A_114 = arith.constant 8 : i32
        %mul3A_115 = arith.muli %scan3A_95, %mul3A_114 : i32
        %add3A_116 = arith.constant 1 : i32
        %add3A_117 = arith.addi %mul3A_115, %add3A_116 : i32
        %mul3A_118 = arith.constant 16 : i32
        %mul3A_119 = arith.muli %add3A_117, %mul3A_118 : i32
        %get3A_120 = arith.index_cast %mul3A_119 : i32 to index
        %get3A_121 = tpu.vector_load %arg8[%get3A_120] {strides = array<i32>} : memref<16384xf32, #tpu.memory_space<vmem>>, vector<16xf32>,
        %get3A_122 = vector.shape_cast %get3A_121 : vector<16xf32> to vector<16xf32>
        %sub3A_123 = arith.subf %get3A_122, %get3A_1 : vector<16xf32>
        %mul3A_124 = arith.mulf %sub3A_123, %div3A_8 : vector<16xf32>
        %convert_element_type3A_125 = arith.fptosi %mul3A_124 : vector<16xf32> to vector<16xi32>
        %min3A_126 = arith.constant 65535 : i32
        %min3A_127 = vector.broadcast %min3A_126 : i32 to vector<16xi32>
        %min3A_128 = arith.minsi %convert_element_type3A_125, %min3A_127 : vector<16xi32>
        %swap3A_129 = arith.index_cast %mul3A_119 : i32 to index
        %swap3A_130 = tpu.vector_load %arg10[%swap3A_129] {strides = array<i32>} : memref<16384xi32, #tpu.memory_space<vmem>>, vector<16xi32>,
        %swap3A_131 = vector.shape_cast %swap3A_130 : vector<16xi32> to vector<16xi32>
        %swap3A_132 = vector.shape_cast %min3A_128 : vector<16xi32> to vector<16xi32>
        tpu.vector_store %arg10[%swap3A_129], %swap3A_132 {strides = array<i32>} : memref<16384xi32, #tpu.memory_space<vmem>>, vector<16xi32>,
        %mul3A_133 = arith.constant 8 : i32
        %mul3A_134 = arith.muli %scan3A_95, %mul3A_133 : i32
        %add3A_135 = arith.constant 2 : i32
        %add3A_136 = arith.addi %mul3A_134, %add3A_135 : i32
        %mul3A_137 = arith.constant 16 : i32
        %mul3A_138 = arith.muli %add3A_136, %mul3A_137 : i32
        %get3A_139 = arith.index_cast %mul3A_138 : i32 to index
        %get3A_140 = tpu.vector_load %arg8[%get3A_139] {strides = array<i32>} : memref<16384xf32, #tpu.memory_space<vmem>>, vector<16xf32>,
        %get3A_141 = vector.shape_cast %get3A_140 : vector<16xf32> to vector<16xf32>
        %sub3A_142 = arith.subf %get3A_141, %get3A_1 : vector<16xf32>
        %mul3A_143 = arith.mulf %sub3A_142, %div3A_8 : vector<16xf32>
        %convert_element_type3A_144 = arith.fptosi %mul3A_143 : vector<16xf32> to vector<16xi32>
        %min3A_145 = arith.constant 65535 : i32
        %min3A_146 = vector.broadcast %min3A_145 : i32 to vector<16xi32>
        %min3A_147 = arith.minsi %convert_element_type3A_144, %min3A_146 : vector<16xi32>
        %swap3A_148 = arith.index_cast %mul3A_138 : i32 to index
        %swap3A_149 = tpu.vector_load %arg10[%swap3A_148] {strides = array<i32>} : memref<16384xi32, #tpu.memory_space<vmem>>, vector<16xi32>,
        %swap3A_150 = vector.shape_cast %swap3A_149 : vector<16xi32> to vector<16xi32>
        %swap3A_151 = vector.shape_cast %min3A_147 : vector<16xi32> to vector<16xi32>
        tpu.vector_store %arg10[%swap3A_148], %swap3A_151 {strides = array<i32>} : memref<16384xi32, #tpu.memory_space<vmem>>, vector<16xi32>,
        %mul3A_152 = arith.constant 8 : i32
        %mul3A_153 = arith.muli %scan3A_95, %mul3A_152 : i32
        %add3A_154 = arith.constant 3 : i32
        %add3A_155 = arith.addi %mul3A_153, %add3A_154 : i32
        %mul3A_156 = arith.constant 16 : i32
        %mul3A_157 = arith.muli %add3A_155, %mul3A_156 : i32
        %get3A_158 = arith.index_cast %mul3A_157 : i32 to index
        %get3A_159 = tpu.vector_load %arg8[%get3A_158] {strides = array<i32>} : memref<16384xf32, #tpu.memory_space<vmem>>, vector<16xf32>,
        %get3A_160 = vector.shape_cast %get3A_159 : vector<16xf32> to vector<16xf32>
        %sub3A_161 = arith.subf %get3A_160, %get3A_1 : vector<16xf32>
        %mul3A_162 = arith.mulf %sub3A_161, %div3A_8 : vector<16xf32>
        %convert_element_type3A_163 = arith.fptosi %mul3A_162 : vector<16xf32> to vector<16xi32>
        %min3A_164 = arith.constant 65535 : i32
        %min3A_165 = vector.broadcast %min3A_164 : i32 to vector<16xi32>
        %min3A_166 = arith.minsi %convert_element_type3A_163, %min3A_165 : vector<16xi32>
        %swap3A_167 = arith.index_cast %mul3A_157 : i32 to index
        %swap3A_168 = tpu.vector_load %arg10[%swap3A_167] {strides = array<i32>} : memref<16384xi32, #tpu.memory_space<vmem>>, vector<16xi32>,
        %swap3A_169 = vector.shape_cast %swap3A_168 : vector<16xi32> to vector<16xi32>
        %swap3A_170 = vector.shape_cast %min3A_166 : vector<16xi32> to vector<16xi32>
        tpu.vector_store %arg10[%swap3A_167], %swap3A_170 {strides = array<i32>} : memref<16384xi32, #tpu.memory_space<vmem>>, vector<16xi32>,
        %mul3A_171 = arith.constant 8 : i32
        %mul3A_172 = arith.muli %scan3A_95, %mul3A_171 : i32
        %add3A_173 = arith.constant 4 : i32
        %add3A_174 = arith.addi %mul3A_172, %add3A_173 : i32
        %mul3A_175 = arith.constant 16 : i32
        %mul3A_176 = arith.muli %add3A_174, %mul3A_175 : i32
        %get3A_177 = arith.index_cast %mul3A_176 : i32 to index
        %get3A_178 = tpu.vector_load %arg8[%get3A_177] {strides = array<i32>} : memref<16384xf32, #tpu.memory_space<vmem>>, vector<16xf32>,
        %get3A_179 = vector.shape_cast %get3A_178 : vector<16xf32> to vector<16xf32>
        %sub3A_180 = arith.subf %get3A_179, %get3A_1 : vector<16xf32>
        %mul3A_181 = arith.mulf %sub3A_180, %div3A_8 : vector<16xf32>
        %convert_element_type3A_182 = arith.fptosi %mul3A_181 : vector<16xf32> to vector<16xi32>
        %min3A_183 = arith.constant 65535 : i32
        %min3A_184 = vector.broadcast %min3A_183 : i32 to vector<16xi32>
        %min3A_185 = arith.minsi %convert_element_type3A_182, %min3A_184 : vector<16xi32>
        %swap3A_186 = arith.index_cast %mul3A_176 : i32 to index
        %swap3A_187 = tpu.vector_load %arg10[%swap3A_186] {strides = array<i32>} : memref<16384xi32, #tpu.memory_space<vmem>>, vector<16xi32>,
        %swap3A_188 = vector.shape_cast %swap3A_187 : vector<16xi32> to vector<16xi32>
        %swap3A_189 = vector.shape_cast %min3A_185 : vector<16xi32> to vector<16xi32>
        tpu.vector_store %arg10[%swap3A_186], %swap3A_189 {strides = array<i32>} : memref<16384xi32, #tpu.memory_space<vmem>>, vector<16xi32>,
        %mul3A_190 = arith.constant 8 : i32
        %mul3A_191 = arith.muli %scan3A_95, %mul3A_190 : i32
        %add3A_192 = arith.constant 5 : i32
        %add3A_193 = arith.addi %mul3A_191, %add3A_192 : i32
        %mul3A_194 = arith.constant 16 : i32
        %mul3A_195 = arith.muli %add3A_193, %mul3A_194 : i32
        %get3A_196 = arith.index_cast %mul3A_195 : i32 to index
        %get3A_197 = tpu.vector_load %arg8[%get3A_196] {strides = array<i32>} : memref<16384xf32, #tpu.memory_space<vmem>>, vector<16xf32>,
        %get3A_198 = vector.shape_cast %get3A_197 : vector<16xf32> to vector<16xf32>
        %sub3A_199 = arith.subf %get3A_198, %get3A_1 : vector<16xf32>
        %mul3A_200 = arith.mulf %sub3A_199, %div3A_8 : vector<16xf32>
        %convert_element_type3A_201 = arith.fptosi %mul3A_200 : vector<16xf32> to vector<16xi32>
        %min3A_202 = arith.constant 65535 : i32
        %min3A_203 = vector.broadcast %min3A_202 : i32 to vector<16xi32>
        %min3A_204 = arith.minsi %convert_element_type3A_201, %min3A_203 : vector<16xi32>
        %swap3A_205 = arith.index_cast %mul3A_195 : i32 to index
        %swap3A_206 = tpu.vector_load %arg10[%swap3A_205] {strides = array<i32>} : memref<16384xi32, #tpu.memory_space<vmem>>, vector<16xi32>,
        %swap3A_207 = vector.shape_cast %swap3A_206 : vector<16xi32> to vector<16xi32>
        %swap3A_208 = vector.shape_cast %min3A_204 : vector<16xi32> to vector<16xi32>
        tpu.vector_store %arg10[%swap3A_205], %swap3A_208 {strides = array<i32>} : memref<16384xi32, #tpu.memory_space<vmem>>, vector<16xi32>,
        %mul3A_209 = arith.constant 8 : i32
        %mul3A_210 = arith.muli %scan3A_95, %mul3A_209 : i32
        %add3A_211 = arith.constant 6 : i32
        %add3A_212 = arith.addi %mul3A_210, %add3A_211 : i32
        %mul3A_213 = arith.constant 16 : i32
        %mul3A_214 = arith.muli %add3A_212, %mul3A_213 : i32
        %get3A_215 = arith.index_cast %mul3A_214 : i32 to index
        %get3A_216 = tpu.vector_load %arg8[%get3A_215] {strides = array<i32>} : memref<16384xf32, #tpu.memory_space<vmem>>, vector<16xf32>,
        %get3A_217 = vector.shape_cast %get3A_216 : vector<16xf32> to vector<16xf32>
        %sub3A_218 = arith.subf %get3A_217, %get3A_1 : vector<16xf32>
        %mul3A_219 = arith.mulf %sub3A_218, %div3A_8 : vector<16xf32>
        %convert_element_type3A_220 = arith.fptosi %mul3A_219 : vector<16xf32> to vector<16xi32>
        %min3A_221 = arith.constant 65535 : i32
        %min3A_222 = vector.broadcast %min3A_221 : i32 to vector<16xi32>
        %min3A_223 = arith.minsi %convert_element_type3A_220, %min3A_222 : vector<16xi32>
        %swap3A_224 = arith.index_cast %mul3A_214 : i32 to index
        %swap3A_225 = tpu.vector_load %arg10[%swap3A_224] {strides = array<i32>} : memref<16384xi32, #tpu.memory_space<vmem>>, vector<16xi32>,
        %swap3A_226 = vector.shape_cast %swap3A_225 : vector<16xi32> to vector<16xi32>
        %swap3A_227 = vector.shape_cast %min3A_223 : vector<16xi32> to vector<16xi32>
        tpu.vector_store %arg10[%swap3A_224], %swap3A_227 {strides = array<i32>} : memref<16384xi32, #tpu.memory_space<vmem>>, vector<16xi32>,
        %mul3A_228 = arith.constant 8 : i32
        %mul3A_229 = arith.muli %scan3A_95, %mul3A_228 : i32
        %add3A_230 = arith.constant 7 : i32
        %add3A_231 = arith.addi %mul3A_229, %add3A_230 : i32
        %mul3A_232 = arith.constant 16 : i32
        %mul3A_233 = arith.muli %add3A_231, %mul3A_232 : i32
        %get3A_234 = arith.index_cast %mul3A_233 : i32 to index
        %get3A_235 = tpu.vector_load %arg8[%get3A_234] {strides = array<i32>} : memref<16384xf32, #tpu.memory_space<vmem>>, vector<16xf32>,
        %get3A_236 = vector.shape_cast %get3A_235 : vector<16xf32> to vector<16xf32>
        %sub3A_237 = arith.subf %get3A_236, %get3A_1 : vector<16xf32>
        %mul3A_238 = arith.mulf %sub3A_237, %div3A_8 : vector<16xf32>
        %convert_element_type3A_239 = arith.fptosi %mul3A_238 : vector<16xf32> to vector<16xi32>
        %min3A_240 = arith.constant 65535 : i32
        %min3A_241 = vector.broadcast %min3A_240 : i32 to vector<16xi32>
        %min3A_242 = arith.minsi %convert_element_type3A_239, %min3A_241 : vector<16xi32>
        %swap3A_243 = arith.index_cast %mul3A_233 : i32 to index
        %swap3A_244 = tpu.vector_load %arg10[%swap3A_243] {strides = array<i32>} : memref<16384xi32, #tpu.memory_space<vmem>>, vector<16xi32>,
        %swap3A_245 = vector.shape_cast %swap3A_244 : vector<16xi32> to vector<16xi32>
        %swap3A_246 = vector.shape_cast %min3A_242 : vector<16xi32> to vector<16xi32>
        tpu.vector_store %arg10[%swap3A_243], %swap3A_246 {strides = array<i32>} : memref<16384xi32, #tpu.memory_space<vmem>>, vector<16xi32>,
        %scan3A_247 = arith.constant 0 : i32
        scf.yield %scan3A_247 : i32
      }
      %scan3A_39 = arith.constant 128 : i32
      tpu.wait_dma2 semaphore(%arg20 : memref<!tpu.dma_semaphore, #tpu.memory_space<semaphore_mem>>) src(%arg5 : memref<16384xi32, #tpu.memory_space<hbm>>) dst(%arg12 : memref<16384xi32, #tpu.memory_space<vmem>>)
      %dma_start3A_40 = arith.constant 0 : i32
      %dma_start3A_41 = tpu.memref_slice %arg15[%dma_start3A_40] : memref<65536xi32, #tpu.memory_space<vmem_shared>> -> memref<65536xi32, #tpu.memory_space<vmem_shared>>
      tpu.enqueue_indirect_dma source(%arg12 : memref<16384xi32, #tpu.memory_space<vmem>>) target(%dma_start3A_41 : memref<65536xi32, #tpu.memory_space<vmem_shared>>) offsets(%arg10 : memref<16384xi32, #tpu.memory_space<vmem>>) semaphore(%arg18 : memref<!tpu.dma_semaphore, #tpu.memory_space<semaphore_mem>>) {add = true}
      %mul3A_42 = arith.constant 65536 : i32
      %mul3A_43 = arith.muli %arg1, %mul3A_42 : i32
      %add3A_44 = arith.constant 32768 : i32
      %add3A_45 = arith.addi %mul3A_43, %add3A_44 : i32
      %dma_start3A_46 = tpu.memref_slice %arg2[%add3A_45] : memref<1048576xf32, #tpu.memory_space<hbm>> -> memref<16384xf32, #tpu.memory_space<hbm>>
      %dma_start3A_47 = tpu.memref_slice %arg2[%add3A_45] : memref<1048576xf32, #tpu.memory_space<hbm>> -> memref<16384xf32, #tpu.memory_space<hbm>>
      tpu.enqueue_dma source(%dma_start3A_47 : memref<16384xf32, #tpu.memory_space<hbm>>) target(%arg8 : memref<16384xf32, #tpu.memory_space<vmem>>) target_semaphore(%arg16 : memref<!tpu.dma_semaphore, #tpu.memory_space<semaphore_mem>>)
      %dma_wait3A_48 = tpu.memref_slice %arg2[%add3A_30] : memref<1048576xf32, #tpu.memory_space<hbm>> -> memref<16384xf32, #tpu.memory_space<hbm>>
      %dma_wait3A_49 = tpu.memref_slice %arg2[%add3A_30] : memref<1048576xf32, #tpu.memory_space<hbm>> -> memref<16384xf32, #tpu.memory_space<hbm>>
      tpu.wait_dma2 semaphore(%arg17 : memref<!tpu.dma_semaphore, #tpu.memory_space<semaphore_mem>>) src(%dma_wait3A_49 : memref<16384xf32, #tpu.memory_space<hbm>>) dst(%arg9 : memref<16384xf32, #tpu.memory_space<vmem>>)
      %scan3A_50 = arith.constant 0 : i32
      %scan3A_51 = arith.constant 0 : i32
      %scan3A_52 = arith.constant 128 : i32
      %scan3A_53 = arith.addi %scan3A_51, %scan3A_52 : i32
      %scan3A_54 = arith.constant 1 : i32
      %scan3A_55 = scf.for %scan3A_95 = %scan3A_51 to %scan3A_53 step %scan3A_54 iter_args(%scan3A_96 = %scan3A_50) -> (i32)  : i32 {
        %mul3A_97 = arith.constant 8 : i32
        %mul3A_98 = arith.muli %scan3A_95, %mul3A_97 : i32
        %add3A_99 = arith.constant 0 : i32
        %add3A_100 = arith.addi %mul3A_98, %add3A_99 : i32
        %mul3A_101 = arith.constant 16 : i32
        %mul3A_102 = arith.muli %add3A_100, %mul3A_101 : i32
        %get3A_103 = arith.index_cast %mul3A_102 : i32 to index
        %get3A_104 = tpu.vector_load %arg9[%get3A_103] {strides = array<i32>} : memref<16384xf32, #tpu.memory_space<vmem>>, vector<16xf32>,
        %get3A_105 = vector.shape_cast %get3A_104 : vector<16xf32> to vector<16xf32>
        %sub3A_106 = arith.subf %get3A_105, %get3A_1 : vector<16xf32>
        %mul3A_107 = arith.mulf %sub3A_106, %div3A_8 : vector<16xf32>
        %convert_element_type3A_108 = arith.fptosi %mul3A_107 : vector<16xf32> to vector<16xi32>
        %min3A = arith.constant 65535 : i32
        %min3A_109 = vector.broadcast %min3A : i32 to vector<16xi32>
        %min3A_110 = arith.minsi %convert_element_type3A_108, %min3A_109 : vector<16xi32>
        %swap3A = arith.index_cast %mul3A_102 : i32 to index
        %swap3A_111 = tpu.vector_load %arg11[%swap3A] {strides = array<i32>} : memref<16384xi32, #tpu.memory_space<vmem>>, vector<16xi32>,
        %swap3A_112 = vector.shape_cast %swap3A_111 : vector<16xi32> to vector<16xi32>
        %swap3A_113 = vector.shape_cast %min3A_110 : vector<16xi32> to vector<16xi32>
        tpu.vector_store %arg11[%swap3A], %swap3A_113 {strides = array<i32>} : memref<16384xi32, #tpu.memory_space<vmem>>, vector<16xi32>,
        %mul3A_114 = arith.constant 8 : i32
        %mul3A_115 = arith.muli %scan3A_95, %mul3A_114 : i32
        %add3A_116 = arith.constant 1 : i32
        %add3A_117 = arith.addi %mul3A_115, %add3A_116 : i32
        %mul3A_118 = arith.constant 16 : i32
        %mul3A_119 = arith.muli %add3A_117, %mul3A_118 : i32
        %get3A_120 = arith.index_cast %mul3A_119 : i32 to index
        %get3A_121 = tpu.vector_load %arg9[%get3A_120] {strides = array<i32>} : memref<16384xf32, #tpu.memory_space<vmem>>, vector<16xf32>,
        %get3A_122 = vector.shape_cast %get3A_121 : vector<16xf32> to vector<16xf32>
        %sub3A_123 = arith.subf %get3A_122, %get3A_1 : vector<16xf32>
        %mul3A_124 = arith.mulf %sub3A_123, %div3A_8 : vector<16xf32>
        %convert_element_type3A_125 = arith.fptosi %mul3A_124 : vector<16xf32> to vector<16xi32>
        %min3A_126 = arith.constant 65535 : i32
        %min3A_127 = vector.broadcast %min3A_126 : i32 to vector<16xi32>
        %min3A_128 = arith.minsi %convert_element_type3A_125, %min3A_127 : vector<16xi32>
        %swap3A_129 = arith.index_cast %mul3A_119 : i32 to index
        %swap3A_130 = tpu.vector_load %arg11[%swap3A_129] {strides = array<i32>} : memref<16384xi32, #tpu.memory_space<vmem>>, vector<16xi32>,
        %swap3A_131 = vector.shape_cast %swap3A_130 : vector<16xi32> to vector<16xi32>
        %swap3A_132 = vector.shape_cast %min3A_128 : vector<16xi32> to vector<16xi32>
        tpu.vector_store %arg11[%swap3A_129], %swap3A_132 {strides = array<i32>} : memref<16384xi32, #tpu.memory_space<vmem>>, vector<16xi32>,
        %mul3A_133 = arith.constant 8 : i32
        %mul3A_134 = arith.muli %scan3A_95, %mul3A_133 : i32
        %add3A_135 = arith.constant 2 : i32
        %add3A_136 = arith.addi %mul3A_134, %add3A_135 : i32
        %mul3A_137 = arith.constant 16 : i32
        %mul3A_138 = arith.muli %add3A_136, %mul3A_137 : i32
        %get3A_139 = arith.index_cast %mul3A_138 : i32 to index
        %get3A_140 = tpu.vector_load %arg9[%get3A_139] {strides = array<i32>} : memref<16384xf32, #tpu.memory_space<vmem>>, vector<16xf32>,
        %get3A_141 = vector.shape_cast %get3A_140 : vector<16xf32> to vector<16xf32>
        %sub3A_142 = arith.subf %get3A_141, %get3A_1 : vector<16xf32>
        %mul3A_143 = arith.mulf %sub3A_142, %div3A_8 : vector<16xf32>
        %convert_element_type3A_144 = arith.fptosi %mul3A_143 : vector<16xf32> to vector<16xi32>
        %min3A_145 = arith.constant 65535 : i32
        %min3A_146 = vector.broadcast %min3A_145 : i32 to vector<16xi32>
        %min3A_147 = arith.minsi %convert_element_type3A_144, %min3A_146 : vector<16xi32>
        %swap3A_148 = arith.index_cast %mul3A_138 : i32 to index
        %swap3A_149 = tpu.vector_load %arg11[%swap3A_148] {strides = array<i32>} : memref<16384xi32, #tpu.memory_space<vmem>>, vector<16xi32>,
        %swap3A_150 = vector.shape_cast %swap3A_149 : vector<16xi32> to vector<16xi32>
        %swap3A_151 = vector.shape_cast %min3A_147 : vector<16xi32> to vector<16xi32>
        tpu.vector_store %arg11[%swap3A_148], %swap3A_151 {strides = array<i32>} : memref<16384xi32, #tpu.memory_space<vmem>>, vector<16xi32>,
        %mul3A_152 = arith.constant 8 : i32
        %mul3A_153 = arith.muli %scan3A_95, %mul3A_152 : i32
        %add3A_154 = arith.constant 3 : i32
        %add3A_155 = arith.addi %mul3A_153, %add3A_154 : i32
        %mul3A_156 = arith.constant 16 : i32
        %mul3A_157 = arith.muli %add3A_155, %mul3A_156 : i32
        %get3A_158 = arith.index_cast %mul3A_157 : i32 to index
        %get3A_159 = tpu.vector_load %arg9[%get3A_158] {strides = array<i32>} : memref<16384xf32, #tpu.memory_space<vmem>>, vector<16xf32>,
        %get3A_160 = vector.shape_cast %get3A_159 : vector<16xf32> to vector<16xf32>
        %sub3A_161 = arith.subf %get3A_160, %get3A_1 : vector<16xf32>
        %mul3A_162 = arith.mulf %sub3A_161, %div3A_8 : vector<16xf32>
        %convert_element_type3A_163 = arith.fptosi %mul3A_162 : vector<16xf32> to vector<16xi32>
        %min3A_164 = arith.constant 65535 : i32
        %min3A_165 = vector.broadcast %min3A_164 : i32 to vector<16xi32>
        %min3A_166 = arith.minsi %convert_element_type3A_163, %min3A_165 : vector<16xi32>
        %swap3A_167 = arith.index_cast %mul3A_157 : i32 to index
        %swap3A_168 = tpu.vector_load %arg11[%swap3A_167] {strides = array<i32>} : memref<16384xi32, #tpu.memory_space<vmem>>, vector<16xi32>,
        %swap3A_169 = vector.shape_cast %swap3A_168 : vector<16xi32> to vector<16xi32>
        %swap3A_170 = vector.shape_cast %min3A_166 : vector<16xi32> to vector<16xi32>
        tpu.vector_store %arg11[%swap3A_167], %swap3A_170 {strides = array<i32>} : memref<16384xi32, #tpu.memory_space<vmem>>, vector<16xi32>,
        %mul3A_171 = arith.constant 8 : i32
        %mul3A_172 = arith.muli %scan3A_95, %mul3A_171 : i32
        %add3A_173 = arith.constant 4 : i32
        %add3A_174 = arith.addi %mul3A_172, %add3A_173 : i32
        %mul3A_175 = arith.constant 16 : i32
        %mul3A_176 = arith.muli %add3A_174, %mul3A_175 : i32
        %get3A_177 = arith.index_cast %mul3A_176 : i32 to index
        %get3A_178 = tpu.vector_load %arg9[%get3A_177] {strides = array<i32>} : memref<16384xf32, #tpu.memory_space<vmem>>, vector<16xf32>,
        %get3A_179 = vector.shape_cast %get3A_178 : vector<16xf32> to vector<16xf32>
        %sub3A_180 = arith.subf %get3A_179, %get3A_1 : vector<16xf32>
        %mul3A_181 = arith.mulf %sub3A_180, %div3A_8 : vector<16xf32>
        %convert_element_type3A_182 = arith.fptosi %mul3A_181 : vector<16xf32> to vector<16xi32>
        %min3A_183 = arith.constant 65535 : i32
        %min3A_184 = vector.broadcast %min3A_183 : i32 to vector<16xi32>
        %min3A_185 = arith.minsi %convert_element_type3A_182, %min3A_184 : vector<16xi32>
        %swap3A_186 = arith.index_cast %mul3A_176 : i32 to index
        %swap3A_187 = tpu.vector_load %arg11[%swap3A_186] {strides = array<i32>} : memref<16384xi32, #tpu.memory_space<vmem>>, vector<16xi32>,
        %swap3A_188 = vector.shape_cast %swap3A_187 : vector<16xi32> to vector<16xi32>
        %swap3A_189 = vector.shape_cast %min3A_185 : vector<16xi32> to vector<16xi32>
        tpu.vector_store %arg11[%swap3A_186], %swap3A_189 {strides = array<i32>} : memref<16384xi32, #tpu.memory_space<vmem>>, vector<16xi32>,
        %mul3A_190 = arith.constant 8 : i32
        %mul3A_191 = arith.muli %scan3A_95, %mul3A_190 : i32
        %add3A_192 = arith.constant 5 : i32
        %add3A_193 = arith.addi %mul3A_191, %add3A_192 : i32
        %mul3A_194 = arith.constant 16 : i32
        %mul3A_195 = arith.muli %add3A_193, %mul3A_194 : i32
        %get3A_196 = arith.index_cast %mul3A_195 : i32 to index
        %get3A_197 = tpu.vector_load %arg9[%get3A_196] {strides = array<i32>} : memref<16384xf32, #tpu.memory_space<vmem>>, vector<16xf32>,
        %get3A_198 = vector.shape_cast %get3A_197 : vector<16xf32> to vector<16xf32>
        %sub3A_199 = arith.subf %get3A_198, %get3A_1 : vector<16xf32>
        %mul3A_200 = arith.mulf %sub3A_199, %div3A_8 : vector<16xf32>
        %convert_element_type3A_201 = arith.fptosi %mul3A_200 : vector<16xf32> to vector<16xi32>
        %min3A_202 = arith.constant 65535 : i32
        %min3A_203 = vector.broadcast %min3A_202 : i32 to vector<16xi32>
        %min3A_204 = arith.minsi %convert_element_type3A_201, %min3A_203 : vector<16xi32>
        %swap3A_205 = arith.index_cast %mul3A_195 : i32 to index
        %swap3A_206 = tpu.vector_load %arg11[%swap3A_205] {strides = array<i32>} : memref<16384xi32, #tpu.memory_space<vmem>>, vector<16xi32>,
        %swap3A_207 = vector.shape_cast %swap3A_206 : vector<16xi32> to vector<16xi32>
        %swap3A_208 = vector.shape_cast %min3A_204 : vector<16xi32> to vector<16xi32>
        tpu.vector_store %arg11[%swap3A_205], %swap3A_208 {strides = array<i32>} : memref<16384xi32, #tpu.memory_space<vmem>>, vector<16xi32>,
        %mul3A_209 = arith.constant 8 : i32
        %mul3A_210 = arith.muli %scan3A_95, %mul3A_209 : i32
        %add3A_211 = arith.constant 6 : i32
        %add3A_212 = arith.addi %mul3A_210, %add3A_211 : i32
        %mul3A_213 = arith.constant 16 : i32
        %mul3A_214 = arith.muli %add3A_212, %mul3A_213 : i32
        %get3A_215 = arith.index_cast %mul3A_214 : i32 to index
        %get3A_216 = tpu.vector_load %arg9[%get3A_215] {strides = array<i32>} : memref<16384xf32, #tpu.memory_space<vmem>>, vector<16xf32>,
        %get3A_217 = vector.shape_cast %get3A_216 : vector<16xf32> to vector<16xf32>
        %sub3A_218 = arith.subf %get3A_217, %get3A_1 : vector<16xf32>
        %mul3A_219 = arith.mulf %sub3A_218, %div3A_8 : vector<16xf32>
        %convert_element_type3A_220 = arith.fptosi %mul3A_219 : vector<16xf32> to vector<16xi32>
        %min3A_221 = arith.constant 65535 : i32
        %min3A_222 = vector.broadcast %min3A_221 : i32 to vector<16xi32>
        %min3A_223 = arith.minsi %convert_element_type3A_220, %min3A_222 : vector<16xi32>
        %swap3A_224 = arith.index_cast %mul3A_214 : i32 to index
        %swap3A_225 = tpu.vector_load %arg11[%swap3A_224] {strides = array<i32>} : memref<16384xi32, #tpu.memory_space<vmem>>, vector<16xi32>,
        %swap3A_226 = vector.shape_cast %swap3A_225 : vector<16xi32> to vector<16xi32>
        %swap3A_227 = vector.shape_cast %min3A_223 : vector<16xi32> to vector<16xi32>
        tpu.vector_store %arg11[%swap3A_224], %swap3A_227 {strides = array<i32>} : memref<16384xi32, #tpu.memory_space<vmem>>, vector<16xi32>,
        %mul3A_228 = arith.constant 8 : i32
        %mul3A_229 = arith.muli %scan3A_95, %mul3A_228 : i32
        %add3A_230 = arith.constant 7 : i32
        %add3A_231 = arith.addi %mul3A_229, %add3A_230 : i32
        %mul3A_232 = arith.constant 16 : i32
        %mul3A_233 = arith.muli %add3A_231, %mul3A_232 : i32
        %get3A_234 = arith.index_cast %mul3A_233 : i32 to index
        %get3A_235 = tpu.vector_load %arg9[%get3A_234] {strides = array<i32>} : memref<16384xf32, #tpu.memory_space<vmem>>, vector<16xf32>,
        %get3A_236 = vector.shape_cast %get3A_235 : vector<16xf32> to vector<16xf32>
        %sub3A_237 = arith.subf %get3A_236, %get3A_1 : vector<16xf32>
        %mul3A_238 = arith.mulf %sub3A_237, %div3A_8 : vector<16xf32>
        %convert_element_type3A_239 = arith.fptosi %mul3A_238 : vector<16xf32> to vector<16xi32>
        %min3A_240 = arith.constant 65535 : i32
        %min3A_241 = vector.broadcast %min3A_240 : i32 to vector<16xi32>
        %min3A_242 = arith.minsi %convert_element_type3A_239, %min3A_241 : vector<16xi32>
        %swap3A_243 = arith.index_cast %mul3A_233 : i32 to index
        %swap3A_244 = tpu.vector_load %arg11[%swap3A_243] {strides = array<i32>} : memref<16384xi32, #tpu.memory_space<vmem>>, vector<16xi32>,
        %swap3A_245 = vector.shape_cast %swap3A_244 : vector<16xi32> to vector<16xi32>
        %swap3A_246 = vector.shape_cast %min3A_242 : vector<16xi32> to vector<16xi32>
        tpu.vector_store %arg11[%swap3A_243], %swap3A_246 {strides = array<i32>} : memref<16384xi32, #tpu.memory_space<vmem>>, vector<16xi32>,
        %scan3A_247 = arith.constant 0 : i32
        scf.yield %scan3A_247 : i32
      }
      %scan3A_56 = arith.constant 128 : i32
      %dma_start3A_57 = arith.constant 0 : i32
      %dma_start3A_58 = tpu.memref_slice %arg15[%dma_start3A_57] : memref<65536xi32, #tpu.memory_space<vmem_shared>> -> memref<65536xi32, #tpu.memory_space<vmem_shared>>
      tpu.enqueue_indirect_dma source(%arg12 : memref<16384xi32, #tpu.memory_space<vmem>>) target(%dma_start3A_58 : memref<65536xi32, #tpu.memory_space<vmem_shared>>) offsets(%arg11 : memref<16384xi32, #tpu.memory_space<vmem>>) semaphore(%arg19 : memref<!tpu.dma_semaphore, #tpu.memory_space<semaphore_mem>>) {add = true}
      %mul3A_59 = arith.constant 65536 : i32
      %mul3A_60 = arith.muli %arg1, %mul3A_59 : i32
      %add3A_61 = arith.constant 49152 : i32
      %add3A_62 = arith.addi %mul3A_60, %add3A_61 : i32
      %dma_start3A_63 = tpu.memref_slice %arg2[%add3A_62] : memref<1048576xf32, #tpu.memory_space<hbm>> -> memref<16384xf32, #tpu.memory_space<hbm>>
      %dma_start3A_64 = tpu.memref_slice %arg2[%add3A_62] : memref<1048576xf32, #tpu.memory_space<hbm>> -> memref<16384xf32, #tpu.memory_space<hbm>>
      tpu.enqueue_dma source(%dma_start3A_64 : memref<16384xf32, #tpu.memory_space<hbm>>) target(%arg9 : memref<16384xf32, #tpu.memory_space<vmem>>) target_semaphore(%arg17 : memref<!tpu.dma_semaphore, #tpu.memory_space<semaphore_mem>>)
      %dma_wait3A_65 = tpu.memref_slice %arg2[%add3A_45] : memref<1048576xf32, #tpu.memory_space<hbm>> -> memref<16384xf32, #tpu.memory_space<hbm>>
      %dma_wait3A_66 = tpu.memref_slice %arg2[%add3A_45] : memref<1048576xf32, #tpu.memory_space<hbm>> -> memref<16384xf32, #tpu.memory_space<hbm>>
      tpu.wait_dma2 semaphore(%arg16 : memref<!tpu.dma_semaphore, #tpu.memory_space<semaphore_mem>>) src(%dma_wait3A_66 : memref<16384xf32, #tpu.memory_space<hbm>>) dst(%arg8 : memref<16384xf32, #tpu.memory_space<vmem>>)
      %dma_wait3A_67 = arith.constant 0 : i32
      %dma_wait3A_68 = tpu.memref_slice %arg15[%dma_wait3A_67] : memref<65536xi32, #tpu.memory_space<vmem_shared>> -> memref<65536xi32, #tpu.memory_space<vmem_shared>>
      tpu.wait_indirect_dma semaphore(%arg18 : memref<!tpu.dma_semaphore, #tpu.memory_space<semaphore_mem>>) src(%arg12 : memref<16384xi32, #tpu.memory_space<vmem>>) dst(%dma_wait3A_68 : memref<65536xi32, #tpu.memory_space<vmem_shared>>)
      %scan3A_69 = arith.constant 0 : i32
      %scan3A_70 = arith.constant 0 : i32
      %scan3A_71 = arith.constant 128 : i32
      %scan3A_72 = arith.addi %scan3A_70, %scan3A_71 : i32
      %scan3A_73 = arith.constant 1 : i32
      %scan3A_74 = scf.for %scan3A_95 = %scan3A_70 to %scan3A_72 step %scan3A_73 iter_args(%scan3A_96 = %scan3A_69) -> (i32)  : i32 {
        %mul3A_97 = arith.constant 8 : i32
        %mul3A_98 = arith.muli %scan3A_95, %mul3A_97 : i32
        %add3A_99 = arith.constant 0 : i32
        %add3A_100 = arith.addi %mul3A_98, %add3A_99 : i32
        %mul3A_101 = arith.constant 16 : i32
        %mul3A_102 = arith.muli %add3A_100, %mul3A_101 : i32
        %get3A_103 = arith.index_cast %mul3A_102 : i32 to index
        %get3A_104 = tpu.vector_load %arg8[%get3A_103] {strides = array<i32>} : memref<16384xf32, #tpu.memory_space<vmem>>, vector<16xf32>,
        %get3A_105 = vector.shape_cast %get3A_104 : vector<16xf32> to vector<16xf32>
        %sub3A_106 = arith.subf %get3A_105, %get3A_1 : vector<16xf32>
        %mul3A_107 = arith.mulf %sub3A_106, %div3A_8 : vector<16xf32>
        %convert_element_type3A_108 = arith.fptosi %mul3A_107 : vector<16xf32> to vector<16xi32>
        %min3A = arith.constant 65535 : i32
        %min3A_109 = vector.broadcast %min3A : i32 to vector<16xi32>
        %min3A_110 = arith.minsi %convert_element_type3A_108, %min3A_109 : vector<16xi32>
        %swap3A = arith.index_cast %mul3A_102 : i32 to index
        %swap3A_111 = tpu.vector_load %arg10[%swap3A] {strides = array<i32>} : memref<16384xi32, #tpu.memory_space<vmem>>, vector<16xi32>,
        %swap3A_112 = vector.shape_cast %swap3A_111 : vector<16xi32> to vector<16xi32>
        %swap3A_113 = vector.shape_cast %min3A_110 : vector<16xi32> to vector<16xi32>
        tpu.vector_store %arg10[%swap3A], %swap3A_113 {strides = array<i32>} : memref<16384xi32, #tpu.memory_space<vmem>>, vector<16xi32>,
        %mul3A_114 = arith.constant 8 : i32
        %mul3A_115 = arith.muli %scan3A_95, %mul3A_114 : i32
        %add3A_116 = arith.constant 1 : i32
        %add3A_117 = arith.addi %mul3A_115, %add3A_116 : i32
        %mul3A_118 = arith.constant 16 : i32
        %mul3A_119 = arith.muli %add3A_117, %mul3A_118 : i32
        %get3A_120 = arith.index_cast %mul3A_119 : i32 to index
        %get3A_121 = tpu.vector_load %arg8[%get3A_120] {strides = array<i32>} : memref<16384xf32, #tpu.memory_space<vmem>>, vector<16xf32>,
        %get3A_122 = vector.shape_cast %get3A_121 : vector<16xf32> to vector<16xf32>
        %sub3A_123 = arith.subf %get3A_122, %get3A_1 : vector<16xf32>
        %mul3A_124 = arith.mulf %sub3A_123, %div3A_8 : vector<16xf32>
        %convert_element_type3A_125 = arith.fptosi %mul3A_124 : vector<16xf32> to vector<16xi32>
        %min3A_126 = arith.constant 65535 : i32
        %min3A_127 = vector.broadcast %min3A_126 : i32 to vector<16xi32>
        %min3A_128 = arith.minsi %convert_element_type3A_125, %min3A_127 : vector<16xi32>
        %swap3A_129 = arith.index_cast %mul3A_119 : i32 to index
        %swap3A_130 = tpu.vector_load %arg10[%swap3A_129] {strides = array<i32>} : memref<16384xi32, #tpu.memory_space<vmem>>, vector<16xi32>,
        %swap3A_131 = vector.shape_cast %swap3A_130 : vector<16xi32> to vector<16xi32>
        %swap3A_132 = vector.shape_cast %min3A_128 : vector<16xi32> to vector<16xi32>
        tpu.vector_store %arg10[%swap3A_129], %swap3A_132 {strides = array<i32>} : memref<16384xi32, #tpu.memory_space<vmem>>, vector<16xi32>,
        %mul3A_133 = arith.constant 8 : i32
        %mul3A_134 = arith.muli %scan3A_95, %mul3A_133 : i32
        %add3A_135 = arith.constant 2 : i32
        %add3A_136 = arith.addi %mul3A_134, %add3A_135 : i32
        %mul3A_137 = arith.constant 16 : i32
        %mul3A_138 = arith.muli %add3A_136, %mul3A_137 : i32
        %get3A_139 = arith.index_cast %mul3A_138 : i32 to index
        %get3A_140 = tpu.vector_load %arg8[%get3A_139] {strides = array<i32>} : memref<16384xf32, #tpu.memory_space<vmem>>, vector<16xf32>,
        %get3A_141 = vector.shape_cast %get3A_140 : vector<16xf32> to vector<16xf32>
        %sub3A_142 = arith.subf %get3A_141, %get3A_1 : vector<16xf32>
        %mul3A_143 = arith.mulf %sub3A_142, %div3A_8 : vector<16xf32>
        %convert_element_type3A_144 = arith.fptosi %mul3A_143 : vector<16xf32> to vector<16xi32>
        %min3A_145 = arith.constant 65535 : i32
        %min3A_146 = vector.broadcast %min3A_145 : i32 to vector<16xi32>
        %min3A_147 = arith.minsi %convert_element_type3A_144, %min3A_146 : vector<16xi32>
        %swap3A_148 = arith.index_cast %mul3A_138 : i32 to index
        %swap3A_149 = tpu.vector_load %arg10[%swap3A_148] {strides = array<i32>} : memref<16384xi32, #tpu.memory_space<vmem>>, vector<16xi32>,
        %swap3A_150 = vector.shape_cast %swap3A_149 : vector<16xi32> to vector<16xi32>
        %swap3A_151 = vector.shape_cast %min3A_147 : vector<16xi32> to vector<16xi32>
        tpu.vector_store %arg10[%swap3A_148], %swap3A_151 {strides = array<i32>} : memref<16384xi32, #tpu.memory_space<vmem>>, vector<16xi32>,
        %mul3A_152 = arith.constant 8 : i32
        %mul3A_153 = arith.muli %scan3A_95, %mul3A_152 : i32
        %add3A_154 = arith.constant 3 : i32
        %add3A_155 = arith.addi %mul3A_153, %add3A_154 : i32
        %mul3A_156 = arith.constant 16 : i32
        %mul3A_157 = arith.muli %add3A_155, %mul3A_156 : i32
        %get3A_158 = arith.index_cast %mul3A_157 : i32 to index
        %get3A_159 = tpu.vector_load %arg8[%get3A_158] {strides = array<i32>} : memref<16384xf32, #tpu.memory_space<vmem>>, vector<16xf32>,
        %get3A_160 = vector.shape_cast %get3A_159 : vector<16xf32> to vector<16xf32>
        %sub3A_161 = arith.subf %get3A_160, %get3A_1 : vector<16xf32>
        %mul3A_162 = arith.mulf %sub3A_161, %div3A_8 : vector<16xf32>
        %convert_element_type3A_163 = arith.fptosi %mul3A_162 : vector<16xf32> to vector<16xi32>
        %min3A_164 = arith.constant 65535 : i32
        %min3A_165 = vector.broadcast %min3A_164 : i32 to vector<16xi32>
        %min3A_166 = arith.minsi %convert_element_type3A_163, %min3A_165 : vector<16xi32>
        %swap3A_167 = arith.index_cast %mul3A_157 : i32 to index
        %swap3A_168 = tpu.vector_load %arg10[%swap3A_167] {strides = array<i32>} : memref<16384xi32, #tpu.memory_space<vmem>>, vector<16xi32>,
        %swap3A_169 = vector.shape_cast %swap3A_168 : vector<16xi32> to vector<16xi32>
        %swap3A_170 = vector.shape_cast %min3A_166 : vector<16xi32> to vector<16xi32>
        tpu.vector_store %arg10[%swap3A_167], %swap3A_170 {strides = array<i32>} : memref<16384xi32, #tpu.memory_space<vmem>>, vector<16xi32>,
        %mul3A_171 = arith.constant 8 : i32
        %mul3A_172 = arith.muli %scan3A_95, %mul3A_171 : i32
        %add3A_173 = arith.constant 4 : i32
        %add3A_174 = arith.addi %mul3A_172, %add3A_173 : i32
        %mul3A_175 = arith.constant 16 : i32
        %mul3A_176 = arith.muli %add3A_174, %mul3A_175 : i32
        %get3A_177 = arith.index_cast %mul3A_176 : i32 to index
        %get3A_178 = tpu.vector_load %arg8[%get3A_177] {strides = array<i32>} : memref<16384xf32, #tpu.memory_space<vmem>>, vector<16xf32>,
        %get3A_179 = vector.shape_cast %get3A_178 : vector<16xf32> to vector<16xf32>
        %sub3A_180 = arith.subf %get3A_179, %get3A_1 : vector<16xf32>
        %mul3A_181 = arith.mulf %sub3A_180, %div3A_8 : vector<16xf32>
        %convert_element_type3A_182 = arith.fptosi %mul3A_181 : vector<16xf32> to vector<16xi32>
        %min3A_183 = arith.constant 65535 : i32
        %min3A_184 = vector.broadcast %min3A_183 : i32 to vector<16xi32>
        %min3A_185 = arith.minsi %convert_element_type3A_182, %min3A_184 : vector<16xi32>
        %swap3A_186 = arith.index_cast %mul3A_176 : i32 to index
        %swap3A_187 = tpu.vector_load %arg10[%swap3A_186] {strides = array<i32>} : memref<16384xi32, #tpu.memory_space<vmem>>, vector<16xi32>,
        %swap3A_188 = vector.shape_cast %swap3A_187 : vector<16xi32> to vector<16xi32>
        %swap3A_189 = vector.shape_cast %min3A_185 : vector<16xi32> to vector<16xi32>
        tpu.vector_store %arg10[%swap3A_186], %swap3A_189 {strides = array<i32>} : memref<16384xi32, #tpu.memory_space<vmem>>, vector<16xi32>,
        %mul3A_190 = arith.constant 8 : i32
        %mul3A_191 = arith.muli %scan3A_95, %mul3A_190 : i32
        %add3A_192 = arith.constant 5 : i32
        %add3A_193 = arith.addi %mul3A_191, %add3A_192 : i32
        %mul3A_194 = arith.constant 16 : i32
        %mul3A_195 = arith.muli %add3A_193, %mul3A_194 : i32
        %get3A_196 = arith.index_cast %mul3A_195 : i32 to index
        %get3A_197 = tpu.vector_load %arg8[%get3A_196] {strides = array<i32>} : memref<16384xf32, #tpu.memory_space<vmem>>, vector<16xf32>,
        %get3A_198 = vector.shape_cast %get3A_197 : vector<16xf32> to vector<16xf32>
        %sub3A_199 = arith.subf %get3A_198, %get3A_1 : vector<16xf32>
        %mul3A_200 = arith.mulf %sub3A_199, %div3A_8 : vector<16xf32>
        %convert_element_type3A_201 = arith.fptosi %mul3A_200 : vector<16xf32> to vector<16xi32>
        %min3A_202 = arith.constant 65535 : i32
        %min3A_203 = vector.broadcast %min3A_202 : i32 to vector<16xi32>
        %min3A_204 = arith.minsi %convert_element_type3A_201, %min3A_203 : vector<16xi32>
        %swap3A_205 = arith.index_cast %mul3A_195 : i32 to index
        %swap3A_206 = tpu.vector_load %arg10[%swap3A_205] {strides = array<i32>} : memref<16384xi32, #tpu.memory_space<vmem>>, vector<16xi32>,
        %swap3A_207 = vector.shape_cast %swap3A_206 : vector<16xi32> to vector<16xi32>
        %swap3A_208 = vector.shape_cast %min3A_204 : vector<16xi32> to vector<16xi32>
        tpu.vector_store %arg10[%swap3A_205], %swap3A_208 {strides = array<i32>} : memref<16384xi32, #tpu.memory_space<vmem>>, vector<16xi32>,
        %mul3A_209 = arith.constant 8 : i32
        %mul3A_210 = arith.muli %scan3A_95, %mul3A_209 : i32
        %add3A_211 = arith.constant 6 : i32
        %add3A_212 = arith.addi %mul3A_210, %add3A_211 : i32
        %mul3A_213 = arith.constant 16 : i32
        %mul3A_214 = arith.muli %add3A_212, %mul3A_213 : i32
        %get3A_215 = arith.index_cast %mul3A_214 : i32 to index
        %get3A_216 = tpu.vector_load %arg8[%get3A_215] {strides = array<i32>} : memref<16384xf32, #tpu.memory_space<vmem>>, vector<16xf32>,
        %get3A_217 = vector.shape_cast %get3A_216 : vector<16xf32> to vector<16xf32>
        %sub3A_218 = arith.subf %get3A_217, %get3A_1 : vector<16xf32>
        %mul3A_219 = arith.mulf %sub3A_218, %div3A_8 : vector<16xf32>
        %convert_element_type3A_220 = arith.fptosi %mul3A_219 : vector<16xf32> to vector<16xi32>
        %min3A_221 = arith.constant 65535 : i32
        %min3A_222 = vector.broadcast %min3A_221 : i32 to vector<16xi32>
        %min3A_223 = arith.minsi %convert_element_type3A_220, %min3A_222 : vector<16xi32>
        %swap3A_224 = arith.index_cast %mul3A_214 : i32 to index
        %swap3A_225 = tpu.vector_load %arg10[%swap3A_224] {strides = array<i32>} : memref<16384xi32, #tpu.memory_space<vmem>>, vector<16xi32>,
        %swap3A_226 = vector.shape_cast %swap3A_225 : vector<16xi32> to vector<16xi32>
        %swap3A_227 = vector.shape_cast %min3A_223 : vector<16xi32> to vector<16xi32>
        tpu.vector_store %arg10[%swap3A_224], %swap3A_227 {strides = array<i32>} : memref<16384xi32, #tpu.memory_space<vmem>>, vector<16xi32>,
        %mul3A_228 = arith.constant 8 : i32
        %mul3A_229 = arith.muli %scan3A_95, %mul3A_228 : i32
        %add3A_230 = arith.constant 7 : i32
        %add3A_231 = arith.addi %mul3A_229, %add3A_230 : i32
        %mul3A_232 = arith.constant 16 : i32
        %mul3A_233 = arith.muli %add3A_231, %mul3A_232 : i32
        %get3A_234 = arith.index_cast %mul3A_233 : i32 to index
        %get3A_235 = tpu.vector_load %arg8[%get3A_234] {strides = array<i32>} : memref<16384xf32, #tpu.memory_space<vmem>>, vector<16xf32>,
        %get3A_236 = vector.shape_cast %get3A_235 : vector<16xf32> to vector<16xf32>
        %sub3A_237 = arith.subf %get3A_236, %get3A_1 : vector<16xf32>
        %mul3A_238 = arith.mulf %sub3A_237, %div3A_8 : vector<16xf32>
        %convert_element_type3A_239 = arith.fptosi %mul3A_238 : vector<16xf32> to vector<16xi32>
        %min3A_240 = arith.constant 65535 : i32
        %min3A_241 = vector.broadcast %min3A_240 : i32 to vector<16xi32>
        %min3A_242 = arith.minsi %convert_element_type3A_239, %min3A_241 : vector<16xi32>
        %swap3A_243 = arith.index_cast %mul3A_233 : i32 to index
        %swap3A_244 = tpu.vector_load %arg10[%swap3A_243] {strides = array<i32>} : memref<16384xi32, #tpu.memory_space<vmem>>, vector<16xi32>,
        %swap3A_245 = vector.shape_cast %swap3A_244 : vector<16xi32> to vector<16xi32>
        %swap3A_246 = vector.shape_cast %min3A_242 : vector<16xi32> to vector<16xi32>
        tpu.vector_store %arg10[%swap3A_243], %swap3A_246 {strides = array<i32>} : memref<16384xi32, #tpu.memory_space<vmem>>, vector<16xi32>,
        %scan3A_247 = arith.constant 0 : i32
        scf.yield %scan3A_247 : i32
      }
      %scan3A_75 = arith.constant 128 : i32
      %dma_start3A_76 = arith.constant 0 : i32
      %dma_start3A_77 = tpu.memref_slice %arg15[%dma_start3A_76] : memref<65536xi32, #tpu.memory_space<vmem_shared>> -> memref<65536xi32, #tpu.memory_space<vmem_shared>>
      tpu.enqueue_indirect_dma source(%arg12 : memref<16384xi32, #tpu.memory_space<vmem>>) target(%dma_start3A_77 : memref<65536xi32, #tpu.memory_space<vmem_shared>>) offsets(%arg10 : memref<16384xi32, #tpu.memory_space<vmem>>) semaphore(%arg18 : memref<!tpu.dma_semaphore, #tpu.memory_space<semaphore_mem>>) {add = true}
      %dma_wait3A_78 = tpu.memref_slice %arg2[%add3A_62] : memref<1048576xf32, #tpu.memory_space<hbm>> -> memref<16384xf32, #tpu.memory_space<hbm>>
      %dma_wait3A_79 = tpu.memref_slice %arg2[%add3A_62] : memref<1048576xf32, #tpu.memory_space<hbm>> -> memref<16384xf32, #tpu.memory_space<hbm>>
      tpu.wait_dma2 semaphore(%arg17 : memref<!tpu.dma_semaphore, #tpu.memory_space<semaphore_mem>>) src(%dma_wait3A_79 : memref<16384xf32, #tpu.memory_space<hbm>>) dst(%arg9 : memref<16384xf32, #tpu.memory_space<vmem>>)
      %dma_wait3A_80 = arith.constant 0 : i32
      %dma_wait3A_81 = tpu.memref_slice %arg15[%dma_wait3A_80] : memref<65536xi32, #tpu.memory_space<vmem_shared>> -> memref<65536xi32, #tpu.memory_space<vmem_shared>>
      tpu.wait_indirect_dma semaphore(%arg19 : memref<!tpu.dma_semaphore, #tpu.memory_space<semaphore_mem>>) src(%arg12 : memref<16384xi32, #tpu.memory_space<vmem>>) dst(%dma_wait3A_81 : memref<65536xi32, #tpu.memory_space<vmem_shared>>)
      %scan3A_82 = arith.constant 0 : i32
      %scan3A_83 = arith.constant 0 : i32
      %scan3A_84 = arith.constant 128 : i32
      %scan3A_85 = arith.addi %scan3A_83, %scan3A_84 : i32
      %scan3A_86 = arith.constant 1 : i32
      %scan3A_87 = scf.for %scan3A_95 = %scan3A_83 to %scan3A_85 step %scan3A_86 iter_args(%scan3A_96 = %scan3A_82) -> (i32)  : i32 {
        %mul3A_97 = arith.constant 8 : i32
        %mul3A_98 = arith.muli %scan3A_95, %mul3A_97 : i32
        %add3A_99 = arith.constant 0 : i32
        %add3A_100 = arith.addi %mul3A_98, %add3A_99 : i32
        %mul3A_101 = arith.constant 16 : i32
        %mul3A_102 = arith.muli %add3A_100, %mul3A_101 : i32
        %get3A_103 = arith.index_cast %mul3A_102 : i32 to index
        %get3A_104 = tpu.vector_load %arg9[%get3A_103] {strides = array<i32>} : memref<16384xf32, #tpu.memory_space<vmem>>, vector<16xf32>,
        %get3A_105 = vector.shape_cast %get3A_104 : vector<16xf32> to vector<16xf32>
        %sub3A_106 = arith.subf %get3A_105, %get3A_1 : vector<16xf32>
        %mul3A_107 = arith.mulf %sub3A_106, %div3A_8 : vector<16xf32>
        %convert_element_type3A_108 = arith.fptosi %mul3A_107 : vector<16xf32> to vector<16xi32>
        %min3A = arith.constant 65535 : i32
        %min3A_109 = vector.broadcast %min3A : i32 to vector<16xi32>
        %min3A_110 = arith.minsi %convert_element_type3A_108, %min3A_109 : vector<16xi32>
        %swap3A = arith.index_cast %mul3A_102 : i32 to index
        %swap3A_111 = tpu.vector_load %arg11[%swap3A] {strides = array<i32>} : memref<16384xi32, #tpu.memory_space<vmem>>, vector<16xi32>,
        %swap3A_112 = vector.shape_cast %swap3A_111 : vector<16xi32> to vector<16xi32>
        %swap3A_113 = vector.shape_cast %min3A_110 : vector<16xi32> to vector<16xi32>
        tpu.vector_store %arg11[%swap3A], %swap3A_113 {strides = array<i32>} : memref<16384xi32, #tpu.memory_space<vmem>>, vector<16xi32>,
        %mul3A_114 = arith.constant 8 : i32
        %mul3A_115 = arith.muli %scan3A_95, %mul3A_114 : i32
        %add3A_116 = arith.constant 1 : i32
        %add3A_117 = arith.addi %mul3A_115, %add3A_116 : i32
        %mul3A_118 = arith.constant 16 : i32
        %mul3A_119 = arith.muli %add3A_117, %mul3A_118 : i32
        %get3A_120 = arith.index_cast %mul3A_119 : i32 to index
        %get3A_121 = tpu.vector_load %arg9[%get3A_120] {strides = array<i32>} : memref<16384xf32, #tpu.memory_space<vmem>>, vector<16xf32>,
        %get3A_122 = vector.shape_cast %get3A_121 : vector<16xf32> to vector<16xf32>
        %sub3A_123 = arith.subf %get3A_122, %get3A_1 : vector<16xf32>
        %mul3A_124 = arith.mulf %sub3A_123, %div3A_8 : vector<16xf32>
        %convert_element_type3A_125 = arith.fptosi %mul3A_124 : vector<16xf32> to vector<16xi32>
        %min3A_126 = arith.constant 65535 : i32
        %min3A_127 = vector.broadcast %min3A_126 : i32 to vector<16xi32>
        %min3A_128 = arith.minsi %convert_element_type3A_125, %min3A_127 : vector<16xi32>
        %swap3A_129 = arith.index_cast %mul3A_119 : i32 to index
        %swap3A_130 = tpu.vector_load %arg11[%swap3A_129] {strides = array<i32>} : memref<16384xi32, #tpu.memory_space<vmem>>, vector<16xi32>,
        %swap3A_131 = vector.shape_cast %swap3A_130 : vector<16xi32> to vector<16xi32>
        %swap3A_132 = vector.shape_cast %min3A_128 : vector<16xi32> to vector<16xi32>
        tpu.vector_store %arg11[%swap3A_129], %swap3A_132 {strides = array<i32>} : memref<16384xi32, #tpu.memory_space<vmem>>, vector<16xi32>,
        %mul3A_133 = arith.constant 8 : i32
        %mul3A_134 = arith.muli %scan3A_95, %mul3A_133 : i32
        %add3A_135 = arith.constant 2 : i32
        %add3A_136 = arith.addi %mul3A_134, %add3A_135 : i32
        %mul3A_137 = arith.constant 16 : i32
        %mul3A_138 = arith.muli %add3A_136, %mul3A_137 : i32
        %get3A_139 = arith.index_cast %mul3A_138 : i32 to index
        %get3A_140 = tpu.vector_load %arg9[%get3A_139] {strides = array<i32>} : memref<16384xf32, #tpu.memory_space<vmem>>, vector<16xf32>,
        %get3A_141 = vector.shape_cast %get3A_140 : vector<16xf32> to vector<16xf32>
        %sub3A_142 = arith.subf %get3A_141, %get3A_1 : vector<16xf32>
        %mul3A_143 = arith.mulf %sub3A_142, %div3A_8 : vector<16xf32>
        %convert_element_type3A_144 = arith.fptosi %mul3A_143 : vector<16xf32> to vector<16xi32>
        %min3A_145 = arith.constant 65535 : i32
        %min3A_146 = vector.broadcast %min3A_145 : i32 to vector<16xi32>
        %min3A_147 = arith.minsi %convert_element_type3A_144, %min3A_146 : vector<16xi32>
        %swap3A_148 = arith.index_cast %mul3A_138 : i32 to index
        %swap3A_149 = tpu.vector_load %arg11[%swap3A_148] {strides = array<i32>} : memref<16384xi32, #tpu.memory_space<vmem>>, vector<16xi32>,
        %swap3A_150 = vector.shape_cast %swap3A_149 : vector<16xi32> to vector<16xi32>
        %swap3A_151 = vector.shape_cast %min3A_147 : vector<16xi32> to vector<16xi32>
        tpu.vector_store %arg11[%swap3A_148], %swap3A_151 {strides = array<i32>} : memref<16384xi32, #tpu.memory_space<vmem>>, vector<16xi32>,
        %mul3A_152 = arith.constant 8 : i32
        %mul3A_153 = arith.muli %scan3A_95, %mul3A_152 : i32
        %add3A_154 = arith.constant 3 : i32
        %add3A_155 = arith.addi %mul3A_153, %add3A_154 : i32
        %mul3A_156 = arith.constant 16 : i32
        %mul3A_157 = arith.muli %add3A_155, %mul3A_156 : i32
        %get3A_158 = arith.index_cast %mul3A_157 : i32 to index
        %get3A_159 = tpu.vector_load %arg9[%get3A_158] {strides = array<i32>} : memref<16384xf32, #tpu.memory_space<vmem>>, vector<16xf32>,
        %get3A_160 = vector.shape_cast %get3A_159 : vector<16xf32> to vector<16xf32>
        %sub3A_161 = arith.subf %get3A_160, %get3A_1 : vector<16xf32>
        %mul3A_162 = arith.mulf %sub3A_161, %div3A_8 : vector<16xf32>
        %convert_element_type3A_163 = arith.fptosi %mul3A_162 : vector<16xf32> to vector<16xi32>
        %min3A_164 = arith.constant 65535 : i32
        %min3A_165 = vector.broadcast %min3A_164 : i32 to vector<16xi32>
        %min3A_166 = arith.minsi %convert_element_type3A_163, %min3A_165 : vector<16xi32>
        %swap3A_167 = arith.index_cast %mul3A_157 : i32 to index
        %swap3A_168 = tpu.vector_load %arg11[%swap3A_167] {strides = array<i32>} : memref<16384xi32, #tpu.memory_space<vmem>>, vector<16xi32>,
        %swap3A_169 = vector.shape_cast %swap3A_168 : vector<16xi32> to vector<16xi32>
        %swap3A_170 = vector.shape_cast %min3A_166 : vector<16xi32> to vector<16xi32>
        tpu.vector_store %arg11[%swap3A_167], %swap3A_170 {strides = array<i32>} : memref<16384xi32, #tpu.memory_space<vmem>>, vector<16xi32>,
        %mul3A_171 = arith.constant 8 : i32
        %mul3A_172 = arith.muli %scan3A_95, %mul3A_171 : i32
        %add3A_173 = arith.constant 4 : i32
        %add3A_174 = arith.addi %mul3A_172, %add3A_173 : i32
        %mul3A_175 = arith.constant 16 : i32
        %mul3A_176 = arith.muli %add3A_174, %mul3A_175 : i32
        %get3A_177 = arith.index_cast %mul3A_176 : i32 to index
        %get3A_178 = tpu.vector_load %arg9[%get3A_177] {strides = array<i32>} : memref<16384xf32, #tpu.memory_space<vmem>>, vector<16xf32>,
        %get3A_179 = vector.shape_cast %get3A_178 : vector<16xf32> to vector<16xf32>
        %sub3A_180 = arith.subf %get3A_179, %get3A_1 : vector<16xf32>
        %mul3A_181 = arith.mulf %sub3A_180, %div3A_8 : vector<16xf32>
        %convert_element_type3A_182 = arith.fptosi %mul3A_181 : vector<16xf32> to vector<16xi32>
        %min3A_183 = arith.constant 65535 : i32
        %min3A_184 = vector.broadcast %min3A_183 : i32 to vector<16xi32>
        %min3A_185 = arith.minsi %convert_element_type3A_182, %min3A_184 : vector<16xi32>
        %swap3A_186 = arith.index_cast %mul3A_176 : i32 to index
        %swap3A_187 = tpu.vector_load %arg11[%swap3A_186] {strides = array<i32>} : memref<16384xi32, #tpu.memory_space<vmem>>, vector<16xi32>,
        %swap3A_188 = vector.shape_cast %swap3A_187 : vector<16xi32> to vector<16xi32>
        %swap3A_189 = vector.shape_cast %min3A_185 : vector<16xi32> to vector<16xi32>
        tpu.vector_store %arg11[%swap3A_186], %swap3A_189 {strides = array<i32>} : memref<16384xi32, #tpu.memory_space<vmem>>, vector<16xi32>,
        %mul3A_190 = arith.constant 8 : i32
        %mul3A_191 = arith.muli %scan3A_95, %mul3A_190 : i32
        %add3A_192 = arith.constant 5 : i32
        %add3A_193 = arith.addi %mul3A_191, %add3A_192 : i32
        %mul3A_194 = arith.constant 16 : i32
        %mul3A_195 = arith.muli %add3A_193, %mul3A_194 : i32
        %get3A_196 = arith.index_cast %mul3A_195 : i32 to index
        %get3A_197 = tpu.vector_load %arg9[%get3A_196] {strides = array<i32>} : memref<16384xf32, #tpu.memory_space<vmem>>, vector<16xf32>,
        %get3A_198 = vector.shape_cast %get3A_197 : vector<16xf32> to vector<16xf32>
        %sub3A_199 = arith.subf %get3A_198, %get3A_1 : vector<16xf32>
        %mul3A_200 = arith.mulf %sub3A_199, %div3A_8 : vector<16xf32>
        %convert_element_type3A_201 = arith.fptosi %mul3A_200 : vector<16xf32> to vector<16xi32>
        %min3A_202 = arith.constant 65535 : i32
        %min3A_203 = vector.broadcast %min3A_202 : i32 to vector<16xi32>
        %min3A_204 = arith.minsi %convert_element_type3A_201, %min3A_203 : vector<16xi32>
        %swap3A_205 = arith.index_cast %mul3A_195 : i32 to index
        %swap3A_206 = tpu.vector_load %arg11[%swap3A_205] {strides = array<i32>} : memref<16384xi32, #tpu.memory_space<vmem>>, vector<16xi32>,
        %swap3A_207 = vector.shape_cast %swap3A_206 : vector<16xi32> to vector<16xi32>
        %swap3A_208 = vector.shape_cast %min3A_204 : vector<16xi32> to vector<16xi32>
        tpu.vector_store %arg11[%swap3A_205], %swap3A_208 {strides = array<i32>} : memref<16384xi32, #tpu.memory_space<vmem>>, vector<16xi32>,
        %mul3A_209 = arith.constant 8 : i32
        %mul3A_210 = arith.muli %scan3A_95, %mul3A_209 : i32
        %add3A_211 = arith.constant 6 : i32
        %add3A_212 = arith.addi %mul3A_210, %add3A_211 : i32
        %mul3A_213 = arith.constant 16 : i32
        %mul3A_214 = arith.muli %add3A_212, %mul3A_213 : i32
        %get3A_215 = arith.index_cast %mul3A_214 : i32 to index
        %get3A_216 = tpu.vector_load %arg9[%get3A_215] {strides = array<i32>} : memref<16384xf32, #tpu.memory_space<vmem>>, vector<16xf32>,
        %get3A_217 = vector.shape_cast %get3A_216 : vector<16xf32> to vector<16xf32>
        %sub3A_218 = arith.subf %get3A_217, %get3A_1 : vector<16xf32>
        %mul3A_219 = arith.mulf %sub3A_218, %div3A_8 : vector<16xf32>
        %convert_element_type3A_220 = arith.fptosi %mul3A_219 : vector<16xf32> to vector<16xi32>
        %min3A_221 = arith.constant 65535 : i32
        %min3A_222 = vector.broadcast %min3A_221 : i32 to vector<16xi32>
        %min3A_223 = arith.minsi %convert_element_type3A_220, %min3A_222 : vector<16xi32>
        %swap3A_224 = arith.index_cast %mul3A_214 : i32 to index
        %swap3A_225 = tpu.vector_load %arg11[%swap3A_224] {strides = array<i32>} : memref<16384xi32, #tpu.memory_space<vmem>>, vector<16xi32>,
        %swap3A_226 = vector.shape_cast %swap3A_225 : vector<16xi32> to vector<16xi32>
        %swap3A_227 = vector.shape_cast %min3A_223 : vector<16xi32> to vector<16xi32>
        tpu.vector_store %arg11[%swap3A_224], %swap3A_227 {strides = array<i32>} : memref<16384xi32, #tpu.memory_space<vmem>>, vector<16xi32>,
        %mul3A_228 = arith.constant 8 : i32
        %mul3A_229 = arith.muli %scan3A_95, %mul3A_228 : i32
        %add3A_230 = arith.constant 7 : i32
        %add3A_231 = arith.addi %mul3A_229, %add3A_230 : i32
        %mul3A_232 = arith.constant 16 : i32
        %mul3A_233 = arith.muli %add3A_231, %mul3A_232 : i32
        %get3A_234 = arith.index_cast %mul3A_233 : i32 to index
        %get3A_235 = tpu.vector_load %arg9[%get3A_234] {strides = array<i32>} : memref<16384xf32, #tpu.memory_space<vmem>>, vector<16xf32>,
        %get3A_236 = vector.shape_cast %get3A_235 : vector<16xf32> to vector<16xf32>
        %sub3A_237 = arith.subf %get3A_236, %get3A_1 : vector<16xf32>
        %mul3A_238 = arith.mulf %sub3A_237, %div3A_8 : vector<16xf32>
        %convert_element_type3A_239 = arith.fptosi %mul3A_238 : vector<16xf32> to vector<16xi32>
        %min3A_240 = arith.constant 65535 : i32
        %min3A_241 = vector.broadcast %min3A_240 : i32 to vector<16xi32>
        %min3A_242 = arith.minsi %convert_element_type3A_239, %min3A_241 : vector<16xi32>
        %swap3A_243 = arith.index_cast %mul3A_233 : i32 to index
        %swap3A_244 = tpu.vector_load %arg11[%swap3A_243] {strides = array<i32>} : memref<16384xi32, #tpu.memory_space<vmem>>, vector<16xi32>,
        %swap3A_245 = vector.shape_cast %swap3A_244 : vector<16xi32> to vector<16xi32>
        %swap3A_246 = vector.shape_cast %min3A_242 : vector<16xi32> to vector<16xi32>
        tpu.vector_store %arg11[%swap3A_243], %swap3A_246 {strides = array<i32>} : memref<16384xi32, #tpu.memory_space<vmem>>, vector<16xi32>,
        %scan3A_247 = arith.constant 0 : i32
        scf.yield %scan3A_247 : i32
      }
      %scan3A_88 = arith.constant 128 : i32
      %dma_start3A_89 = arith.constant 0 : i32
      %dma_start3A_90 = tpu.memref_slice %arg15[%dma_start3A_89] : memref<65536xi32, #tpu.memory_space<vmem_shared>> -> memref<65536xi32, #tpu.memory_space<vmem_shared>>
      tpu.enqueue_indirect_dma source(%arg12 : memref<16384xi32, #tpu.memory_space<vmem>>) target(%dma_start3A_90 : memref<65536xi32, #tpu.memory_space<vmem_shared>>) offsets(%arg11 : memref<16384xi32, #tpu.memory_space<vmem>>) semaphore(%arg19 : memref<!tpu.dma_semaphore, #tpu.memory_space<semaphore_mem>>) {add = true}
      %dma_wait3A_91 = arith.constant 0 : i32
      %dma_wait3A_92 = tpu.memref_slice %arg15[%dma_wait3A_91] : memref<65536xi32, #tpu.memory_space<vmem_shared>> -> memref<65536xi32, #tpu.memory_space<vmem_shared>>
      tpu.wait_indirect_dma semaphore(%arg18 : memref<!tpu.dma_semaphore, #tpu.memory_space<semaphore_mem>>) src(%arg12 : memref<16384xi32, #tpu.memory_space<vmem>>) dst(%dma_wait3A_92 : memref<65536xi32, #tpu.memory_space<vmem_shared>>)
      %dma_wait3A_93 = arith.constant 0 : i32
      %dma_wait3A_94 = tpu.memref_slice %arg15[%dma_wait3A_93] : memref<65536xi32, #tpu.memory_space<vmem_shared>> -> memref<65536xi32, #tpu.memory_space<vmem_shared>>
      tpu.wait_indirect_dma semaphore(%arg19 : memref<!tpu.dma_semaphore, #tpu.memory_space<semaphore_mem>>) src(%arg12 : memref<16384xi32, #tpu.memory_space<vmem>>) dst(%dma_wait3A_94 : memref<65536xi32, #tpu.memory_space<vmem_shared>>)
    } else {
    }
    %eq3A_12 = arith.constant 1 : i32
    %eq3A_13 = arith.cmpi eq, %arg0, %eq3A_12 : i32
    %convert_element_type3A_14 = arith.extui %eq3A_13 : i1 to i32
    %cond3A_15 = arith.constant 0 : i32
    %cond3A_16 = arith.cmpi ne, %convert_element_type3A_14, %cond3A_15 : i32
    scf.if %cond3A_16 {
      %mul3A_24 = arith.constant 65536 : i32
      %mul3A_25 = arith.muli %arg1, %mul3A_24 : i32
      %dma_start3A = tpu.memref_slice %arg3[%mul3A_25] : memref<1048576xf32, #tpu.memory_space<hbm>> -> memref<16384xf32, #tpu.memory_space<hbm>>
      %dma_start3A_26 = tpu.memref_slice %arg3[%mul3A_25] : memref<1048576xf32, #tpu.memory_space<hbm>> -> memref<16384xf32, #tpu.memory_space<hbm>>
      tpu.enqueue_dma source(%dma_start3A_26 : memref<16384xf32, #tpu.memory_space<hbm>>) target(%arg8 : memref<16384xf32, #tpu.memory_space<vmem>>) target_semaphore(%arg16 : memref<!tpu.dma_semaphore, #tpu.memory_space<semaphore_mem>>)
      %mul3A_27 = arith.constant 65536 : i32
      %mul3A_28 = arith.muli %arg1, %mul3A_27 : i32
      %add3A_29 = arith.constant 16384 : i32
      %add3A_30 = arith.addi %mul3A_28, %add3A_29 : i32
      %dma_start3A_31 = tpu.memref_slice %arg3[%add3A_30] : memref<1048576xf32, #tpu.memory_space<hbm>> -> memref<16384xf32, #tpu.memory_space<hbm>>
      %dma_start3A_32 = tpu.memref_slice %arg3[%add3A_30] : memref<1048576xf32, #tpu.memory_space<hbm>> -> memref<16384xf32, #tpu.memory_space<hbm>>
      tpu.enqueue_dma source(%dma_start3A_32 : memref<16384xf32, #tpu.memory_space<hbm>>) target(%arg9 : memref<16384xf32, #tpu.memory_space<vmem>>) target_semaphore(%arg17 : memref<!tpu.dma_semaphore, #tpu.memory_space<semaphore_mem>>)
      %dma_wait3A = tpu.memref_slice %arg3[%mul3A_25] : memref<1048576xf32, #tpu.memory_space<hbm>> -> memref<16384xf32, #tpu.memory_space<hbm>>
      %dma_wait3A_33 = tpu.memref_slice %arg3[%mul3A_25] : memref<1048576xf32, #tpu.memory_space<hbm>> -> memref<16384xf32, #tpu.memory_space<hbm>>
      tpu.wait_dma2 semaphore(%arg16 : memref<!tpu.dma_semaphore, #tpu.memory_space<semaphore_mem>>) src(%dma_wait3A_33 : memref<16384xf32, #tpu.memory_space<hbm>>) dst(%arg8 : memref<16384xf32, #tpu.memory_space<vmem>>)
      %scan3A = arith.constant 0 : i32
      %scan3A_34 = arith.constant 0 : i32
      %scan3A_35 = arith.constant 128 : i32
      %scan3A_36 = arith.addi %scan3A_34, %scan3A_35 : i32
      %scan3A_37 = arith.constant 1 : i32
      %scan3A_38 = scf.for %scan3A_95 = %scan3A_34 to %scan3A_36 step %scan3A_37 iter_args(%scan3A_96 = %scan3A) -> (i32)  : i32 {
        %mul3A_97 = arith.constant 8 : i32
        %mul3A_98 = arith.muli %scan3A_95, %mul3A_97 : i32
        %add3A_99 = arith.constant 0 : i32
        %add3A_100 = arith.addi %mul3A_98, %add3A_99 : i32
        %mul3A_101 = arith.constant 16 : i32
        %mul3A_102 = arith.muli %add3A_100, %mul3A_101 : i32
        %get3A_103 = arith.index_cast %mul3A_102 : i32 to index
        %get3A_104 = tpu.vector_load %arg8[%get3A_103] {strides = array<i32>} : memref<16384xf32, #tpu.memory_space<vmem>>, vector<16xf32>,
        %get3A_105 = vector.shape_cast %get3A_104 : vector<16xf32> to vector<16xf32>
        %sub3A_106 = arith.subf %get3A_105, %get3A_1 : vector<16xf32>
        %mul3A_107 = arith.mulf %sub3A_106, %div3A_8 : vector<16xf32>
        %convert_element_type3A_108 = arith.fptosi %mul3A_107 : vector<16xf32> to vector<16xi32>
        %min3A = arith.constant 65535 : i32
        %min3A_109 = vector.broadcast %min3A : i32 to vector<16xi32>
        %min3A_110 = arith.minsi %convert_element_type3A_108, %min3A_109 : vector<16xi32>
        %swap3A = arith.index_cast %mul3A_102 : i32 to index
        %swap3A_111 = tpu.vector_load %arg10[%swap3A] {strides = array<i32>} : memref<16384xi32, #tpu.memory_space<vmem>>, vector<16xi32>,
        %swap3A_112 = vector.shape_cast %swap3A_111 : vector<16xi32> to vector<16xi32>
        %swap3A_113 = vector.shape_cast %min3A_110 : vector<16xi32> to vector<16xi32>
        tpu.vector_store %arg10[%swap3A], %swap3A_113 {strides = array<i32>} : memref<16384xi32, #tpu.memory_space<vmem>>, vector<16xi32>,
        %mul3A_114 = arith.constant 8 : i32
        %mul3A_115 = arith.muli %scan3A_95, %mul3A_114 : i32
        %add3A_116 = arith.constant 1 : i32
        %add3A_117 = arith.addi %mul3A_115, %add3A_116 : i32
        %mul3A_118 = arith.constant 16 : i32
        %mul3A_119 = arith.muli %add3A_117, %mul3A_118 : i32
        %get3A_120 = arith.index_cast %mul3A_119 : i32 to index
        %get3A_121 = tpu.vector_load %arg8[%get3A_120] {strides = array<i32>} : memref<16384xf32, #tpu.memory_space<vmem>>, vector<16xf32>,
        %get3A_122 = vector.shape_cast %get3A_121 : vector<16xf32> to vector<16xf32>
        %sub3A_123 = arith.subf %get3A_122, %get3A_1 : vector<16xf32>
        %mul3A_124 = arith.mulf %sub3A_123, %div3A_8 : vector<16xf32>
        %convert_element_type3A_125 = arith.fptosi %mul3A_124 : vector<16xf32> to vector<16xi32>
        %min3A_126 = arith.constant 65535 : i32
        %min3A_127 = vector.broadcast %min3A_126 : i32 to vector<16xi32>
        %min3A_128 = arith.minsi %convert_element_type3A_125, %min3A_127 : vector<16xi32>
        %swap3A_129 = arith.index_cast %mul3A_119 : i32 to index
        %swap3A_130 = tpu.vector_load %arg10[%swap3A_129] {strides = array<i32>} : memref<16384xi32, #tpu.memory_space<vmem>>, vector<16xi32>,
        %swap3A_131 = vector.shape_cast %swap3A_130 : vector<16xi32> to vector<16xi32>
        %swap3A_132 = vector.shape_cast %min3A_128 : vector<16xi32> to vector<16xi32>
        tpu.vector_store %arg10[%swap3A_129], %swap3A_132 {strides = array<i32>} : memref<16384xi32, #tpu.memory_space<vmem>>, vector<16xi32>,
        %mul3A_133 = arith.constant 8 : i32
        %mul3A_134 = arith.muli %scan3A_95, %mul3A_133 : i32
        %add3A_135 = arith.constant 2 : i32
        %add3A_136 = arith.addi %mul3A_134, %add3A_135 : i32
        %mul3A_137 = arith.constant 16 : i32
        %mul3A_138 = arith.muli %add3A_136, %mul3A_137 : i32
        %get3A_139 = arith.index_cast %mul3A_138 : i32 to index
        %get3A_140 = tpu.vector_load %arg8[%get3A_139] {strides = array<i32>} : memref<16384xf32, #tpu.memory_space<vmem>>, vector<16xf32>,
        %get3A_141 = vector.shape_cast %get3A_140 : vector<16xf32> to vector<16xf32>
        %sub3A_142 = arith.subf %get3A_141, %get3A_1 : vector<16xf32>
        %mul3A_143 = arith.mulf %sub3A_142, %div3A_8 : vector<16xf32>
        %convert_element_type3A_144 = arith.fptosi %mul3A_143 : vector<16xf32> to vector<16xi32>
        %min3A_145 = arith.constant 65535 : i32
        %min3A_146 = vector.broadcast %min3A_145 : i32 to vector<16xi32>
        %min3A_147 = arith.minsi %convert_element_type3A_144, %min3A_146 : vector<16xi32>
        %swap3A_148 = arith.index_cast %mul3A_138 : i32 to index
        %swap3A_149 = tpu.vector_load %arg10[%swap3A_148] {strides = array<i32>} : memref<16384xi32, #tpu.memory_space<vmem>>, vector<16xi32>,
        %swap3A_150 = vector.shape_cast %swap3A_149 : vector<16xi32> to vector<16xi32>
        %swap3A_151 = vector.shape_cast %min3A_147 : vector<16xi32> to vector<16xi32>
        tpu.vector_store %arg10[%swap3A_148], %swap3A_151 {strides = array<i32>} : memref<16384xi32, #tpu.memory_space<vmem>>, vector<16xi32>,
        %mul3A_152 = arith.constant 8 : i32
        %mul3A_153 = arith.muli %scan3A_95, %mul3A_152 : i32
        %add3A_154 = arith.constant 3 : i32
        %add3A_155 = arith.addi %mul3A_153, %add3A_154 : i32
        %mul3A_156 = arith.constant 16 : i32
        %mul3A_157 = arith.muli %add3A_155, %mul3A_156 : i32
        %get3A_158 = arith.index_cast %mul3A_157 : i32 to index
        %get3A_159 = tpu.vector_load %arg8[%get3A_158] {strides = array<i32>} : memref<16384xf32, #tpu.memory_space<vmem>>, vector<16xf32>,
        %get3A_160 = vector.shape_cast %get3A_159 : vector<16xf32> to vector<16xf32>
        %sub3A_161 = arith.subf %get3A_160, %get3A_1 : vector<16xf32>
        %mul3A_162 = arith.mulf %sub3A_161, %div3A_8 : vector<16xf32>
        %convert_element_type3A_163 = arith.fptosi %mul3A_162 : vector<16xf32> to vector<16xi32>
        %min3A_164 = arith.constant 65535 : i32
        %min3A_165 = vector.broadcast %min3A_164 : i32 to vector<16xi32>
        %min3A_166 = arith.minsi %convert_element_type3A_163, %min3A_165 : vector<16xi32>
        %swap3A_167 = arith.index_cast %mul3A_157 : i32 to index
        %swap3A_168 = tpu.vector_load %arg10[%swap3A_167] {strides = array<i32>} : memref<16384xi32, #tpu.memory_space<vmem>>, vector<16xi32>,
        %swap3A_169 = vector.shape_cast %swap3A_168 : vector<16xi32> to vector<16xi32>
        %swap3A_170 = vector.shape_cast %min3A_166 : vector<16xi32> to vector<16xi32>
        tpu.vector_store %arg10[%swap3A_167], %swap3A_170 {strides = array<i32>} : memref<16384xi32, #tpu.memory_space<vmem>>, vector<16xi32>,
        %mul3A_171 = arith.constant 8 : i32
        %mul3A_172 = arith.muli %scan3A_95, %mul3A_171 : i32
        %add3A_173 = arith.constant 4 : i32
        %add3A_174 = arith.addi %mul3A_172, %add3A_173 : i32
        %mul3A_175 = arith.constant 16 : i32
        %mul3A_176 = arith.muli %add3A_174, %mul3A_175 : i32
        %get3A_177 = arith.index_cast %mul3A_176 : i32 to index
        %get3A_178 = tpu.vector_load %arg8[%get3A_177] {strides = array<i32>} : memref<16384xf32, #tpu.memory_space<vmem>>, vector<16xf32>,
        %get3A_179 = vector.shape_cast %get3A_178 : vector<16xf32> to vector<16xf32>
        %sub3A_180 = arith.subf %get3A_179, %get3A_1 : vector<16xf32>
        %mul3A_181 = arith.mulf %sub3A_180, %div3A_8 : vector<16xf32>
        %convert_element_type3A_182 = arith.fptosi %mul3A_181 : vector<16xf32> to vector<16xi32>
        %min3A_183 = arith.constant 65535 : i32
        %min3A_184 = vector.broadcast %min3A_183 : i32 to vector<16xi32>
        %min3A_185 = arith.minsi %convert_element_type3A_182, %min3A_184 : vector<16xi32>
        %swap3A_186 = arith.index_cast %mul3A_176 : i32 to index
        %swap3A_187 = tpu.vector_load %arg10[%swap3A_186] {strides = array<i32>} : memref<16384xi32, #tpu.memory_space<vmem>>, vector<16xi32>,
        %swap3A_188 = vector.shape_cast %swap3A_187 : vector<16xi32> to vector<16xi32>
        %swap3A_189 = vector.shape_cast %min3A_185 : vector<16xi32> to vector<16xi32>
        tpu.vector_store %arg10[%swap3A_186], %swap3A_189 {strides = array<i32>} : memref<16384xi32, #tpu.memory_space<vmem>>, vector<16xi32>,
        %mul3A_190 = arith.constant 8 : i32
        %mul3A_191 = arith.muli %scan3A_95, %mul3A_190 : i32
        %add3A_192 = arith.constant 5 : i32
        %add3A_193 = arith.addi %mul3A_191, %add3A_192 : i32
        %mul3A_194 = arith.constant 16 : i32
        %mul3A_195 = arith.muli %add3A_193, %mul3A_194 : i32
        %get3A_196 = arith.index_cast %mul3A_195 : i32 to index
        %get3A_197 = tpu.vector_load %arg8[%get3A_196] {strides = array<i32>} : memref<16384xf32, #tpu.memory_space<vmem>>, vector<16xf32>,
        %get3A_198 = vector.shape_cast %get3A_197 : vector<16xf32> to vector<16xf32>
        %sub3A_199 = arith.subf %get3A_198, %get3A_1 : vector<16xf32>
        %mul3A_200 = arith.mulf %sub3A_199, %div3A_8 : vector<16xf32>
        %convert_element_type3A_201 = arith.fptosi %mul3A_200 : vector<16xf32> to vector<16xi32>
        %min3A_202 = arith.constant 65535 : i32
        %min3A_203 = vector.broadcast %min3A_202 : i32 to vector<16xi32>
        %min3A_204 = arith.minsi %convert_element_type3A_201, %min3A_203 : vector<16xi32>
        %swap3A_205 = arith.index_cast %mul3A_195 : i32 to index
        %swap3A_206 = tpu.vector_load %arg10[%swap3A_205] {strides = array<i32>} : memref<16384xi32, #tpu.memory_space<vmem>>, vector<16xi32>,
        %swap3A_207 = vector.shape_cast %swap3A_206 : vector<16xi32> to vector<16xi32>
        %swap3A_208 = vector.shape_cast %min3A_204 : vector<16xi32> to vector<16xi32>
        tpu.vector_store %arg10[%swap3A_205], %swap3A_208 {strides = array<i32>} : memref<16384xi32, #tpu.memory_space<vmem>>, vector<16xi32>,
        %mul3A_209 = arith.constant 8 : i32
        %mul3A_210 = arith.muli %scan3A_95, %mul3A_209 : i32
        %add3A_211 = arith.constant 6 : i32
        %add3A_212 = arith.addi %mul3A_210, %add3A_211 : i32
        %mul3A_213 = arith.constant 16 : i32
        %mul3A_214 = arith.muli %add3A_212, %mul3A_213 : i32
        %get3A_215 = arith.index_cast %mul3A_214 : i32 to index
        %get3A_216 = tpu.vector_load %arg8[%get3A_215] {strides = array<i32>} : memref<16384xf32, #tpu.memory_space<vmem>>, vector<16xf32>,
        %get3A_217 = vector.shape_cast %get3A_216 : vector<16xf32> to vector<16xf32>
        %sub3A_218 = arith.subf %get3A_217, %get3A_1 : vector<16xf32>
        %mul3A_219 = arith.mulf %sub3A_218, %div3A_8 : vector<16xf32>
        %convert_element_type3A_220 = arith.fptosi %mul3A_219 : vector<16xf32> to vector<16xi32>
        %min3A_221 = arith.constant 65535 : i32
        %min3A_222 = vector.broadcast %min3A_221 : i32 to vector<16xi32>
        %min3A_223 = arith.minsi %convert_element_type3A_220, %min3A_222 : vector<16xi32>
        %swap3A_224 = arith.index_cast %mul3A_214 : i32 to index
        %swap3A_225 = tpu.vector_load %arg10[%swap3A_224] {strides = array<i32>} : memref<16384xi32, #tpu.memory_space<vmem>>, vector<16xi32>,
        %swap3A_226 = vector.shape_cast %swap3A_225 : vector<16xi32> to vector<16xi32>
        %swap3A_227 = vector.shape_cast %min3A_223 : vector<16xi32> to vector<16xi32>
        tpu.vector_store %arg10[%swap3A_224], %swap3A_227 {strides = array<i32>} : memref<16384xi32, #tpu.memory_space<vmem>>, vector<16xi32>,
        %mul3A_228 = arith.constant 8 : i32
        %mul3A_229 = arith.muli %scan3A_95, %mul3A_228 : i32
        %add3A_230 = arith.constant 7 : i32
        %add3A_231 = arith.addi %mul3A_229, %add3A_230 : i32
        %mul3A_232 = arith.constant 16 : i32
        %mul3A_233 = arith.muli %add3A_231, %mul3A_232 : i32
        %get3A_234 = arith.index_cast %mul3A_233 : i32 to index
        %get3A_235 = tpu.vector_load %arg8[%get3A_234] {strides = array<i32>} : memref<16384xf32, #tpu.memory_space<vmem>>, vector<16xf32>,
        %get3A_236 = vector.shape_cast %get3A_235 : vector<16xf32> to vector<16xf32>
        %sub3A_237 = arith.subf %get3A_236, %get3A_1 : vector<16xf32>
        %mul3A_238 = arith.mulf %sub3A_237, %div3A_8 : vector<16xf32>
        %convert_element_type3A_239 = arith.fptosi %mul3A_238 : vector<16xf32> to vector<16xi32>
        %min3A_240 = arith.constant 65535 : i32
        %min3A_241 = vector.broadcast %min3A_240 : i32 to vector<16xi32>
        %min3A_242 = arith.minsi %convert_element_type3A_239, %min3A_241 : vector<16xi32>
        %swap3A_243 = arith.index_cast %mul3A_233 : i32 to index
        %swap3A_244 = tpu.vector_load %arg10[%swap3A_243] {strides = array<i32>} : memref<16384xi32, #tpu.memory_space<vmem>>, vector<16xi32>,
        %swap3A_245 = vector.shape_cast %swap3A_244 : vector<16xi32> to vector<16xi32>
        %swap3A_246 = vector.shape_cast %min3A_242 : vector<16xi32> to vector<16xi32>
        tpu.vector_store %arg10[%swap3A_243], %swap3A_246 {strides = array<i32>} : memref<16384xi32, #tpu.memory_space<vmem>>, vector<16xi32>,
        %scan3A_247 = arith.constant 0 : i32
        scf.yield %scan3A_247 : i32
      }
      %scan3A_39 = arith.constant 128 : i32
      tpu.wait_dma2 semaphore(%arg20 : memref<!tpu.dma_semaphore, #tpu.memory_space<semaphore_mem>>) src(%arg5 : memref<16384xi32, #tpu.memory_space<hbm>>) dst(%arg12 : memref<16384xi32, #tpu.memory_space<vmem>>)
      %dma_start3A_40 = arith.constant 0 : i32
      %dma_start3A_41 = tpu.memref_slice %arg15[%dma_start3A_40] : memref<65536xi32, #tpu.memory_space<vmem_shared>> -> memref<65536xi32, #tpu.memory_space<vmem_shared>>
      tpu.enqueue_indirect_dma source(%arg12 : memref<16384xi32, #tpu.memory_space<vmem>>) target(%dma_start3A_41 : memref<65536xi32, #tpu.memory_space<vmem_shared>>) offsets(%arg10 : memref<16384xi32, #tpu.memory_space<vmem>>) semaphore(%arg18 : memref<!tpu.dma_semaphore, #tpu.memory_space<semaphore_mem>>) {add = true}
      %mul3A_42 = arith.constant 65536 : i32
      %mul3A_43 = arith.muli %arg1, %mul3A_42 : i32
      %add3A_44 = arith.constant 32768 : i32
      %add3A_45 = arith.addi %mul3A_43, %add3A_44 : i32
      %dma_start3A_46 = tpu.memref_slice %arg3[%add3A_45] : memref<1048576xf32, #tpu.memory_space<hbm>> -> memref<16384xf32, #tpu.memory_space<hbm>>
      %dma_start3A_47 = tpu.memref_slice %arg3[%add3A_45] : memref<1048576xf32, #tpu.memory_space<hbm>> -> memref<16384xf32, #tpu.memory_space<hbm>>
      tpu.enqueue_dma source(%dma_start3A_47 : memref<16384xf32, #tpu.memory_space<hbm>>) target(%arg8 : memref<16384xf32, #tpu.memory_space<vmem>>) target_semaphore(%arg16 : memref<!tpu.dma_semaphore, #tpu.memory_space<semaphore_mem>>)
      %dma_wait3A_48 = tpu.memref_slice %arg3[%add3A_30] : memref<1048576xf32, #tpu.memory_space<hbm>> -> memref<16384xf32, #tpu.memory_space<hbm>>
      %dma_wait3A_49 = tpu.memref_slice %arg3[%add3A_30] : memref<1048576xf32, #tpu.memory_space<hbm>> -> memref<16384xf32, #tpu.memory_space<hbm>>
      tpu.wait_dma2 semaphore(%arg17 : memref<!tpu.dma_semaphore, #tpu.memory_space<semaphore_mem>>) src(%dma_wait3A_49 : memref<16384xf32, #tpu.memory_space<hbm>>) dst(%arg9 : memref<16384xf32, #tpu.memory_space<vmem>>)
      %scan3A_50 = arith.constant 0 : i32
      %scan3A_51 = arith.constant 0 : i32
      %scan3A_52 = arith.constant 128 : i32
      %scan3A_53 = arith.addi %scan3A_51, %scan3A_52 : i32
      %scan3A_54 = arith.constant 1 : i32
      %scan3A_55 = scf.for %scan3A_95 = %scan3A_51 to %scan3A_53 step %scan3A_54 iter_args(%scan3A_96 = %scan3A_50) -> (i32)  : i32 {
        %mul3A_97 = arith.constant 8 : i32
        %mul3A_98 = arith.muli %scan3A_95, %mul3A_97 : i32
        %add3A_99 = arith.constant 0 : i32
        %add3A_100 = arith.addi %mul3A_98, %add3A_99 : i32
        %mul3A_101 = arith.constant 16 : i32
        %mul3A_102 = arith.muli %add3A_100, %mul3A_101 : i32
        %get3A_103 = arith.index_cast %mul3A_102 : i32 to index
        %get3A_104 = tpu.vector_load %arg9[%get3A_103] {strides = array<i32>} : memref<16384xf32, #tpu.memory_space<vmem>>, vector<16xf32>,
        %get3A_105 = vector.shape_cast %get3A_104 : vector<16xf32> to vector<16xf32>
        %sub3A_106 = arith.subf %get3A_105, %get3A_1 : vector<16xf32>
        %mul3A_107 = arith.mulf %sub3A_106, %div3A_8 : vector<16xf32>
        %convert_element_type3A_108 = arith.fptosi %mul3A_107 : vector<16xf32> to vector<16xi32>
        %min3A = arith.constant 65535 : i32
        %min3A_109 = vector.broadcast %min3A : i32 to vector<16xi32>
        %min3A_110 = arith.minsi %convert_element_type3A_108, %min3A_109 : vector<16xi32>
        %swap3A = arith.index_cast %mul3A_102 : i32 to index
        %swap3A_111 = tpu.vector_load %arg11[%swap3A] {strides = array<i32>} : memref<16384xi32, #tpu.memory_space<vmem>>, vector<16xi32>,
        %swap3A_112 = vector.shape_cast %swap3A_111 : vector<16xi32> to vector<16xi32>
        %swap3A_113 = vector.shape_cast %min3A_110 : vector<16xi32> to vector<16xi32>
        tpu.vector_store %arg11[%swap3A], %swap3A_113 {strides = array<i32>} : memref<16384xi32, #tpu.memory_space<vmem>>, vector<16xi32>,
        %mul3A_114 = arith.constant 8 : i32
        %mul3A_115 = arith.muli %scan3A_95, %mul3A_114 : i32
        %add3A_116 = arith.constant 1 : i32
        %add3A_117 = arith.addi %mul3A_115, %add3A_116 : i32
        %mul3A_118 = arith.constant 16 : i32
        %mul3A_119 = arith.muli %add3A_117, %mul3A_118 : i32
        %get3A_120 = arith.index_cast %mul3A_119 : i32 to index
        %get3A_121 = tpu.vector_load %arg9[%get3A_120] {strides = array<i32>} : memref<16384xf32, #tpu.memory_space<vmem>>, vector<16xf32>,
        %get3A_122 = vector.shape_cast %get3A_121 : vector<16xf32> to vector<16xf32>
        %sub3A_123 = arith.subf %get3A_122, %get3A_1 : vector<16xf32>
        %mul3A_124 = arith.mulf %sub3A_123, %div3A_8 : vector<16xf32>
        %convert_element_type3A_125 = arith.fptosi %mul3A_124 : vector<16xf32> to vector<16xi32>
        %min3A_126 = arith.constant 65535 : i32
        %min3A_127 = vector.broadcast %min3A_126 : i32 to vector<16xi32>
        %min3A_128 = arith.minsi %convert_element_type3A_125, %min3A_127 : vector<16xi32>
        %swap3A_129 = arith.index_cast %mul3A_119 : i32 to index
        %swap3A_130 = tpu.vector_load %arg11[%swap3A_129] {strides = array<i32>} : memref<16384xi32, #tpu.memory_space<vmem>>, vector<16xi32>,
        %swap3A_131 = vector.shape_cast %swap3A_130 : vector<16xi32> to vector<16xi32>
        %swap3A_132 = vector.shape_cast %min3A_128 : vector<16xi32> to vector<16xi32>
        tpu.vector_store %arg11[%swap3A_129], %swap3A_132 {strides = array<i32>} : memref<16384xi32, #tpu.memory_space<vmem>>, vector<16xi32>,
        %mul3A_133 = arith.constant 8 : i32
        %mul3A_134 = arith.muli %scan3A_95, %mul3A_133 : i32
        %add3A_135 = arith.constant 2 : i32
        %add3A_136 = arith.addi %mul3A_134, %add3A_135 : i32
        %mul3A_137 = arith.constant 16 : i32
        %mul3A_138 = arith.muli %add3A_136, %mul3A_137 : i32
        %get3A_139 = arith.index_cast %mul3A_138 : i32 to index
        %get3A_140 = tpu.vector_load %arg9[%get3A_139] {strides = array<i32>} : memref<16384xf32, #tpu.memory_space<vmem>>, vector<16xf32>,
        %get3A_141 = vector.shape_cast %get3A_140 : vector<16xf32> to vector<16xf32>
        %sub3A_142 = arith.subf %get3A_141, %get3A_1 : vector<16xf32>
        %mul3A_143 = arith.mulf %sub3A_142, %div3A_8 : vector<16xf32>
        %convert_element_type3A_144 = arith.fptosi %mul3A_143 : vector<16xf32> to vector<16xi32>
        %min3A_145 = arith.constant 65535 : i32
        %min3A_146 = vector.broadcast %min3A_145 : i32 to vector<16xi32>
        %min3A_147 = arith.minsi %convert_element_type3A_144, %min3A_146 : vector<16xi32>
        %swap3A_148 = arith.index_cast %mul3A_138 : i32 to index
        %swap3A_149 = tpu.vector_load %arg11[%swap3A_148] {strides = array<i32>} : memref<16384xi32, #tpu.memory_space<vmem>>, vector<16xi32>,
        %swap3A_150 = vector.shape_cast %swap3A_149 : vector<16xi32> to vector<16xi32>
        %swap3A_151 = vector.shape_cast %min3A_147 : vector<16xi32> to vector<16xi32>
        tpu.vector_store %arg11[%swap3A_148], %swap3A_151 {strides = array<i32>} : memref<16384xi32, #tpu.memory_space<vmem>>, vector<16xi32>,
        %mul3A_152 = arith.constant 8 : i32
        %mul3A_153 = arith.muli %scan3A_95, %mul3A_152 : i32
        %add3A_154 = arith.constant 3 : i32
        %add3A_155 = arith.addi %mul3A_153, %add3A_154 : i32
        %mul3A_156 = arith.constant 16 : i32
        %mul3A_157 = arith.muli %add3A_155, %mul3A_156 : i32
        %get3A_158 = arith.index_cast %mul3A_157 : i32 to index
        %get3A_159 = tpu.vector_load %arg9[%get3A_158] {strides = array<i32>} : memref<16384xf32, #tpu.memory_space<vmem>>, vector<16xf32>,
        %get3A_160 = vector.shape_cast %get3A_159 : vector<16xf32> to vector<16xf32>
        %sub3A_161 = arith.subf %get3A_160, %get3A_1 : vector<16xf32>
        %mul3A_162 = arith.mulf %sub3A_161, %div3A_8 : vector<16xf32>
        %convert_element_type3A_163 = arith.fptosi %mul3A_162 : vector<16xf32> to vector<16xi32>
        %min3A_164 = arith.constant 65535 : i32
        %min3A_165 = vector.broadcast %min3A_164 : i32 to vector<16xi32>
        %min3A_166 = arith.minsi %convert_element_type3A_163, %min3A_165 : vector<16xi32>
        %swap3A_167 = arith.index_cast %mul3A_157 : i32 to index
        %swap3A_168 = tpu.vector_load %arg11[%swap3A_167] {strides = array<i32>} : memref<16384xi32, #tpu.memory_space<vmem>>, vector<16xi32>,
        %swap3A_169 = vector.shape_cast %swap3A_168 : vector<16xi32> to vector<16xi32>
        %swap3A_170 = vector.shape_cast %min3A_166 : vector<16xi32> to vector<16xi32>
        tpu.vector_store %arg11[%swap3A_167], %swap3A_170 {strides = array<i32>} : memref<16384xi32, #tpu.memory_space<vmem>>, vector<16xi32>,
        %mul3A_171 = arith.constant 8 : i32
        %mul3A_172 = arith.muli %scan3A_95, %mul3A_171 : i32
        %add3A_173 = arith.constant 4 : i32
        %add3A_174 = arith.addi %mul3A_172, %add3A_173 : i32
        %mul3A_175 = arith.constant 16 : i32
        %mul3A_176 = arith.muli %add3A_174, %mul3A_175 : i32
        %get3A_177 = arith.index_cast %mul3A_176 : i32 to index
        %get3A_178 = tpu.vector_load %arg9[%get3A_177] {strides = array<i32>} : memref<16384xf32, #tpu.memory_space<vmem>>, vector<16xf32>,
        %get3A_179 = vector.shape_cast %get3A_178 : vector<16xf32> to vector<16xf32>
        %sub3A_180 = arith.subf %get3A_179, %get3A_1 : vector<16xf32>
        %mul3A_181 = arith.mulf %sub3A_180, %div3A_8 : vector<16xf32>
        %convert_element_type3A_182 = arith.fptosi %mul3A_181 : vector<16xf32> to vector<16xi32>
        %min3A_183 = arith.constant 65535 : i32
        %min3A_184 = vector.broadcast %min3A_183 : i32 to vector<16xi32>
        %min3A_185 = arith.minsi %convert_element_type3A_182, %min3A_184 : vector<16xi32>
        %swap3A_186 = arith.index_cast %mul3A_176 : i32 to index
        %swap3A_187 = tpu.vector_load %arg11[%swap3A_186] {strides = array<i32>} : memref<16384xi32, #tpu.memory_space<vmem>>, vector<16xi32>,
        %swap3A_188 = vector.shape_cast %swap3A_187 : vector<16xi32> to vector<16xi32>
        %swap3A_189 = vector.shape_cast %min3A_185 : vector<16xi32> to vector<16xi32>
        tpu.vector_store %arg11[%swap3A_186], %swap3A_189 {strides = array<i32>} : memref<16384xi32, #tpu.memory_space<vmem>>, vector<16xi32>,
        %mul3A_190 = arith.constant 8 : i32
        %mul3A_191 = arith.muli %scan3A_95, %mul3A_190 : i32
        %add3A_192 = arith.constant 5 : i32
        %add3A_193 = arith.addi %mul3A_191, %add3A_192 : i32
        %mul3A_194 = arith.constant 16 : i32
        %mul3A_195 = arith.muli %add3A_193, %mul3A_194 : i32
        %get3A_196 = arith.index_cast %mul3A_195 : i32 to index
        %get3A_197 = tpu.vector_load %arg9[%get3A_196] {strides = array<i32>} : memref<16384xf32, #tpu.memory_space<vmem>>, vector<16xf32>,
        %get3A_198 = vector.shape_cast %get3A_197 : vector<16xf32> to vector<16xf32>
        %sub3A_199 = arith.subf %get3A_198, %get3A_1 : vector<16xf32>
        %mul3A_200 = arith.mulf %sub3A_199, %div3A_8 : vector<16xf32>
        %convert_element_type3A_201 = arith.fptosi %mul3A_200 : vector<16xf32> to vector<16xi32>
        %min3A_202 = arith.constant 65535 : i32
        %min3A_203 = vector.broadcast %min3A_202 : i32 to vector<16xi32>
        %min3A_204 = arith.minsi %convert_element_type3A_201, %min3A_203 : vector<16xi32>
        %swap3A_205 = arith.index_cast %mul3A_195 : i32 to index
        %swap3A_206 = tpu.vector_load %arg11[%swap3A_205] {strides = array<i32>} : memref<16384xi32, #tpu.memory_space<vmem>>, vector<16xi32>,
        %swap3A_207 = vector.shape_cast %swap3A_206 : vector<16xi32> to vector<16xi32>
        %swap3A_208 = vector.shape_cast %min3A_204 : vector<16xi32> to vector<16xi32>
        tpu.vector_store %arg11[%swap3A_205], %swap3A_208 {strides = array<i32>} : memref<16384xi32, #tpu.memory_space<vmem>>, vector<16xi32>,
        %mul3A_209 = arith.constant 8 : i32
        %mul3A_210 = arith.muli %scan3A_95, %mul3A_209 : i32
        %add3A_211 = arith.constant 6 : i32
        %add3A_212 = arith.addi %mul3A_210, %add3A_211 : i32
        %mul3A_213 = arith.constant 16 : i32
        %mul3A_214 = arith.muli %add3A_212, %mul3A_213 : i32
        %get3A_215 = arith.index_cast %mul3A_214 : i32 to index
        %get3A_216 = tpu.vector_load %arg9[%get3A_215] {strides = array<i32>} : memref<16384xf32, #tpu.memory_space<vmem>>, vector<16xf32>,
        %get3A_217 = vector.shape_cast %get3A_216 : vector<16xf32> to vector<16xf32>
        %sub3A_218 = arith.subf %get3A_217, %get3A_1 : vector<16xf32>
        %mul3A_219 = arith.mulf %sub3A_218, %div3A_8 : vector<16xf32>
        %convert_element_type3A_220 = arith.fptosi %mul3A_219 : vector<16xf32> to vector<16xi32>
        %min3A_221 = arith.constant 65535 : i32
        %min3A_222 = vector.broadcast %min3A_221 : i32 to vector<16xi32>
        %min3A_223 = arith.minsi %convert_element_type3A_220, %min3A_222 : vector<16xi32>
        %swap3A_224 = arith.index_cast %mul3A_214 : i32 to index
        %swap3A_225 = tpu.vector_load %arg11[%swap3A_224] {strides = array<i32>} : memref<16384xi32, #tpu.memory_space<vmem>>, vector<16xi32>,
        %swap3A_226 = vector.shape_cast %swap3A_225 : vector<16xi32> to vector<16xi32>
        %swap3A_227 = vector.shape_cast %min3A_223 : vector<16xi32> to vector<16xi32>
        tpu.vector_store %arg11[%swap3A_224], %swap3A_227 {strides = array<i32>} : memref<16384xi32, #tpu.memory_space<vmem>>, vector<16xi32>,
        %mul3A_228 = arith.constant 8 : i32
        %mul3A_229 = arith.muli %scan3A_95, %mul3A_228 : i32
        %add3A_230 = arith.constant 7 : i32
        %add3A_231 = arith.addi %mul3A_229, %add3A_230 : i32
        %mul3A_232 = arith.constant 16 : i32
        %mul3A_233 = arith.muli %add3A_231, %mul3A_232 : i32
        %get3A_234 = arith.index_cast %mul3A_233 : i32 to index
        %get3A_235 = tpu.vector_load %arg9[%get3A_234] {strides = array<i32>} : memref<16384xf32, #tpu.memory_space<vmem>>, vector<16xf32>,
        %get3A_236 = vector.shape_cast %get3A_235 : vector<16xf32> to vector<16xf32>
        %sub3A_237 = arith.subf %get3A_236, %get3A_1 : vector<16xf32>
        %mul3A_238 = arith.mulf %sub3A_237, %div3A_8 : vector<16xf32>
        %convert_element_type3A_239 = arith.fptosi %mul3A_238 : vector<16xf32> to vector<16xi32>
        %min3A_240 = arith.constant 65535 : i32
        %min3A_241 = vector.broadcast %min3A_240 : i32 to vector<16xi32>
        %min3A_242 = arith.minsi %convert_element_type3A_239, %min3A_241 : vector<16xi32>
        %swap3A_243 = arith.index_cast %mul3A_233 : i32 to index
        %swap3A_244 = tpu.vector_load %arg11[%swap3A_243] {strides = array<i32>} : memref<16384xi32, #tpu.memory_space<vmem>>, vector<16xi32>,
        %swap3A_245 = vector.shape_cast %swap3A_244 : vector<16xi32> to vector<16xi32>
        %swap3A_246 = vector.shape_cast %min3A_242 : vector<16xi32> to vector<16xi32>
        tpu.vector_store %arg11[%swap3A_243], %swap3A_246 {strides = array<i32>} : memref<16384xi32, #tpu.memory_space<vmem>>, vector<16xi32>,
        %scan3A_247 = arith.constant 0 : i32
        scf.yield %scan3A_247 : i32
      }
      %scan3A_56 = arith.constant 128 : i32
      %dma_start3A_57 = arith.constant 0 : i32
      %dma_start3A_58 = tpu.memref_slice %arg15[%dma_start3A_57] : memref<65536xi32, #tpu.memory_space<vmem_shared>> -> memref<65536xi32, #tpu.memory_space<vmem_shared>>
      tpu.enqueue_indirect_dma source(%arg12 : memref<16384xi32, #tpu.memory_space<vmem>>) target(%dma_start3A_58 : memref<65536xi32, #tpu.memory_space<vmem_shared>>) offsets(%arg11 : memref<16384xi32, #tpu.memory_space<vmem>>) semaphore(%arg19 : memref<!tpu.dma_semaphore, #tpu.memory_space<semaphore_mem>>) {add = true}
      %mul3A_59 = arith.constant 65536 : i32
      %mul3A_60 = arith.muli %arg1, %mul3A_59 : i32
      %add3A_61 = arith.constant 49152 : i32
      %add3A_62 = arith.addi %mul3A_60, %add3A_61 : i32
      %dma_start3A_63 = tpu.memref_slice %arg3[%add3A_62] : memref<1048576xf32, #tpu.memory_space<hbm>> -> memref<16384xf32, #tpu.memory_space<hbm>>
      %dma_start3A_64 = tpu.memref_slice %arg3[%add3A_62] : memref<1048576xf32, #tpu.memory_space<hbm>> -> memref<16384xf32, #tpu.memory_space<hbm>>
      tpu.enqueue_dma source(%dma_start3A_64 : memref<16384xf32, #tpu.memory_space<hbm>>) target(%arg9 : memref<16384xf32, #tpu.memory_space<vmem>>) target_semaphore(%arg17 : memref<!tpu.dma_semaphore, #tpu.memory_space<semaphore_mem>>)
      %dma_wait3A_65 = tpu.memref_slice %arg3[%add3A_45] : memref<1048576xf32, #tpu.memory_space<hbm>> -> memref<16384xf32, #tpu.memory_space<hbm>>
      %dma_wait3A_66 = tpu.memref_slice %arg3[%add3A_45] : memref<1048576xf32, #tpu.memory_space<hbm>> -> memref<16384xf32, #tpu.memory_space<hbm>>
      tpu.wait_dma2 semaphore(%arg16 : memref<!tpu.dma_semaphore, #tpu.memory_space<semaphore_mem>>) src(%dma_wait3A_66 : memref<16384xf32, #tpu.memory_space<hbm>>) dst(%arg8 : memref<16384xf32, #tpu.memory_space<vmem>>)
      %dma_wait3A_67 = arith.constant 0 : i32
      %dma_wait3A_68 = tpu.memref_slice %arg15[%dma_wait3A_67] : memref<65536xi32, #tpu.memory_space<vmem_shared>> -> memref<65536xi32, #tpu.memory_space<vmem_shared>>
      tpu.wait_indirect_dma semaphore(%arg18 : memref<!tpu.dma_semaphore, #tpu.memory_space<semaphore_mem>>) src(%arg12 : memref<16384xi32, #tpu.memory_space<vmem>>) dst(%dma_wait3A_68 : memref<65536xi32, #tpu.memory_space<vmem_shared>>)
      %scan3A_69 = arith.constant 0 : i32
      %scan3A_70 = arith.constant 0 : i32
      %scan3A_71 = arith.constant 128 : i32
      %scan3A_72 = arith.addi %scan3A_70, %scan3A_71 : i32
      %scan3A_73 = arith.constant 1 : i32
      %scan3A_74 = scf.for %scan3A_95 = %scan3A_70 to %scan3A_72 step %scan3A_73 iter_args(%scan3A_96 = %scan3A_69) -> (i32)  : i32 {
        %mul3A_97 = arith.constant 8 : i32
        %mul3A_98 = arith.muli %scan3A_95, %mul3A_97 : i32
        %add3A_99 = arith.constant 0 : i32
        %add3A_100 = arith.addi %mul3A_98, %add3A_99 : i32
        %mul3A_101 = arith.constant 16 : i32
        %mul3A_102 = arith.muli %add3A_100, %mul3A_101 : i32
        %get3A_103 = arith.index_cast %mul3A_102 : i32 to index
        %get3A_104 = tpu.vector_load %arg8[%get3A_103] {strides = array<i32>} : memref<16384xf32, #tpu.memory_space<vmem>>, vector<16xf32>,
        %get3A_105 = vector.shape_cast %get3A_104 : vector<16xf32> to vector<16xf32>
        %sub3A_106 = arith.subf %get3A_105, %get3A_1 : vector<16xf32>
        %mul3A_107 = arith.mulf %sub3A_106, %div3A_8 : vector<16xf32>
        %convert_element_type3A_108 = arith.fptosi %mul3A_107 : vector<16xf32> to vector<16xi32>
        %min3A = arith.constant 65535 : i32
        %min3A_109 = vector.broadcast %min3A : i32 to vector<16xi32>
        %min3A_110 = arith.minsi %convert_element_type3A_108, %min3A_109 : vector<16xi32>
        %swap3A = arith.index_cast %mul3A_102 : i32 to index
        %swap3A_111 = tpu.vector_load %arg10[%swap3A] {strides = array<i32>} : memref<16384xi32, #tpu.memory_space<vmem>>, vector<16xi32>,
        %swap3A_112 = vector.shape_cast %swap3A_111 : vector<16xi32> to vector<16xi32>
        %swap3A_113 = vector.shape_cast %min3A_110 : vector<16xi32> to vector<16xi32>
        tpu.vector_store %arg10[%swap3A], %swap3A_113 {strides = array<i32>} : memref<16384xi32, #tpu.memory_space<vmem>>, vector<16xi32>,
        %mul3A_114 = arith.constant 8 : i32
        %mul3A_115 = arith.muli %scan3A_95, %mul3A_114 : i32
        %add3A_116 = arith.constant 1 : i32
        %add3A_117 = arith.addi %mul3A_115, %add3A_116 : i32
        %mul3A_118 = arith.constant 16 : i32
        %mul3A_119 = arith.muli %add3A_117, %mul3A_118 : i32
        %get3A_120 = arith.index_cast %mul3A_119 : i32 to index
        %get3A_121 = tpu.vector_load %arg8[%get3A_120] {strides = array<i32>} : memref<16384xf32, #tpu.memory_space<vmem>>, vector<16xf32>,
        %get3A_122 = vector.shape_cast %get3A_121 : vector<16xf32> to vector<16xf32>
        %sub3A_123 = arith.subf %get3A_122, %get3A_1 : vector<16xf32>
        %mul3A_124 = arith.mulf %sub3A_123, %div3A_8 : vector<16xf32>
        %convert_element_type3A_125 = arith.fptosi %mul3A_124 : vector<16xf32> to vector<16xi32>
        %min3A_126 = arith.constant 65535 : i32
        %min3A_127 = vector.broadcast %min3A_126 : i32 to vector<16xi32>
        %min3A_128 = arith.minsi %convert_element_type3A_125, %min3A_127 : vector<16xi32>
        %swap3A_129 = arith.index_cast %mul3A_119 : i32 to index
        %swap3A_130 = tpu.vector_load %arg10[%swap3A_129] {strides = array<i32>} : memref<16384xi32, #tpu.memory_space<vmem>>, vector<16xi32>,
        %swap3A_131 = vector.shape_cast %swap3A_130 : vector<16xi32> to vector<16xi32>
        %swap3A_132 = vector.shape_cast %min3A_128 : vector<16xi32> to vector<16xi32>
        tpu.vector_store %arg10[%swap3A_129], %swap3A_132 {strides = array<i32>} : memref<16384xi32, #tpu.memory_space<vmem>>, vector<16xi32>,
        %mul3A_133 = arith.constant 8 : i32
        %mul3A_134 = arith.muli %scan3A_95, %mul3A_133 : i32
        %add3A_135 = arith.constant 2 : i32
        %add3A_136 = arith.addi %mul3A_134, %add3A_135 : i32
        %mul3A_137 = arith.constant 16 : i32
        %mul3A_138 = arith.muli %add3A_136, %mul3A_137 : i32
        %get3A_139 = arith.index_cast %mul3A_138 : i32 to index
        %get3A_140 = tpu.vector_load %arg8[%get3A_139] {strides = array<i32>} : memref<16384xf32, #tpu.memory_space<vmem>>, vector<16xf32>,
        %get3A_141 = vector.shape_cast %get3A_140 : vector<16xf32> to vector<16xf32>
        %sub3A_142 = arith.subf %get3A_141, %get3A_1 : vector<16xf32>
        %mul3A_143 = arith.mulf %sub3A_142, %div3A_8 : vector<16xf32>
        %convert_element_type3A_144 = arith.fptosi %mul3A_143 : vector<16xf32> to vector<16xi32>
        %min3A_145 = arith.constant 65535 : i32
        %min3A_146 = vector.broadcast %min3A_145 : i32 to vector<16xi32>
        %min3A_147 = arith.minsi %convert_element_type3A_144, %min3A_146 : vector<16xi32>
        %swap3A_148 = arith.index_cast %mul3A_138 : i32 to index
        %swap3A_149 = tpu.vector_load %arg10[%swap3A_148] {strides = array<i32>} : memref<16384xi32, #tpu.memory_space<vmem>>, vector<16xi32>,
        %swap3A_150 = vector.shape_cast %swap3A_149 : vector<16xi32> to vector<16xi32>
        %swap3A_151 = vector.shape_cast %min3A_147 : vector<16xi32> to vector<16xi32>
        tpu.vector_store %arg10[%swap3A_148], %swap3A_151 {strides = array<i32>} : memref<16384xi32, #tpu.memory_space<vmem>>, vector<16xi32>,
        %mul3A_152 = arith.constant 8 : i32
        %mul3A_153 = arith.muli %scan3A_95, %mul3A_152 : i32
        %add3A_154 = arith.constant 3 : i32
        %add3A_155 = arith.addi %mul3A_153, %add3A_154 : i32
        %mul3A_156 = arith.constant 16 : i32
        %mul3A_157 = arith.muli %add3A_155, %mul3A_156 : i32
        %get3A_158 = arith.index_cast %mul3A_157 : i32 to index
        %get3A_159 = tpu.vector_load %arg8[%get3A_158] {strides = array<i32>} : memref<16384xf32, #tpu.memory_space<vmem>>, vector<16xf32>,
        %get3A_160 = vector.shape_cast %get3A_159 : vector<16xf32> to vector<16xf32>
        %sub3A_161 = arith.subf %get3A_160, %get3A_1 : vector<16xf32>
        %mul3A_162 = arith.mulf %sub3A_161, %div3A_8 : vector<16xf32>
        %convert_element_type3A_163 = arith.fptosi %mul3A_162 : vector<16xf32> to vector<16xi32>
        %min3A_164 = arith.constant 65535 : i32
        %min3A_165 = vector.broadcast %min3A_164 : i32 to vector<16xi32>
        %min3A_166 = arith.minsi %convert_element_type3A_163, %min3A_165 : vector<16xi32>
        %swap3A_167 = arith.index_cast %mul3A_157 : i32 to index
        %swap3A_168 = tpu.vector_load %arg10[%swap3A_167] {strides = array<i32>} : memref<16384xi32, #tpu.memory_space<vmem>>, vector<16xi32>,
        %swap3A_169 = vector.shape_cast %swap3A_168 : vector<16xi32> to vector<16xi32>
        %swap3A_170 = vector.shape_cast %min3A_166 : vector<16xi32> to vector<16xi32>
        tpu.vector_store %arg10[%swap3A_167], %swap3A_170 {strides = array<i32>} : memref<16384xi32, #tpu.memory_space<vmem>>, vector<16xi32>,
        %mul3A_171 = arith.constant 8 : i32
        %mul3A_172 = arith.muli %scan3A_95, %mul3A_171 : i32
        %add3A_173 = arith.constant 4 : i32
        %add3A_174 = arith.addi %mul3A_172, %add3A_173 : i32
        %mul3A_175 = arith.constant 16 : i32
        %mul3A_176 = arith.muli %add3A_174, %mul3A_175 : i32
        %get3A_177 = arith.index_cast %mul3A_176 : i32 to index
        %get3A_178 = tpu.vector_load %arg8[%get3A_177] {strides = array<i32>} : memref<16384xf32, #tpu.memory_space<vmem>>, vector<16xf32>,
        %get3A_179 = vector.shape_cast %get3A_178 : vector<16xf32> to vector<16xf32>
        %sub3A_180 = arith.subf %get3A_179, %get3A_1 : vector<16xf32>
        %mul3A_181 = arith.mulf %sub3A_180, %div3A_8 : vector<16xf32>
        %convert_element_type3A_182 = arith.fptosi %mul3A_181 : vector<16xf32> to vector<16xi32>
        %min3A_183 = arith.constant 65535 : i32
        %min3A_184 = vector.broadcast %min3A_183 : i32 to vector<16xi32>
        %min3A_185 = arith.minsi %convert_element_type3A_182, %min3A_184 : vector<16xi32>
        %swap3A_186 = arith.index_cast %mul3A_176 : i32 to index
        %swap3A_187 = tpu.vector_load %arg10[%swap3A_186] {strides = array<i32>} : memref<16384xi32, #tpu.memory_space<vmem>>, vector<16xi32>,
        %swap3A_188 = vector.shape_cast %swap3A_187 : vector<16xi32> to vector<16xi32>
        %swap3A_189 = vector.shape_cast %min3A_185 : vector<16xi32> to vector<16xi32>
        tpu.vector_store %arg10[%swap3A_186], %swap3A_189 {strides = array<i32>} : memref<16384xi32, #tpu.memory_space<vmem>>, vector<16xi32>,
        %mul3A_190 = arith.constant 8 : i32
        %mul3A_191 = arith.muli %scan3A_95, %mul3A_190 : i32
        %add3A_192 = arith.constant 5 : i32
        %add3A_193 = arith.addi %mul3A_191, %add3A_192 : i32
        %mul3A_194 = arith.constant 16 : i32
        %mul3A_195 = arith.muli %add3A_193, %mul3A_194 : i32
        %get3A_196 = arith.index_cast %mul3A_195 : i32 to index
        %get3A_197 = tpu.vector_load %arg8[%get3A_196] {strides = array<i32>} : memref<16384xf32, #tpu.memory_space<vmem>>, vector<16xf32>,
        %get3A_198 = vector.shape_cast %get3A_197 : vector<16xf32> to vector<16xf32>
        %sub3A_199 = arith.subf %get3A_198, %get3A_1 : vector<16xf32>
        %mul3A_200 = arith.mulf %sub3A_199, %div3A_8 : vector<16xf32>
        %convert_element_type3A_201 = arith.fptosi %mul3A_200 : vector<16xf32> to vector<16xi32>
        %min3A_202 = arith.constant 65535 : i32
        %min3A_203 = vector.broadcast %min3A_202 : i32 to vector<16xi32>
        %min3A_204 = arith.minsi %convert_element_type3A_201, %min3A_203 : vector<16xi32>
        %swap3A_205 = arith.index_cast %mul3A_195 : i32 to index
        %swap3A_206 = tpu.vector_load %arg10[%swap3A_205] {strides = array<i32>} : memref<16384xi32, #tpu.memory_space<vmem>>, vector<16xi32>,
        %swap3A_207 = vector.shape_cast %swap3A_206 : vector<16xi32> to vector<16xi32>
        %swap3A_208 = vector.shape_cast %min3A_204 : vector<16xi32> to vector<16xi32>
        tpu.vector_store %arg10[%swap3A_205], %swap3A_208 {strides = array<i32>} : memref<16384xi32, #tpu.memory_space<vmem>>, vector<16xi32>,
        %mul3A_209 = arith.constant 8 : i32
        %mul3A_210 = arith.muli %scan3A_95, %mul3A_209 : i32
        %add3A_211 = arith.constant 6 : i32
        %add3A_212 = arith.addi %mul3A_210, %add3A_211 : i32
        %mul3A_213 = arith.constant 16 : i32
        %mul3A_214 = arith.muli %add3A_212, %mul3A_213 : i32
        %get3A_215 = arith.index_cast %mul3A_214 : i32 to index
        %get3A_216 = tpu.vector_load %arg8[%get3A_215] {strides = array<i32>} : memref<16384xf32, #tpu.memory_space<vmem>>, vector<16xf32>,
        %get3A_217 = vector.shape_cast %get3A_216 : vector<16xf32> to vector<16xf32>
        %sub3A_218 = arith.subf %get3A_217, %get3A_1 : vector<16xf32>
        %mul3A_219 = arith.mulf %sub3A_218, %div3A_8 : vector<16xf32>
        %convert_element_type3A_220 = arith.fptosi %mul3A_219 : vector<16xf32> to vector<16xi32>
        %min3A_221 = arith.constant 65535 : i32
        %min3A_222 = vector.broadcast %min3A_221 : i32 to vector<16xi32>
        %min3A_223 = arith.minsi %convert_element_type3A_220, %min3A_222 : vector<16xi32>
        %swap3A_224 = arith.index_cast %mul3A_214 : i32 to index
        %swap3A_225 = tpu.vector_load %arg10[%swap3A_224] {strides = array<i32>} : memref<16384xi32, #tpu.memory_space<vmem>>, vector<16xi32>,
        %swap3A_226 = vector.shape_cast %swap3A_225 : vector<16xi32> to vector<16xi32>
        %swap3A_227 = vector.shape_cast %min3A_223 : vector<16xi32> to vector<16xi32>
        tpu.vector_store %arg10[%swap3A_224], %swap3A_227 {strides = array<i32>} : memref<16384xi32, #tpu.memory_space<vmem>>, vector<16xi32>,
        %mul3A_228 = arith.constant 8 : i32
        %mul3A_229 = arith.muli %scan3A_95, %mul3A_228 : i32
        %add3A_230 = arith.constant 7 : i32
        %add3A_231 = arith.addi %mul3A_229, %add3A_230 : i32
        %mul3A_232 = arith.constant 16 : i32
        %mul3A_233 = arith.muli %add3A_231, %mul3A_232 : i32
        %get3A_234 = arith.index_cast %mul3A_233 : i32 to index
        %get3A_235 = tpu.vector_load %arg8[%get3A_234] {strides = array<i32>} : memref<16384xf32, #tpu.memory_space<vmem>>, vector<16xf32>,
        %get3A_236 = vector.shape_cast %get3A_235 : vector<16xf32> to vector<16xf32>
        %sub3A_237 = arith.subf %get3A_236, %get3A_1 : vector<16xf32>
        %mul3A_238 = arith.mulf %sub3A_237, %div3A_8 : vector<16xf32>
        %convert_element_type3A_239 = arith.fptosi %mul3A_238 : vector<16xf32> to vector<16xi32>
        %min3A_240 = arith.constant 65535 : i32
        %min3A_241 = vector.broadcast %min3A_240 : i32 to vector<16xi32>
        %min3A_242 = arith.minsi %convert_element_type3A_239, %min3A_241 : vector<16xi32>
        %swap3A_243 = arith.index_cast %mul3A_233 : i32 to index
        %swap3A_244 = tpu.vector_load %arg10[%swap3A_243] {strides = array<i32>} : memref<16384xi32, #tpu.memory_space<vmem>>, vector<16xi32>,
        %swap3A_245 = vector.shape_cast %swap3A_244 : vector<16xi32> to vector<16xi32>
        %swap3A_246 = vector.shape_cast %min3A_242 : vector<16xi32> to vector<16xi32>
        tpu.vector_store %arg10[%swap3A_243], %swap3A_246 {strides = array<i32>} : memref<16384xi32, #tpu.memory_space<vmem>>, vector<16xi32>,
        %scan3A_247 = arith.constant 0 : i32
        scf.yield %scan3A_247 : i32
      }
      %scan3A_75 = arith.constant 128 : i32
      %dma_start3A_76 = arith.constant 0 : i32
      %dma_start3A_77 = tpu.memref_slice %arg15[%dma_start3A_76] : memref<65536xi32, #tpu.memory_space<vmem_shared>> -> memref<65536xi32, #tpu.memory_space<vmem_shared>>
      tpu.enqueue_indirect_dma source(%arg12 : memref<16384xi32, #tpu.memory_space<vmem>>) target(%dma_start3A_77 : memref<65536xi32, #tpu.memory_space<vmem_shared>>) offsets(%arg10 : memref<16384xi32, #tpu.memory_space<vmem>>) semaphore(%arg18 : memref<!tpu.dma_semaphore, #tpu.memory_space<semaphore_mem>>) {add = true}
      %dma_wait3A_78 = tpu.memref_slice %arg3[%add3A_62] : memref<1048576xf32, #tpu.memory_space<hbm>> -> memref<16384xf32, #tpu.memory_space<hbm>>
      %dma_wait3A_79 = tpu.memref_slice %arg3[%add3A_62] : memref<1048576xf32, #tpu.memory_space<hbm>> -> memref<16384xf32, #tpu.memory_space<hbm>>
      tpu.wait_dma2 semaphore(%arg17 : memref<!tpu.dma_semaphore, #tpu.memory_space<semaphore_mem>>) src(%dma_wait3A_79 : memref<16384xf32, #tpu.memory_space<hbm>>) dst(%arg9 : memref<16384xf32, #tpu.memory_space<vmem>>)
      %dma_wait3A_80 = arith.constant 0 : i32
      %dma_wait3A_81 = tpu.memref_slice %arg15[%dma_wait3A_80] : memref<65536xi32, #tpu.memory_space<vmem_shared>> -> memref<65536xi32, #tpu.memory_space<vmem_shared>>
      tpu.wait_indirect_dma semaphore(%arg19 : memref<!tpu.dma_semaphore, #tpu.memory_space<semaphore_mem>>) src(%arg12 : memref<16384xi32, #tpu.memory_space<vmem>>) dst(%dma_wait3A_81 : memref<65536xi32, #tpu.memory_space<vmem_shared>>)
      %scan3A_82 = arith.constant 0 : i32
      %scan3A_83 = arith.constant 0 : i32
      %scan3A_84 = arith.constant 128 : i32
      %scan3A_85 = arith.addi %scan3A_83, %scan3A_84 : i32
      %scan3A_86 = arith.constant 1 : i32
      %scan3A_87 = scf.for %scan3A_95 = %scan3A_83 to %scan3A_85 step %scan3A_86 iter_args(%scan3A_96 = %scan3A_82) -> (i32)  : i32 {
        %mul3A_97 = arith.constant 8 : i32
        %mul3A_98 = arith.muli %scan3A_95, %mul3A_97 : i32
        %add3A_99 = arith.constant 0 : i32
        %add3A_100 = arith.addi %mul3A_98, %add3A_99 : i32
        %mul3A_101 = arith.constant 16 : i32
        %mul3A_102 = arith.muli %add3A_100, %mul3A_101 : i32
        %get3A_103 = arith.index_cast %mul3A_102 : i32 to index
        %get3A_104 = tpu.vector_load %arg9[%get3A_103] {strides = array<i32>} : memref<16384xf32, #tpu.memory_space<vmem>>, vector<16xf32>,
        %get3A_105 = vector.shape_cast %get3A_104 : vector<16xf32> to vector<16xf32>
        %sub3A_106 = arith.subf %get3A_105, %get3A_1 : vector<16xf32>
        %mul3A_107 = arith.mulf %sub3A_106, %div3A_8 : vector<16xf32>
        %convert_element_type3A_108 = arith.fptosi %mul3A_107 : vector<16xf32> to vector<16xi32>
        %min3A = arith.constant 65535 : i32
        %min3A_109 = vector.broadcast %min3A : i32 to vector<16xi32>
        %min3A_110 = arith.minsi %convert_element_type3A_108, %min3A_109 : vector<16xi32>
        %swap3A = arith.index_cast %mul3A_102 : i32 to index
        %swap3A_111 = tpu.vector_load %arg11[%swap3A] {strides = array<i32>} : memref<16384xi32, #tpu.memory_space<vmem>>, vector<16xi32>,
        %swap3A_112 = vector.shape_cast %swap3A_111 : vector<16xi32> to vector<16xi32>
        %swap3A_113 = vector.shape_cast %min3A_110 : vector<16xi32> to vector<16xi32>
        tpu.vector_store %arg11[%swap3A], %swap3A_113 {strides = array<i32>} : memref<16384xi32, #tpu.memory_space<vmem>>, vector<16xi32>,
        %mul3A_114 = arith.constant 8 : i32
        %mul3A_115 = arith.muli %scan3A_95, %mul3A_114 : i32
        %add3A_116 = arith.constant 1 : i32
        %add3A_117 = arith.addi %mul3A_115, %add3A_116 : i32
        %mul3A_118 = arith.constant 16 : i32
        %mul3A_119 = arith.muli %add3A_117, %mul3A_118 : i32
        %get3A_120 = arith.index_cast %mul3A_119 : i32 to index
        %get3A_121 = tpu.vector_load %arg9[%get3A_120] {strides = array<i32>} : memref<16384xf32, #tpu.memory_space<vmem>>, vector<16xf32>,
        %get3A_122 = vector.shape_cast %get3A_121 : vector<16xf32> to vector<16xf32>
        %sub3A_123 = arith.subf %get3A_122, %get3A_1 : vector<16xf32>
        %mul3A_124 = arith.mulf %sub3A_123, %div3A_8 : vector<16xf32>
        %convert_element_type3A_125 = arith.fptosi %mul3A_124 : vector<16xf32> to vector<16xi32>
        %min3A_126 = arith.constant 65535 : i32
        %min3A_127 = vector.broadcast %min3A_126 : i32 to vector<16xi32>
        %min3A_128 = arith.minsi %convert_element_type3A_125, %min3A_127 : vector<16xi32>
        %swap3A_129 = arith.index_cast %mul3A_119 : i32 to index
        %swap3A_130 = tpu.vector_load %arg11[%swap3A_129] {strides = array<i32>} : memref<16384xi32, #tpu.memory_space<vmem>>, vector<16xi32>,
        %swap3A_131 = vector.shape_cast %swap3A_130 : vector<16xi32> to vector<16xi32>
        %swap3A_132 = vector.shape_cast %min3A_128 : vector<16xi32> to vector<16xi32>
        tpu.vector_store %arg11[%swap3A_129], %swap3A_132 {strides = array<i32>} : memref<16384xi32, #tpu.memory_space<vmem>>, vector<16xi32>,
        %mul3A_133 = arith.constant 8 : i32
        %mul3A_134 = arith.muli %scan3A_95, %mul3A_133 : i32
        %add3A_135 = arith.constant 2 : i32
        %add3A_136 = arith.addi %mul3A_134, %add3A_135 : i32
        %mul3A_137 = arith.constant 16 : i32
        %mul3A_138 = arith.muli %add3A_136, %mul3A_137 : i32
        %get3A_139 = arith.index_cast %mul3A_138 : i32 to index
        %get3A_140 = tpu.vector_load %arg9[%get3A_139] {strides = array<i32>} : memref<16384xf32, #tpu.memory_space<vmem>>, vector<16xf32>,
        %get3A_141 = vector.shape_cast %get3A_140 : vector<16xf32> to vector<16xf32>
        %sub3A_142 = arith.subf %get3A_141, %get3A_1 : vector<16xf32>
        %mul3A_143 = arith.mulf %sub3A_142, %div3A_8 : vector<16xf32>
        %convert_element_type3A_144 = arith.fptosi %mul3A_143 : vector<16xf32> to vector<16xi32>
        %min3A_145 = arith.constant 65535 : i32
        %min3A_146 = vector.broadcast %min3A_145 : i32 to vector<16xi32>
        %min3A_147 = arith.minsi %convert_element_type3A_144, %min3A_146 : vector<16xi32>
        %swap3A_148 = arith.index_cast %mul3A_138 : i32 to index
        %swap3A_149 = tpu.vector_load %arg11[%swap3A_148] {strides = array<i32>} : memref<16384xi32, #tpu.memory_space<vmem>>, vector<16xi32>,
        %swap3A_150 = vector.shape_cast %swap3A_149 : vector<16xi32> to vector<16xi32>
        %swap3A_151 = vector.shape_cast %min3A_147 : vector<16xi32> to vector<16xi32>
        tpu.vector_store %arg11[%swap3A_148], %swap3A_151 {strides = array<i32>} : memref<16384xi32, #tpu.memory_space<vmem>>, vector<16xi32>,
        %mul3A_152 = arith.constant 8 : i32
        %mul3A_153 = arith.muli %scan3A_95, %mul3A_152 : i32
        %add3A_154 = arith.constant 3 : i32
        %add3A_155 = arith.addi %mul3A_153, %add3A_154 : i32
        %mul3A_156 = arith.constant 16 : i32
        %mul3A_157 = arith.muli %add3A_155, %mul3A_156 : i32
        %get3A_158 = arith.index_cast %mul3A_157 : i32 to index
        %get3A_159 = tpu.vector_load %arg9[%get3A_158] {strides = array<i32>} : memref<16384xf32, #tpu.memory_space<vmem>>, vector<16xf32>,
        %get3A_160 = vector.shape_cast %get3A_159 : vector<16xf32> to vector<16xf32>
        %sub3A_161 = arith.subf %get3A_160, %get3A_1 : vector<16xf32>
        %mul3A_162 = arith.mulf %sub3A_161, %div3A_8 : vector<16xf32>
        %convert_element_type3A_163 = arith.fptosi %mul3A_162 : vector<16xf32> to vector<16xi32>
        %min3A_164 = arith.constant 65535 : i32
        %min3A_165 = vector.broadcast %min3A_164 : i32 to vector<16xi32>
        %min3A_166 = arith.minsi %convert_element_type3A_163, %min3A_165 : vector<16xi32>
        %swap3A_167 = arith.index_cast %mul3A_157 : i32 to index
        %swap3A_168 = tpu.vector_load %arg11[%swap3A_167] {strides = array<i32>} : memref<16384xi32, #tpu.memory_space<vmem>>, vector<16xi32>,
        %swap3A_169 = vector.shape_cast %swap3A_168 : vector<16xi32> to vector<16xi32>
        %swap3A_170 = vector.shape_cast %min3A_166 : vector<16xi32> to vector<16xi32>
        tpu.vector_store %arg11[%swap3A_167], %swap3A_170 {strides = array<i32>} : memref<16384xi32, #tpu.memory_space<vmem>>, vector<16xi32>,
        %mul3A_171 = arith.constant 8 : i32
        %mul3A_172 = arith.muli %scan3A_95, %mul3A_171 : i32
        %add3A_173 = arith.constant 4 : i32
        %add3A_174 = arith.addi %mul3A_172, %add3A_173 : i32
        %mul3A_175 = arith.constant 16 : i32
        %mul3A_176 = arith.muli %add3A_174, %mul3A_175 : i32
        %get3A_177 = arith.index_cast %mul3A_176 : i32 to index
        %get3A_178 = tpu.vector_load %arg9[%get3A_177] {strides = array<i32>} : memref<16384xf32, #tpu.memory_space<vmem>>, vector<16xf32>,
        %get3A_179 = vector.shape_cast %get3A_178 : vector<16xf32> to vector<16xf32>
        %sub3A_180 = arith.subf %get3A_179, %get3A_1 : vector<16xf32>
        %mul3A_181 = arith.mulf %sub3A_180, %div3A_8 : vector<16xf32>
        %convert_element_type3A_182 = arith.fptosi %mul3A_181 : vector<16xf32> to vector<16xi32>
        %min3A_183 = arith.constant 65535 : i32
        %min3A_184 = vector.broadcast %min3A_183 : i32 to vector<16xi32>
        %min3A_185 = arith.minsi %convert_element_type3A_182, %min3A_184 : vector<16xi32>
        %swap3A_186 = arith.index_cast %mul3A_176 : i32 to index
        %swap3A_187 = tpu.vector_load %arg11[%swap3A_186] {strides = array<i32>} : memref<16384xi32, #tpu.memory_space<vmem>>, vector<16xi32>,
        %swap3A_188 = vector.shape_cast %swap3A_187 : vector<16xi32> to vector<16xi32>
        %swap3A_189 = vector.shape_cast %min3A_185 : vector<16xi32> to vector<16xi32>
        tpu.vector_store %arg11[%swap3A_186], %swap3A_189 {strides = array<i32>} : memref<16384xi32, #tpu.memory_space<vmem>>, vector<16xi32>,
        %mul3A_190 = arith.constant 8 : i32
        %mul3A_191 = arith.muli %scan3A_95, %mul3A_190 : i32
        %add3A_192 = arith.constant 5 : i32
        %add3A_193 = arith.addi %mul3A_191, %add3A_192 : i32
        %mul3A_194 = arith.constant 16 : i32
        %mul3A_195 = arith.muli %add3A_193, %mul3A_194 : i32
        %get3A_196 = arith.index_cast %mul3A_195 : i32 to index
        %get3A_197 = tpu.vector_load %arg9[%get3A_196] {strides = array<i32>} : memref<16384xf32, #tpu.memory_space<vmem>>, vector<16xf32>,
        %get3A_198 = vector.shape_cast %get3A_197 : vector<16xf32> to vector<16xf32>
        %sub3A_199 = arith.subf %get3A_198, %get3A_1 : vector<16xf32>
        %mul3A_200 = arith.mulf %sub3A_199, %div3A_8 : vector<16xf32>
        %convert_element_type3A_201 = arith.fptosi %mul3A_200 : vector<16xf32> to vector<16xi32>
        %min3A_202 = arith.constant 65535 : i32
        %min3A_203 = vector.broadcast %min3A_202 : i32 to vector<16xi32>
        %min3A_204 = arith.minsi %convert_element_type3A_201, %min3A_203 : vector<16xi32>
        %swap3A_205 = arith.index_cast %mul3A_195 : i32 to index
        %swap3A_206 = tpu.vector_load %arg11[%swap3A_205] {strides = array<i32>} : memref<16384xi32, #tpu.memory_space<vmem>>, vector<16xi32>,
        %swap3A_207 = vector.shape_cast %swap3A_206 : vector<16xi32> to vector<16xi32>
        %swap3A_208 = vector.shape_cast %min3A_204 : vector<16xi32> to vector<16xi32>
        tpu.vector_store %arg11[%swap3A_205], %swap3A_208 {strides = array<i32>} : memref<16384xi32, #tpu.memory_space<vmem>>, vector<16xi32>,
        %mul3A_209 = arith.constant 8 : i32
        %mul3A_210 = arith.muli %scan3A_95, %mul3A_209 : i32
        %add3A_211 = arith.constant 6 : i32
        %add3A_212 = arith.addi %mul3A_210, %add3A_211 : i32
        %mul3A_213 = arith.constant 16 : i32
        %mul3A_214 = arith.muli %add3A_212, %mul3A_213 : i32
        %get3A_215 = arith.index_cast %mul3A_214 : i32 to index
        %get3A_216 = tpu.vector_load %arg9[%get3A_215] {strides = array<i32>} : memref<16384xf32, #tpu.memory_space<vmem>>, vector<16xf32>,
        %get3A_217 = vector.shape_cast %get3A_216 : vector<16xf32> to vector<16xf32>
        %sub3A_218 = arith.subf %get3A_217, %get3A_1 : vector<16xf32>
        %mul3A_219 = arith.mulf %sub3A_218, %div3A_8 : vector<16xf32>
        %convert_element_type3A_220 = arith.fptosi %mul3A_219 : vector<16xf32> to vector<16xi32>
        %min3A_221 = arith.constant 65535 : i32
        %min3A_222 = vector.broadcast %min3A_221 : i32 to vector<16xi32>
        %min3A_223 = arith.minsi %convert_element_type3A_220, %min3A_222 : vector<16xi32>
        %swap3A_224 = arith.index_cast %mul3A_214 : i32 to index
        %swap3A_225 = tpu.vector_load %arg11[%swap3A_224] {strides = array<i32>} : memref<16384xi32, #tpu.memory_space<vmem>>, vector<16xi32>,
        %swap3A_226 = vector.shape_cast %swap3A_225 : vector<16xi32> to vector<16xi32>
        %swap3A_227 = vector.shape_cast %min3A_223 : vector<16xi32> to vector<16xi32>
        tpu.vector_store %arg11[%swap3A_224], %swap3A_227 {strides = array<i32>} : memref<16384xi32, #tpu.memory_space<vmem>>, vector<16xi32>,
        %mul3A_228 = arith.constant 8 : i32
        %mul3A_229 = arith.muli %scan3A_95, %mul3A_228 : i32
        %add3A_230 = arith.constant 7 : i32
        %add3A_231 = arith.addi %mul3A_229, %add3A_230 : i32
        %mul3A_232 = arith.constant 16 : i32
        %mul3A_233 = arith.muli %add3A_231, %mul3A_232 : i32
        %get3A_234 = arith.index_cast %mul3A_233 : i32 to index
        %get3A_235 = tpu.vector_load %arg9[%get3A_234] {strides = array<i32>} : memref<16384xf32, #tpu.memory_space<vmem>>, vector<16xf32>,
        %get3A_236 = vector.shape_cast %get3A_235 : vector<16xf32> to vector<16xf32>
        %sub3A_237 = arith.subf %get3A_236, %get3A_1 : vector<16xf32>
        %mul3A_238 = arith.mulf %sub3A_237, %div3A_8 : vector<16xf32>
        %convert_element_type3A_239 = arith.fptosi %mul3A_238 : vector<16xf32> to vector<16xi32>
        %min3A_240 = arith.constant 65535 : i32
        %min3A_241 = vector.broadcast %min3A_240 : i32 to vector<16xi32>
        %min3A_242 = arith.minsi %convert_element_type3A_239, %min3A_241 : vector<16xi32>
        %swap3A_243 = arith.index_cast %mul3A_233 : i32 to index
        %swap3A_244 = tpu.vector_load %arg11[%swap3A_243] {strides = array<i32>} : memref<16384xi32, #tpu.memory_space<vmem>>, vector<16xi32>,
        %swap3A_245 = vector.shape_cast %swap3A_244 : vector<16xi32> to vector<16xi32>
        %swap3A_246 = vector.shape_cast %min3A_242 : vector<16xi32> to vector<16xi32>
        tpu.vector_store %arg11[%swap3A_243], %swap3A_246 {strides = array<i32>} : memref<16384xi32, #tpu.memory_space<vmem>>, vector<16xi32>,
        %scan3A_247 = arith.constant 0 : i32
        scf.yield %scan3A_247 : i32
      }
      %scan3A_88 = arith.constant 128 : i32
      %dma_start3A_89 = arith.constant 0 : i32
      %dma_start3A_90 = tpu.memref_slice %arg15[%dma_start3A_89] : memref<65536xi32, #tpu.memory_space<vmem_shared>> -> memref<65536xi32, #tpu.memory_space<vmem_shared>>
      tpu.enqueue_indirect_dma source(%arg12 : memref<16384xi32, #tpu.memory_space<vmem>>) target(%dma_start3A_90 : memref<65536xi32, #tpu.memory_space<vmem_shared>>) offsets(%arg11 : memref<16384xi32, #tpu.memory_space<vmem>>) semaphore(%arg19 : memref<!tpu.dma_semaphore, #tpu.memory_space<semaphore_mem>>) {add = true}
      %dma_wait3A_91 = arith.constant 0 : i32
      %dma_wait3A_92 = tpu.memref_slice %arg15[%dma_wait3A_91] : memref<65536xi32, #tpu.memory_space<vmem_shared>> -> memref<65536xi32, #tpu.memory_space<vmem_shared>>
      tpu.wait_indirect_dma semaphore(%arg18 : memref<!tpu.dma_semaphore, #tpu.memory_space<semaphore_mem>>) src(%arg12 : memref<16384xi32, #tpu.memory_space<vmem>>) dst(%dma_wait3A_92 : memref<65536xi32, #tpu.memory_space<vmem_shared>>)
      %dma_wait3A_93 = arith.constant 0 : i32
      %dma_wait3A_94 = tpu.memref_slice %arg15[%dma_wait3A_93] : memref<65536xi32, #tpu.memory_space<vmem_shared>> -> memref<65536xi32, #tpu.memory_space<vmem_shared>>
      tpu.wait_indirect_dma semaphore(%arg19 : memref<!tpu.dma_semaphore, #tpu.memory_space<semaphore_mem>>) src(%arg12 : memref<16384xi32, #tpu.memory_space<vmem>>) dst(%dma_wait3A_94 : memref<65536xi32, #tpu.memory_space<vmem_shared>>)
    } else {
    }
    %barrier3A_17 = arith.constant 0 : index
    tpu.barrier barrier_id(%barrier3A_17)
    %mul3A_18 = arith.constant 4096 : i32
    %mul3A_19 = arith.muli %arg1, %mul3A_18 : i32
    "tpu.region"() ({
      %run_scoped3A = tpu.sem_alloc : memref<!tpu.dma_semaphore, #tpu.memory_space<semaphore_mem>>
      %dma_start3A = tpu.memref_slice %arg15[%mul3A_19] : memref<65536xi32, #tpu.memory_space<vmem_shared>> -> memref<4096xi32, #tpu.memory_space<vmem_shared>>
      %dma_start3A_24 = tpu.memref_slice %arg15[%mul3A_19] : memref<65536xi32, #tpu.memory_space<vmem_shared>> -> memref<4096xi32, #tpu.memory_space<vmem_shared>>
      tpu.enqueue_dma source(%dma_start3A_24 : memref<4096xi32, #tpu.memory_space<vmem_shared>>) target(%arg13 : memref<4096xi32, #tpu.memory_space<vmem>>) target_semaphore(%run_scoped3A : memref<!tpu.dma_semaphore, #tpu.memory_space<semaphore_mem>>)
      %dma_wait3A = tpu.memref_slice %arg15[%mul3A_19] : memref<65536xi32, #tpu.memory_space<vmem_shared>> -> memref<4096xi32, #tpu.memory_space<vmem_shared>>
      %dma_wait3A_25 = tpu.memref_slice %arg15[%mul3A_19] : memref<65536xi32, #tpu.memory_space<vmem_shared>> -> memref<4096xi32, #tpu.memory_space<vmem_shared>>
      tpu.wait_dma2 semaphore(%run_scoped3A : memref<!tpu.dma_semaphore, #tpu.memory_space<semaphore_mem>>) src(%dma_wait3A_25 : memref<4096xi32, #tpu.memory_space<vmem_shared>>) dst(%arg13 : memref<4096xi32, #tpu.memory_space<vmem>>)
      tpu.yield
    }) : () -> ()
    %mul3A_20 = arith.constant 65536 : i32
    %mul3A_21 = arith.muli %arg0, %mul3A_20 : i32
    %mul3A_22 = arith.constant 4096 : i32
    %mul3A_23 = arith.muli %arg1, %mul3A_22 : i32
    %add3A = arith.addi %mul3A_21, %mul3A_23 : i32
    "tpu.region"() ({
      %run_scoped3A = tpu.sem_alloc : memref<!tpu.dma_semaphore, #tpu.memory_space<semaphore_mem>>
      %dma_start3A = tpu.memref_slice %arg7[%add3A] : memref<131072xi32, #tpu.memory_space<hbm>> -> memref<4096xi32, #tpu.memory_space<hbm>>
      %dma_start3A_24 = tpu.memref_slice %arg7[%add3A] : memref<131072xi32, #tpu.memory_space<hbm>> -> memref<4096xi32, #tpu.memory_space<hbm>>
      tpu.enqueue_dma source(%arg13 : memref<4096xi32, #tpu.memory_space<vmem>>) target(%dma_start3A_24 : memref<4096xi32, #tpu.memory_space<hbm>>) target_semaphore(%run_scoped3A : memref<!tpu.dma_semaphore, #tpu.memory_space<semaphore_mem>>)
      %dma_wait3A = tpu.memref_slice %arg7[%add3A] : memref<131072xi32, #tpu.memory_space<hbm>> -> memref<4096xi32, #tpu.memory_space<hbm>>
      %dma_wait3A_25 = tpu.memref_slice %arg7[%add3A] : memref<131072xi32, #tpu.memory_space<hbm>> -> memref<4096xi32, #tpu.memory_space<hbm>>
      tpu.wait_dma2 semaphore(%run_scoped3A : memref<!tpu.dma_semaphore, #tpu.memory_space<semaphore_mem>>) src(%arg13 : memref<4096xi32, #tpu.memory_space<vmem>>) dst(%dma_wait3A_25 : memref<4096xi32, #tpu.memory_space<hbm>>)
      tpu.yield
    }) : () -> ()
    return
  }
}

module attributes {stable_mosaic.version = 14 : i64} {
  func.func @_minmax_body(%arg0: i32, %arg1: memref<1024x128xf32, #tpu.memory_space<vmem>>, %arg2: memref<1024x128xf32, #tpu.memory_space<vmem>>, %arg3: memref<2x128xf32, #tpu.memory_space<vmem>>, %arg4: memref<1x128xf32, #tpu.memory_space<vmem>>, %arg5: memref<1x128xf32, #tpu.memory_space<vmem>>) attributes {dimension_semantics = [#tpu.dimension_semantics<arbitrary>], iteration_bounds = array<i64: 8>, scalar_prefetch = 0 : i64, scratch_operands = 2 : i64, tpu.core_type = #tpu.core_type<tc>, window_params = [{transform_indices = @transform_0, window_bounds = array<i64: 1024, 128>}, {transform_indices = @transform_1, window_bounds = array<i64: 1024, 128>}, {pipeline_mode = #tpu.pipeline_mode<synchronous>, transform_indices = @transform_2, window_bounds = array<i64: 2, 128>}]} {
    %get3A = arith.constant 0 : index
    %get3A_0 = arith.constant 0 : index
    %get3A_1 = vector.load %arg1[%get3A, %get3A_0] : memref<1024x128xf32, #tpu.memory_space<vmem>>, vector<1024x128xf32>
    %get3A_2 = arith.constant 0 : index
    %get3A_3 = arith.constant 0 : index
    %get3A_4 = vector.load %arg2[%get3A_2, %get3A_3] : memref<1024x128xf32, #tpu.memory_space<vmem>>, vector<1024x128xf32>
    %reduce_min3A = arith.constant dense<0x7F800000> : vector<128xf32>
    %reduce_min3A_5 = vector.multi_reduction <minimumf>, %get3A_1, %reduce_min3A [0] : vector<1024x128xf32> to vector<128xf32>
    %reduce_min3A_6 = arith.constant dense<0x7F800000> : vector<128xf32>
    %reduce_min3A_7 = vector.multi_reduction <minimumf>, %get3A_4, %reduce_min3A_6 [0] : vector<1024x128xf32> to vector<128xf32>
    %min3A = arith.minimumf %reduce_min3A_5, %reduce_min3A_7 : vector<128xf32>
    %broadcast_in_dim3A = vector.shape_cast %min3A : vector<128xf32> to vector<1x128xf32>
    %reduce_max3A = arith.constant dense<0xFF800000> : vector<128xf32>
    %reduce_max3A_8 = vector.multi_reduction <maximumf>, %get3A_1, %reduce_max3A [0] : vector<1024x128xf32> to vector<128xf32>
    %reduce_max3A_9 = arith.constant dense<0xFF800000> : vector<128xf32>
    %reduce_max3A_10 = vector.multi_reduction <maximumf>, %get3A_4, %reduce_max3A_9 [0] : vector<1024x128xf32> to vector<128xf32>
    %max3A = arith.maximumf %reduce_max3A_8, %reduce_max3A_10 : vector<128xf32>
    %broadcast_in_dim3A_11 = vector.shape_cast %max3A : vector<128xf32> to vector<1x128xf32>
    %eq3A = arith.constant 0 : i32
    %eq3A_12 = arith.cmpi eq, %arg0, %eq3A : i32
    %convert_element_type3A = arith.extui %eq3A_12 : i1 to i32
    %cond3A = arith.constant 0 : i32
    %cond3A_13 = arith.cmpi ne, %convert_element_type3A, %cond3A : i32
    scf.if %cond3A_13 {
      %swap3A = arith.constant 0 : index
      %swap3A_23 = arith.constant 0 : index
      %swap3A_24 = vector.load %arg4[%swap3A, %swap3A_23] : memref<1x128xf32, #tpu.memory_space<vmem>>, vector<1x128xf32>
      tpu.vector_store %arg4[%swap3A, %swap3A_23], %broadcast_in_dim3A {strides = array<i32>} : memref<1x128xf32, #tpu.memory_space<vmem>>, vector<1x128xf32>,
      %swap3A_25 = arith.constant 0 : index
      %swap3A_26 = arith.constant 0 : index
      %swap3A_27 = vector.load %arg5[%swap3A_25, %swap3A_26] : memref<1x128xf32, #tpu.memory_space<vmem>>, vector<1x128xf32>
      tpu.vector_store %arg5[%swap3A_25, %swap3A_26], %broadcast_in_dim3A_11 {strides = array<i32>} : memref<1x128xf32, #tpu.memory_space<vmem>>, vector<1x128xf32>,
    } else {
    }
    %gt3A = arith.constant 0 : i32
    %gt3A_14 = arith.cmpi sgt, %arg0, %gt3A : i32
    %convert_element_type3A_15 = arith.extui %gt3A_14 : i1 to i32
    %cond3A_16 = arith.constant 0 : i32
    %cond3A_17 = arith.cmpi ne, %convert_element_type3A_15, %cond3A_16 : i32
    scf.if %cond3A_17 {
      %get3A_23 = arith.constant 0 : index
      %get3A_24 = arith.constant 0 : index
      %get3A_25 = vector.load %arg4[%get3A_23, %get3A_24] : memref<1x128xf32, #tpu.memory_space<vmem>>, vector<1x128xf32>
      %min3A_26 = arith.minimumf %get3A_25, %broadcast_in_dim3A : vector<1x128xf32>
      %swap3A = arith.constant 0 : index
      %swap3A_27 = arith.constant 0 : index
      %swap3A_28 = vector.load %arg4[%swap3A, %swap3A_27] : memref<1x128xf32, #tpu.memory_space<vmem>>, vector<1x128xf32>
      tpu.vector_store %arg4[%swap3A, %swap3A_27], %min3A_26 {strides = array<i32>} : memref<1x128xf32, #tpu.memory_space<vmem>>, vector<1x128xf32>,
      %get3A_29 = arith.constant 0 : index
      %get3A_30 = arith.constant 0 : index
      %get3A_31 = vector.load %arg5[%get3A_29, %get3A_30] : memref<1x128xf32, #tpu.memory_space<vmem>>, vector<1x128xf32>
      %max3A_32 = arith.maximumf %get3A_31, %broadcast_in_dim3A_11 : vector<1x128xf32>
      %swap3A_33 = arith.constant 0 : index
      %swap3A_34 = arith.constant 0 : index
      %swap3A_35 = vector.load %arg5[%swap3A_33, %swap3A_34] : memref<1x128xf32, #tpu.memory_space<vmem>>, vector<1x128xf32>
      tpu.vector_store %arg5[%swap3A_33, %swap3A_34], %max3A_32 {strides = array<i32>} : memref<1x128xf32, #tpu.memory_space<vmem>>, vector<1x128xf32>,
    } else {
    }
    %eq3A_18 = arith.constant 7 : i32
    %eq3A_19 = arith.cmpi eq, %arg0, %eq3A_18 : i32
    %convert_element_type3A_20 = arith.extui %eq3A_19 : i1 to i32
    %cond3A_21 = arith.constant 0 : i32
    %cond3A_22 = arith.cmpi ne, %convert_element_type3A_20, %cond3A_21 : i32
    scf.if %cond3A_22 {
      %get3A_23 = arith.constant 0 : index
      %get3A_24 = arith.constant 0 : index
      %get3A_25 = vector.load %arg4[%get3A_23, %get3A_24] : memref<1x128xf32, #tpu.memory_space<vmem>>, vector<1x128xf32>
      %reduce_min3A_26 = vector.shape_cast %get3A_25 : vector<1x128xf32> to vector<1x1x128xf32>
      %reduce_min3A_27 = arith.constant dense<0x7F800000> : vector<1xf32>
      %reduce_min3A_28 = vector.multi_reduction <minimumf>, %reduce_min3A_26, %reduce_min3A_27 [1, 2] : vector<1x1x128xf32> to vector<1xf32>
      %reduce_min3A_29 = vector.shape_cast %reduce_min3A_28 : vector<1xf32> to vector<1x1x1xf32>
      %reduce_min3A_30 = vector.extract %reduce_min3A_29[0, 0, 0] : f32 from vector<1x1x1xf32>
      %get3A_31 = arith.constant 0 : index
      %get3A_32 = arith.constant 0 : index
      %get3A_33 = vector.load %arg5[%get3A_31, %get3A_32] : memref<1x128xf32, #tpu.memory_space<vmem>>, vector<1x128xf32>
      %reduce_max3A_34 = vector.shape_cast %get3A_33 : vector<1x128xf32> to vector<1x1x128xf32>
      %reduce_max3A_35 = arith.constant dense<0xFF800000> : vector<1xf32>
      %reduce_max3A_36 = vector.multi_reduction <maximumf>, %reduce_max3A_34, %reduce_max3A_35 [1, 2] : vector<1x1x128xf32> to vector<1xf32>
      %reduce_max3A_37 = vector.shape_cast %reduce_max3A_36 : vector<1xf32> to vector<1x1x1xf32>
      %reduce_max3A_38 = vector.extract %reduce_max3A_37[0, 0, 0] : f32 from vector<1x1x1xf32>
      %broadcast_in_dim3A_39 = vector.broadcast %reduce_min3A_30 : f32 to vector<1x128xf32>
      %broadcast_in_dim3A_40 = vector.broadcast %reduce_max3A_38 : f32 to vector<1x128xf32>
      %concatenate3A = tpu.concatenate %broadcast_in_dim3A_39, %broadcast_in_dim3A_40 in 0 : vector<1x128xf32>, vector<1x128xf32> -> vector<2x128xf32>
      %swap3A = arith.constant 0 : index
      %swap3A_41 = arith.constant 0 : index
      %swap3A_42 = vector.load %arg3[%swap3A, %swap3A_41] : memref<2x128xf32, #tpu.memory_space<vmem>>, vector<2x128xf32>
      tpu.vector_store %arg3[%swap3A, %swap3A_41], %concatenate3A {strides = array<i32>} : memref<2x128xf32, #tpu.memory_space<vmem>>, vector<2x128xf32>,
    } else {
    }
    return
  }
  func.func @transform_0(%arg0: i32) -> (i32, i32) {
    %c0_i32 = arith.constant 0 : i32
    %c0_i32_0 = arith.constant 0 : i32
    return %arg0, %c0_i32 : i32, i32
  }
  func.func @transform_1(%arg0: i32) -> (i32, i32) {
    %c0_i32 = arith.constant 0 : i32
    %c0_i32_0 = arith.constant 0 : i32
    return %arg0, %c0_i32 : i32, i32
  }
  func.func @transform_2(%arg0: i32) -> (i32, i32) {
    %c0_i32 = arith.constant 0 : i32
    %c0_i32_0 = arith.constant 0 : i32
    %c0_i32_1 = arith.constant 0 : i32
    return %c0_i32, %c0_i32_0 : i32, i32
  }
}

module attributes {stable_mosaic.version = 14 : i64} {
  func.func @_w1_body(%arg0: memref<512x128xi32, #tpu.memory_space<vmem>>, %arg1: memref<512x128xi32, #tpu.memory_space<vmem>>, %arg2: memref<2x128xf32, #tpu.memory_space<vmem>>, %arg3: memref<1x128xf32, #tpu.memory_space<vmem>>) attributes {dimension_semantics = [], scalar_prefetch = 0 : i64, scratch_operands = 0 : i64, tpu.core_type = #tpu.core_type<tc>} {
    %get3A = arith.constant 0 : index
    %get3A_0 = arith.constant 0 : index
    %get3A_1 = vector.load %arg0[%get3A, %get3A_0] : memref<512x128xi32, #tpu.memory_space<vmem>>, vector<512x128xi32>
    %convert_element_type3A = arith.sitofp %get3A_1 : vector<512x128xi32> to vector<512x128xf32>
    %get3A_2 = arith.constant 0 : index
    %get3A_3 = arith.constant 0 : index
    %get3A_4 = vector.load %arg1[%get3A_2, %get3A_3] : memref<512x128xi32, #tpu.memory_space<vmem>>, vector<512x128xi32>
    %convert_element_type3A_5 = arith.sitofp %get3A_4 : vector<512x128xi32> to vector<512x128xf32>
    %sub3A = arith.subf %convert_element_type3A, %convert_element_type3A_5 : vector<512x128xf32>
    %iota3A = tpu.iota {dimensions = array<i32: 0>} : vector<128x128xi32>
    %iota3A_6 = tpu.iota {dimensions = array<i32: 1>} : vector<128x128xi32>
    %le3A = arith.cmpi sle, %iota3A, %iota3A_6 : vector<128x128xi32>
    %convert_element_type3A_7 = arith.extui %le3A : vector<128x128xi1> to vector<128x128xi32>
    %convert_element_type3A_8 = arith.sitofp %convert_element_type3A_7 : vector<128x128xi32> to vector<128x128xf32>
    %dot_general3A = arith.constant dense<0.000000e+00> : vector<512x128xf32>
    %dot_general3A_9 = tpu.matmul %sub3A, %convert_element_type3A_8, %dot_general3A {dimension_numbers = #tpu.dot_dimension_numbers<[1], [0], [0], [1], [0, 0, 1, 1], [], []>, precision = #tpu.contract_precision<fp32>, transpose_lhs_hint = false} : vector<512x128xf32>, vector<128x128xf32>, vector<512x128xf32> -> vector<512x128xf32>
    %slice3A = vector.extract_strided_slice %dot_general3A_9 {offsets = [0, 127], sizes = [512, 1], strides = [1, 1]} : vector<512x128xf32> to vector<512x1xf32>
    %iota3A_10 = tpu.iota {dimensions = array<i32: 0>} : vector<512x512xi32>
    %iota3A_11 = tpu.iota {dimensions = array<i32: 1>} : vector<512x512xi32>
    %gt3A = arith.cmpi sgt, %iota3A_10, %iota3A_11 : vector<512x512xi32>
    %convert_element_type3A_12 = arith.extui %gt3A : vector<512x512xi1> to vector<512x512xi32>
    %convert_element_type3A_13 = arith.sitofp %convert_element_type3A_12 : vector<512x512xi32> to vector<512x512xf32>
    %dot_general3A_14 = arith.constant dense<0.000000e+00> : vector<512x1xf32>
    %dot_general3A_15 = tpu.matmul %convert_element_type3A_13, %slice3A, %dot_general3A_14 {dimension_numbers = #tpu.dot_dimension_numbers<[1], [0], [0], [1], [0, 0, 1, 1], [], []>, precision = #tpu.contract_precision<fp32>, transpose_lhs_hint = false} : vector<512x512xf32>, vector<512x1xf32>, vector<512x1xf32> -> vector<512x1xf32>
    %add3A = vector.broadcast %dot_general3A_15 : vector<512x1xf32> to vector<512x128xf32>
    %add3A_16 = arith.addf %dot_general3A_9, %add3A : vector<512x128xf32>
    %abs3A = math.absf %add3A_16 : vector<512x128xf32>
    %reduce_sum3A = vector.shape_cast %abs3A : vector<512x128xf32> to vector<1x512x128xf32>
    %reduce_sum3A_17 = arith.constant dense<0.000000e+00> : vector<1xf32>
    %reduce_sum3A_18 = vector.multi_reduction <add>, %reduce_sum3A, %reduce_sum3A_17 [1, 2] : vector<1x512x128xf32> to vector<1xf32>
    %reduce_sum3A_19 = vector.shape_cast %reduce_sum3A_18 : vector<1xf32> to vector<1x1x1xf32>
    %reduce_sum3A_20 = vector.extract %reduce_sum3A_19[0, 0, 0] : f32 from vector<1x1x1xf32>
    %get3A_21 = arith.constant 0 : index
    %get3A_22 = arith.constant 0 : index
    %get3A_23 = vector.load %arg2[%get3A_21, %get3A_22] : memref<2x128xf32, #tpu.memory_space<vmem>>, vector<2x128xf32>
    %slice3A_24 = vector.extract_strided_slice %get3A_23 {offsets = [1, 0], sizes = [1, 128], strides = [1, 1]} : vector<2x128xf32> to vector<1x128xf32>
    %reduce_max3A = vector.shape_cast %slice3A_24 : vector<1x128xf32> to vector<1x1x128xf32>
    %reduce_max3A_25 = arith.constant dense<0xFF800000> : vector<1xf32>
    %reduce_max3A_26 = vector.multi_reduction <maximumf>, %reduce_max3A, %reduce_max3A_25 [1, 2] : vector<1x1x128xf32> to vector<1xf32>
    %reduce_max3A_27 = vector.shape_cast %reduce_max3A_26 : vector<1xf32> to vector<1x1x1xf32>
    %reduce_max3A_28 = vector.extract %reduce_max3A_27[0, 0, 0] : f32 from vector<1x1x1xf32>
    %slice3A_29 = vector.extract_strided_slice %get3A_23 {offsets = [0, 0], sizes = [1, 128], strides = [1, 1]} : vector<2x128xf32> to vector<1x128xf32>
    %reduce_min3A = vector.shape_cast %slice3A_29 : vector<1x128xf32> to vector<1x1x128xf32>
    %reduce_min3A_30 = arith.constant dense<0x7F800000> : vector<1xf32>
    %reduce_min3A_31 = vector.multi_reduction <minimumf>, %reduce_min3A, %reduce_min3A_30 [1, 2] : vector<1x1x128xf32> to vector<1xf32>
    %reduce_min3A_32 = vector.shape_cast %reduce_min3A_31 : vector<1xf32> to vector<1x1x1xf32>
    %reduce_min3A_33 = vector.extract %reduce_min3A_32[0, 0, 0] : f32 from vector<1x1x1xf32>
    %sub3A_34 = arith.subf %reduce_max3A_28, %reduce_min3A_33 : f32
    %mul3A = arith.mulf %reduce_sum3A_20, %sub3A_34 : f32
    %div3A = arith.constant 6.553600e+04 : f32
    %div3A_35 = arith.divf %mul3A, %div3A : f32
    %div3A_36 = arith.constant 0x49800000 : f32
    %div3A_37 = arith.divf %div3A_35, %div3A_36 : f32
    %broadcast_in_dim3A = vector.broadcast %div3A_37 : f32 to vector<1x128xf32>
    %swap3A = arith.constant 0 : index
    %swap3A_38 = arith.constant 0 : index
    %swap3A_39 = vector.load %arg3[%swap3A, %swap3A_38] : memref<1x128xf32, #tpu.memory_space<vmem>>, vector<1x128xf32>
    tpu.vector_store %arg3[%swap3A, %swap3A_38], %broadcast_in_dim3A {strides = array<i32>} : memref<1x128xf32, #tpu.memory_space<vmem>>, vector<1x128xf32>,
    return
  }
}

</mosaic_0001>

<sc_bundles>
// kernel: kernel.5.cloned.1.call-start
scs
__scs_entry_jumppad:
0x0: {  	(pc) =	sbr.rel $0x88, $3  }
0x1: {  	(tag) =	ssettag $0x0;
	lr =	simm.s32 $0x1  }
0x2: {  	[smem:$0x3F9F] =	sst lr;
	_ =	strace $0xD0000000  }
0x3: {  	_ = 	snop  }
0x4: {  	_ = 	snop  }
0x5: {  	_ = 	snop  }
0x6: {  	_ = 	snop  }
0x7: {  	_ = 	snop  }
__scs_overlays_trampoline_lowered:
0x8: {  	[smem:$0x3FAE] =	sst s0  }
0x9: {  	[smem:$0x3FAF] =	sst s1  }
0xa: {  	[smem:$0x3FB0] =	sst s2  }
0xb: {  	[smem:$0x3FB1] =	sst s3  }
0xc: {  	[smem:$0x3FB2] =	sst s4  }
0xd: {  	[smem:$0x3FB3] =	sst s5  }
0xe: {  	[smem:$0x3FB4] =	sst s6  }
0xf: {  	[smem:$0x3FB5] =	sst s7  }
0x10: {  	[smem:$0x3FB6] =	sst s8  }
0x11: {  	[smem:$0x3FB7] =	sst s9;
	s0 =	simm.s32 @!p0 $0x0  }
0x12: {  	s1 =	sld [smem:$0x3F9D];
	s0 =	simm.s32 @p0 $0x1  }
0x13: {  	[smem:$0x3FB8] =	sst s0;
	s0 =	simm.s32 @!p1 $0x0  }
0x14: {  	s2 =	sld [smem:$0x3F9C];
	s0 =	simm.s32 @p1 $0x1  }
0x15: {  	[smem:$0x3FB9] =	sst s0;
	s0 =	simm.s32 @!p2 $0x0  }
0x16: {  	s3 =	sld [smem:$0x3FDB];
	s0 =	simm.s32 @p2 $0x1  }
0x17: {  	s4 =	simm.s32 $0x1BF5;
	[smem:$0x3FBB] =	sst s0  }
0x18: {  	s0 =	sld [smem:$0x3F9E];
	_ =	swait.ge [sflag:s4], $0x0  }
0x19: {  	s7 =	sld [smem:$0x3F9F]  }
0x1a: {  	s8 =	sadd.s32 $0xFFFFE003, lr  }
0x1b: {  	s9 =	sadd.s32 $0xFFFFFEF7, lr;
	s5 =	simm.s32 $0xFFFFFFFF;
	p2 =	slt.u32 s8, $0xFFFFF086  }
0x1c: {  	p1 =	slt.u32 s9, $0xF7A;
	s5 =	simm.s32 @!p2 $0x0  }
0x1d: {  	s5 =	simm.s32 @p1 $0x1;
	p0 =	seq.s32 s7, s2  }
0x1e: {  	s7 =	smul.u32 @!p0 $0xF7A, s2;
	p2 =	seq.s32 @!p0 s5, $0x0  }
0x1f: {  	s9 =	smul.u32 $0xF7A, s1;
	s8 =	simm.s32 @!p0 $0x1BF5;
	p2 =	por !p2, p0  }
0x20: {  	[sflag:s8] =	ssyncset.s32 @!p0 $0xFFFFF086;
	s6 =	sadd.s32 @!p0 s3, s7;
	s7 =	simm.s32 @!p0 $0x108  }
0x21: {  	s3 =	sadd.s32 s3, s9;
	s6 =	sadd.s32 @!p0 $0x88, s6;
	s7 =	simm.s32 @p2 $0x1082  }
0x22: {  	[simem:s7], [sflag:s8] =	dma.local @!p0 [hbm:s6], $0xF7A  }
0x23: {  	s9 =	sor.u32 $0xD0000000, s2;
	s6 =	simm.s32 $0x108;
	_ =	swait.ge @!p0 [sflag:s8], $0x0  }
0x24: {  	s3 =	sadd.s32 $0x88, s3;
	s6 =	simm.s32 @!p1 $0x1082;
	[sflag:s4] =	ssyncset.s32 $0xFFFFF086  }
0x25: {  	[simem:s6], [sflag:s4] =	dma.local [hbm:s3], $0xF7A  }
0x26: {  	[smem:$0x3F9F] =	sst s1;
	(tag) =	ssettag s2;
	_ =	strace s9  }
0x27: {  	s1 =	sld [smem:$0x3FAF]  }
0x28: {  	s2 =	sld [smem:$0x3FB0]  }
0x29: {  	s4 =	sld [smem:$0x3FB2]  }
0x2a: {  	p0 =	seq.s32 s5, $0x0;
	s5 =	sld [smem:$0x3FB3]  }
0x2b: {  	s6 =	sld [smem:$0x3FB4]  }
0x2c: {  	s7 =	sld [smem:$0x3FB5]  }
0x2d: {  	s3 =	simm.s32 $0x108;
	s8 =	sld [smem:$0x3FB6]  }
0x2e: {  	s3 =	simm.s32 @!p0 $0x1082;
	s9 =	sld [smem:$0x3FB7]  }
0x2f: {  	lr =	sadd.s32 s0, s3;
	s0 =	sld [smem:$0x3FAE]  }
0x30: {  	s3 =	sld [smem:$0x3FB1]  }
0x31: {  	[smem:$0x3FBA] =	sst s10  }
0x32: {  	s10 =	sld [smem:$0x3FB8];
	_ =	sdelay $0x3  }
0x33: {  	p0 =	seq.s32 s10, $0x1;
	s10 =	sld [smem:$0x3FBA];
	_ =	sdelay $0x3  }
0x34: {  	[smem:$0x3FBA] =	sst s10  }
0x35: {  	s10 =	sld [smem:$0x3FB9];
	_ =	sdelay $0x3  }
0x36: {  	p1 =	seq.s32 s10, $0x1;
	s10 =	sld [smem:$0x3FBA];
	_ =	sdelay $0x3  }
0x37: {  	[smem:$0x3FBA] =	sst s10  }
0x38: {  	s10 =	sld [smem:$0x3FBB]  }
0x39: {  	_ = 	snop;
	(pc) =	sbr.ind lr, $3  }
0x3a: {  	_ = 	snop  }
0x3b: {  	_ = 	snop  }
0x3c: {  	p2 =	seq.s32 s10, $0x1;
	s10 =	sld [smem:$0x3FBA]  }
0x3d: {  	_ =	shalt  }
0x3e: {  	_ =	shalt  }
0x3f: {  	_ =	shalt  }
0x40: {  	_ =	shalt  }
0x41: {  	_ =	shalt  }
0x42: {  	_ =	shalt  }
0x43: {  	_ =	shalt  }
0x44: {  	_ =	shalt  }
0x45: {  	_ =	shalt  }
0x46: {  	_ =	shalt  }
0x47: {  	_ =	shalt  }
0x48: {  	_ =	shalt  }
0x49: {  	_ =	shalt  }
0x4a: {  	_ =	shalt  }
0x4b: {  	_ =	shalt  }
0x4c: {  	_ =	shalt  }
0x4d: {  	_ =	shalt  }
0x4e: {  	_ =	shalt  }
0x4f: {  	_ =	shalt  }
0x50: {  	_ =	shalt  }
0x51: {  	_ =	shalt  }
0x52: {  	_ =	shalt  }
0x53: {  	_ =	shalt  }
0x54: {  	_ =	shalt  }
0x55: {  	_ =	shalt  }
0x56: {  	_ =	shalt  }
0x57: {  	_ =	shalt  }
0x58: {  	_ =	shalt  }
0x59: {  	_ =	shalt  }
0x5a: {  	_ =	shalt  }
0x5b: {  	_ =	shalt  }
0x5c: {  	_ =	shalt  }
0x5d: {  	_ =	shalt  }
0x5e: {  	_ =	shalt  }
0x5f: {  	_ =	shalt  }
0x60: {  	_ =	shalt  }
0x61: {  	_ =	shalt  }
0x62: {  	_ =	shalt  }
0x63: {  	_ =	shalt  }
0x64: {  	_ =	shalt  }
0x65: {  	_ =	shalt  }
0x66: {  	_ =	shalt  }
0x67: {  	_ =	shalt  }
0x68: {  	_ =	shalt  }
0x69: {  	_ =	shalt  }
0x6a: {  	_ =	shalt  }
0x6b: {  	_ =	shalt  }
0x6c: {  	_ =	shalt  }
0x6d: {  	_ =	shalt  }
0x6e: {  	_ =	shalt  }
0x6f: {  	_ =	shalt  }
0x70: {  	_ =	shalt  }
0x71: {  	_ =	shalt  }
0x72: {  	_ =	shalt  }
0x73: {  	_ =	shalt  }
0x74: {  	_ =	shalt  }
0x75: {  	_ =	shalt  }
0x76: {  	_ =	shalt  }
0x77: {  	_ =	shalt  }
0x78: {  	_ =	shalt  }
0x79: {  	_ =	shalt  }
0x7a: {  	_ =	shalt  }
0x7b: {  	_ =	shalt  }
0x7c: {  	_ =	shalt  }
0x7d: {  	_ =	shalt  }
0x7e: {  	_ =	shalt  }
0x7f: {  	_ =	shalt  }
0x80: {  	_ =	shalt  }
0x81: {  	_ =	shalt  }
0x82: {  	_ =	shalt  }
0x83: {  	_ =	shalt  }
0x84: {  	_ =	shalt  }
0x85: {  	_ =	shalt  }
0x86: {  	_ =	shalt  }
0x87: {  	_ =	shalt  }
.Lfunc_end0:
.L_simem_size_0:
called_computation_lowered:
.L_overlay_start_0:
0x88: {  	s2 =	sld [smem:$0x3FD9]  }
0x89: {  	s3 =	sld [smem:$0x3FFE];
	_ =	sdelay $0x1  }
0x8a: {  	s1 =	srdreg.scid  }
0x8b: {  	s0 =	sand.u32 $0x1, s1  }
0x8c: {  	s17 =	sshll.u32 s0, $0xA;
	s2 =	sadd.s32 s3, s2  }
0x8d: {  	s2 =	sadd.s32 s2, s17  }
0x8e: {  	[smem:$0x3FC6] =	sst s2  }
0x8f: {  	_ = 	snop  }
0x90: {  	s2 =	sld [smem:$0x3FC9]  }
0x91: {  	s18 =	sld [smem:$0x3FC8]  }
0x92: {  	s4 =	sld [smem:$0x3FD0];
	(tm) =	ssettm $0x1  }
0x93: {  	s5 =	sld [smem:$0x3FFB];
	_ =	sdelay $0x3  }
0x94: {  	_ =	strace s5  }
0x95: {  	s5 =	sld [smem:$0x3FFC];
	_ =	sdelay $0x3  }
0x96: {  	_ =	strace s5  }
0x97: {  	s5 =	sld [smem:$0x3FFD];
	_ =	sdelay $0x3  }
0x98: {  	_ =	strace s5  }
0x99: {  	_ =	strace $0x8FFFFFFF  }
0x9a: {  	s19 =	sld [smem:$0x3FDB];
	_ =	sdelay $0x1  }
0x9b: {  	s6 =	simm.s32 $_scs_section_size  }
0x9c: {  	s7 =	simm.s32 $_size__tile_overlayer_lowered;
	s8 =	simm.s32 $_tile_overlayer_lowered  }
0x9d: {  	s22 =	simm.s32 $0x1BFF;
	s21 =	sshll.u32 s8, $0x1;
	s5 =	sadd.s32 s6, s19  }
0x9e: {  	s9 =	simm.s32 $0x0;
	s20 =	sshll.u32 s7, $0x1;
	s7 =	sadd.s32 s21, s5  }
0x9f: {  	[timem:s9], [sflag:s22] =	dma.local [hbm:s7], s20  }
0xa0: {  	_ =	swait.ge [sflag:s22], s20  }
0xa1: {  	s6 =	ssub.s32 $0x0, s20;
	[sflag:s22] =	ssyncset.done $0x0  }
0xa2: {  	[sflag:s22] =	ssyncadd.s32 s6;
	_ =	sdelay $0x1  }
0xa3: {  	s23 =	simm.s32 $0x1B8B  }
0xa4: {  	_ =	swait.ge [sflag:s23], $0x1  }
0xa5: {  	[sflag:s23] =	ssyncset.done $0x0  }
0xa6: {  	s25 =	simm.s32 $0x1B8E;
	s24 =	sld [smem:$0x3FFE];
	[sflag:s23] =	ssyncadd.s32 $0xFFFFFFFF  }
0xa7: {  	s26 =	simm.s32 $execute0_lowered;
	[smem:$0x3FD2] =	sst s25  }
0xa8: {  	s7 =	sshll.u32 s26, $0x1;
	_ =	strace $0x80000046;
	[dreg:$0x1] =	wrdreg $0xFFFFFFFF  }
0xa9: {  	s28 =	simm.s32 $_size_execute0_lowered;
	s5 =	sadd.s32 s5, s7;
	[dreg:$0x0] =	wrdreg $0x0  }
0xaa: {  	s7 =	sshll.u32 s28, $0x1;
	[dreg:$0x2] =	wrdreg s5  }
0xab: {  	[dreg:$0x3] =	wrdreg s7  }
0xac: {  	[dreg:$0x4] =	wrdreg $0xC0  }
0xad: {  	_ =	task [dreg:s9], $0x5FFFF  }
0xae: {  	[dreg:$0x1] =	wrdreg $0xFFFFFFFF  }
0xaf: {  	[dreg:$0x0] =	wrdreg $0x60  }
0xb0: {  	[dreg:$0x2] =	wrdreg s2  }
0xb1: {  	[dreg:$0x3] =	wrdreg s18  }
0xb2: {  	[dreg:$0x4] =	wrdreg s4  }
0xb3: {  	[dreg:$0x5] =	wrdreg s24  }
0xb4: {  	[dreg:$0x6] =	wrdreg $0x150800  }
0xb5: {  	[dreg:$0x7] =	wrdreg $0x9  }
0xb6: {  	_ =	task.clear_ibuf [dreg:s9], $0x8FFFF;
	_ =	strace $0x90000046  }
0xb7: {  	s29 =	simm.s32 $0x9;
	_ =	strace $0x80000048  }
0xb8: {  	_ =	swait.ge [sflag:s29], $0x1  }
0xb9: {  	[sflag:s29] =	ssyncadd.s32 $0xFFFFFFFF  }
0xba: {  	_ =	strace $0x90000048  }
0xbb: {  	_ =	sfence  }
0xbc: {  	s30 =	sld [smem:$0x0];
	_ =	sdelay $0x2  }
0xbd: {  	s31 =	sshll.u32 s1, $0xD;
	s1 =	sshrl.u32 s1, $0x2  }
0xbe: {  	s3 =	sand.u32 $0x4000, s31;
	s1 =	sadd.s32 s1, s30  }
0xbf: {  	s0 =	sor.u32 s3, s0;
	s1 =	sshll.u32 s1, $0x11  }
0xc0: {  	s0 =	sor.u32 s1, s0  }
0xc1: {  	s0 =	sadd.s32 $0x8F2B, s0  }
0xc2: {  	[sflag:s0] =	ssyncadd.remote.s32 $0x1  }
0xc3: {  	_ =	sfence.sel $0xFFFF  }
0xc4: {  	[dreg:$0x0] =	wrdreg $0xFFFFFFFF;
	(pc) =	sbr.abs _section_cstart, $3  }
0xc5: {  	[dreg:$0x1] =	wrdreg $0xFFFFFFFF  }
0xc6: {  	_ =	task.clear_ibuf [dreg:s9], $0x2FFFF;
	_ =	strace $0x9FFFFFFF  }
0xc7: {  	(tm) =	ssettm $0x7FFFFFFF  }
tec
execute0_lowered:
.L_overlay_start_1:
0x0: {  	(tag) =	ssettag $0x1  }
0x1: {  	s0 =	rddreg [dreg:$0x0]  }
0x2: {  	s1 =	rddreg [dreg:$0x1]  }
0x3: {  	s3 =	rddreg [dreg:$0x3]  }
0x4: {  	s2 =	rddreg [dreg:$0x4]  }
0x5: {  	s4 =	simm.s32 $0x0;
	s5 =	srdreg.scid;
	s12 =	stileid.u32  }
0x6: {  	s18 =	simm.s32 $0x10000;
	s20 =	simm.s32 $0x6;
	s21 =	simm.s32 $0x14000  }
0x7: {  	s22 =	simm.s32 $0x4000;
	s23 =	simm.s32 $0x1;
	s24 =	simm.s32 $0x5  }
0x8: {  	s25 =	simm.s32 $0x8000;
	s26 =	simm.s32 $0x2;
	s28 =	simm.s32 $0xC000  }
0x9: {  	s29 =	simm.s32 $0x3;
	s30 =	simm.s32 $0x4;
	s31 =	simm.s32 $0x0  }
0xa: {  	[smem:$0x7FF] =	sst s4;
	s9 =	sand.u32 $0x1, s5;
	s5 =	sadd.s32 $0xA00, s3  }
0xb: {  	s8 =	sshll.u32 s12, $0xC;
	s6 =	sadd.s32 $0x800, s3;
	s12 =	sshll.u32 s12, $0xD  }
0xc: {  	_ =	strace $0x80000047;
	s7 =	sshll.u32 s9, $0x10;
	s10 =	ssub.s32 $0x2, s9  }
0xd: {  	p0 =	seq.s32 s9, $0x1;
	s7 =	sor.u32 s8, s7;
	s11 =	sshrl.u32 s10, $0x1  }
.Ltmp0:
0xe: {  	s8 =	sadd.s32 s8, s2;
	s7 =	sshrl.u32 s7, $0x3;
	(pc) =	sbr.rel .LBB2_1-.Ltmp0, $4  }
0xf: {  	s17 =	ssub.s32 s10, s11;
	s3 =	sadd.s32 s7, s3;
	s7 =	sadd.s32 s0, s12  }
0x10: {  	s12 =	sadd.s32 s1, s12;
	s17 =	smax.u32 s17, $0x1;
	s9 =	sadd.s32 $0x800, s7  }
0x11: {  	s10 =	sadd.s32 $0x1000, s7;
	s11 =	sadd.s32 $0x1800, s7;
	s13 =	sadd.s32 $0x800, s12  }
0x12: {  	s14 =	sadd.s32 $0x1000, s12;
	s15 =	sadd.s32 $0x1800, s12;
	s16 =	sadd.s32 $0x1200, s3  }
.LBB2_19:
0x13: {  	v13 =	vld [tilespmem:s1+$0x4070];
	[tilespmem:s3+$0xC030] =	vst v12;
	v4 =	vnsel vm2, $0xFFFF, v4;
	v39 =	vtrunc.f32 v10  }
0x14: {  	v40 =	vtrunc.f32 v11;
	v3 =	vnsel vm1, $0xFFFF, v3;
	v5 =	vcvt.f32.s32 v5;
	v12 =	vld [tilespmem:s1+$0x4000];
	[tilespmem:s3+$0xC040] =	vst v4  }
0x15: {  	v6 =	vcvt.f32.s32 v6;
	v42 =	vcvt.f32.s32 v7;
	v2 =	vnsel vm0, $0xFFFF, v2;
	v41 =	vld [tilespmem:s1+$0x4010];
	[tilespmem:s3+$0xC050] =	vst v3  }
0x16: {  	v43 =	vcvt.f32.s32 v9;
	v8 =	vcvt.f32.s32 v8;
	v44 =	vld [tilespmem:s1+$0x4020];
	[tilespmem:s3+$0xC060] =	vst v2  }
0x17: {  	v4 =	vcvt.f32.s32 v39;
	v10 =	vcvt.f32.s32 v40;
	v2 =	vld [tilespmem:s1+$0x4030]  }
0x18: {  	vm5 =	vlt.s32 v5, $0xFFFF;
	vm6 =	vlt.s32 v6, $0xFFFF;
	vm3 =	vlt.s32 v42, $0xFFFF;
	v14 =	vld [tilespmem:s1+$0x4040]  }
0x19: {  	vm4 =	vlt.s32 v43, $0xFFFF;
	vm13 =	vlt.s32 v8, $0xFFFF;
	v15 =	vld [tilespmem:s1+$0x4050];
	v13 =	vsub.f32 v13, v0  }
0x1a: {  	vm14 =	vlt.s32 v4, $0xFFFF;
	vm15 =	vlt.s32 v10, $0xFFFF;
	v16 =	vld [tilespmem:s1+$0x4060];
	v12 =	vsub.f32 v12, v0  }
0x1b: {  	v5 =	vnsel vm5, $0xFFFF, v5;
	v11 =	vsub.f32 v41, v0;
	v13 =	vmul.f32 v13, v1  }
0x1c: {  	v6 =	vnsel vm6, $0xFFFF, v6;
	v49 =	vnsel vm3, $0xFFFF, v42;
	v12 =	vmul.f32 v12, v1  }
0x1d: {  	v9 =	vsub.f32 v44, v0;
	v11 =	vmul.f32 v11, v1;
	v13 =	vtrunc.f32 v13  }
0x1e: {  	v2 =	vsub.f32 v2, v0;
	v14 =	vsub.f32 v14, v0;
	v13 =	vcvt.f32.s32 v13  }
0x1f: {  	v15 =	vsub.f32 v15, v0;
	v46 =	vsub.f32 v16, v0;
	v9 =	vmul.f32 v9, v1  }
0x20: {  	[tilespmem:s0+$0xC000] =	vst v5;
	v12 =	vtrunc.f32 v12;
	v2 =	vmul.f32 v2, v1;
	vm8 =	vlt.s32 v13, $0xFFFF  }
0x21: {  	[tilespmem:s0+$0xC010] =	vst v6;
	v45 =	vmul.f32 v14, v1;
	v47 =	vtrunc.f32 v11;
	v13 =	vnsel vm8, $0xFFFF, v13  }
0x22: {  	v51 =	vnsel vm4, $0xFFFF, v43;
	v48 =	vmul.f32 v15, v1;
	v0 =	vmul.f32 v46, v1;
	[tilespmem:s1+$0xC070] =	vst v13  }
0x23: {  	v53 =	vnsel vm13, $0xFFFF, v8;
	v54 =	vcvt.f32.s32 v12;
	v9 =	vtrunc.f32 v9;
	[tilespmem:s0+$0xC020] =	vst v49  }
0x24: {  	v55 =	vnsel vm14, $0xFFFF, v4;
	v6 =	vcvt.f32.s32 v47;
	v2 =	vtrunc.f32 v2;
	[tilespmem:s0+$0xC030] =	vst v51  }
0x25: {  	v57 =	vnsel vm15, $0xFFFF, v10;
	v50 =	vtrunc.f32 v45;
	v52 =	vtrunc.f32 v48;
	[tilespmem:s0+$0xC040] =	vst v53  }
0x26: {  	v0 =	vtrunc.f32 v0;
	v56 =	vcvt.f32.s32 v9;
	vm9 =	vlt.s32 v54, $0xFFFF;
	[tilespmem:s0+$0xC050] =	vst v55  }
0x27: {  	v2 =	vcvt.f32.s32 v2;
	vm10 =	vlt.s32 v6, $0xFFFF;
	v58 =	vnsel vm9, $0xFFFF, v54;
	[tilespmem:s0+$0xC060] =	vst v57  }
0x28: {  	v3 =	vcvt.f32.s32 v50;
	vm11 =	vlt.s32 v56, $0xFFFF;
	v59 =	vnsel vm10, $0xFFFF, v6;
	[tilespmem:s1+$0xC000] =	vst v58  }
0x29: {  	v5 =	vcvt.f32.s32 v52;
	vm12 =	vlt.s32 v2, $0xFFFF;
	[tilespmem:s1+$0xC010] =	vst v59;
	v60 =	vnsel vm11, $0xFFFF, v56  }
0x2a: {  	v0 =	vcvt.f32.s32 v0;
	vm13 =	vlt.s32 v3, $0xFFFF;
	[tilespmem:s1+$0xC020] =	vst v60;
	v61 =	vnsel vm12, $0xFFFF, v2  }
0x2b: {  	vm14 =	vlt.s32 v5, $0xFFFF;
	v62 =	vnsel vm13, $0xFFFF, v3;
	[tilespmem:s1+$0xC030] =	vst v61  }
0x2c: {  	vm15 =	vlt.s32 v0, $0xFFFF;
	v63 =	vnsel vm14, $0xFFFF, v5;
	[tilespmem:s1+$0xC040] =	vst v62  }
0x2d: {  	v0 =	vnsel vm15, $0xFFFF, v0;
	[tilespmem:s1+$0xC050] =	vst v63  }
0x2e: {  	[tilespmem:s1+$0xC060] =	vst v0  }
.LBB2_20:
0x2f: {  	[spmem:s2] =	stream.indirect.scatter.add.s32 [tilespmem:s18], [sflag:$0x4], $0x1, s28, s22, $0xb8;
	[tilespmem:$0x16080] =	vst v63  }
0x30: {  	_ =	swait.ge [sflag:s29], $0x4000  }
0x31: {  	[sflag:s29] =	ssyncset.done $0x0  }
0x32: {  	[sflag:s29] =	ssyncadd.s32 $0xFFFFC000  }
0x33: {  	_ =	swait.ge [sflag:s30], $0x4000  }
0x34: {  	[sflag:s30] =	ssyncset.done $0x0  }
0x35: {  	[sflag:s30] =	ssyncadd.s32 $0xFFFFC000  }
0x36: {  	[bflag:$0x0] =	sbarrier.arrive $0xFFFF  }
0x37: {  	[tilespmem:s21], [sflag:$0x6] =	stream.linear.gather [spmem:s8], $0x1000, $0x38;
	[tilespmem:$0x16080] =	vst v63  }
0x38: {  	s31 =	sadd.s32 $0x1, s31;
	_ =	swait.ge [sflag:s20], $0x1000  }
0x39: {  	p1 =	sne.s32 s31, s17;
	[sflag:s20] =	ssyncset.done $0x0  }
.Ltmp1:
0x3a: {  	[sflag:s20] =	ssyncadd.s32 $0xFFFFF000;
	(pc) =	sbr.rel @!p1 .LBB2_21-.Ltmp1, $4  }
0x3b: {  	[hbm4b:s16+s4] =	stream.linear.scatter [tilespmem:s21], [sflag:$0x6], $0x1000, $0x38;
	[tilespmem:$0x16080] =	vst v63  }
0x3c: {  	_ =	swait.ge [sflag:s20], $0x1000  }
0x3d: {  	[sflag:s20] =	ssyncset.done $0x0  }
0x3e: {  	[sflag:s20] =	ssyncadd.s32 $0xFFFFF000  }
.LBB2_1:
0x3f: {  	[tilespmem:s18], [sflag:$0x5] =	stream.linear.gather [hbm4b:s5+s4], $0x4000, $0x38;
	[tilespmem:$0x16080] =	vst v63  }
0x40: {  	s0 =	rddreg [dreg:$0x2];
	s1 =	simm.s32 $0x15000  }
0x41: {  	[tilespmem:s1], [sflag:$0x6] =	stream.linear.gather [hbm4b:s0+s4], $0x80, $0x38;
	[tilespmem:$0x16080] =	vst v63  }
0x42: {  	_ =	swait.ge [sflag:s20], $0x80  }
0x43: {  	[sflag:s20] =	ssyncset.done $0x0  }
0x44: {  	[sflag:s20] =	ssyncadd.s32 $0xFFFFFF80  }
0x45: {  	v0 =	vld [tilespmem:$0x15000]  }
0x46: {  	v1 =	vld [tilespmem:$0x15010];
	_ =	sdelay $0x4  }
0x47: {  	v1 =	vsub.f32 v1, v0;
	_ =	sdelay $0x1  }
0x48: {  	v1 =	vmax.f32 v1, $1.000000000e-30  }
0x49: {  	(erf) = vrcp.f32 v1;
	_ =	sdelay $0x8  }
0x4a: {  	[tilespmem:s21], [sflag:$0x6] =	stream.linear.gather [hbm4b:s6+s4], $0x1000, $0x38;
	v1 =	vpop (erf);
	[tilespmem:$0x16080] =	vst v63  }
0x4b: {  	_ =	swait.ge [sflag:s20], $0x1000  }
0x4c: {  	[sflag:s20] =	ssyncset.done $0x0  }
0x4d: {  	[sflag:s20] =	ssyncadd.s32 $0xFFFFF000  }
0x4e: {  	[spmem:s8] =	stream.linear.scatter [tilespmem:s21], [sflag:$0x6], $0x1000, $0x38;
	[tilespmem:$0x16080] =	vst v63  }
.Ltmp2:
0x4f: {  	_ =	swait.ge [sflag:s20], $0x1000;
	(pc) =	sbr.rel @!p0 .LBB2_2-.Ltmp2, $4  }
0x50: {  	[sflag:s20] =	ssyncset.done $0x0  }
0x51: {  	[sflag:s20] =	ssyncadd.s32 $0xFFFFF000  }
0x52: {  	[bflag:$0x0] =	sbarrier.arrive $0xFFFF  }
0x53: {  	s0 =	simm.s32 $0x0;
	v1 =	vmul.f32 $6.553600000e+04, v1  }
0x54: {  	[tilespmem:s0], [sflag:$0x1] =	stream.linear.gather [hbm4b:s12+s0], $0x4000, $0x38;
	[tilespmem:$0x16080] =	vst v63  }
0x55: {  	_ = 	snop  }
0x56: {  	[tilespmem:s22], [sflag:$0x2] =	stream.linear.gather [hbm4b:s13+s0], $0x4000, $0x38;
	[tilespmem:$0x16080] =	vst v63  }
0x57: {  	_ =	swait.ge [sflag:s23], $0x4000  }
0x58: {  	[sflag:s23] =	ssyncset.done $0x0  }
0x59: {  	s3 =	simm.s32 $0x0;
	[sflag:s23] =	ssyncadd.s32 $0xFFFFC000  }
0x5a: {  	v2 =	vld [tilespmem:s3+$0x70]  }
0x5b: {  	v3 =	vld [tilespmem:s3+$0x0]  }
0x5c: {  	v4 =	vld [tilespmem:s3+$0x10]  }
0x5d: {  	v5 =	vld [tilespmem:s3+$0x20]  }
0x5e: {  	v6 =	vld [tilespmem:s3+$0x30]  }
0x5f: {  	v7 =	vld [tilespmem:s3+$0x40]  }
0x60: {  	v8 =	vld [tilespmem:s3+$0x50];
	v2 =	vsub.f32 v2, v0  }
0x61: {  	v9 =	vld [tilespmem:s3+$0x60]  }
0x62: {  	v3 =	vsub.f32 v3, v0;
	v4 =	vsub.f32 v4, v0;
	v2 =	vmul.f32 v2, v1  }
0x63: {  	v5 =	vsub.f32 v5, v0;
	v6 =	vsub.f32 v6, v0  }
0x64: {  	v7 =	vsub.f32 v7, v0;
	v3 =	vmul.f32 v3, v1;
	v2 =	vtrunc.f32 v2  }
0x65: {  	v8 =	vsub.f32 v8, v0;
	v4 =	vmul.f32 v4, v1;
	v2 =	vcvt.f32.s32 v2  }
0x66: {  	v9 =	vsub.f32 v9, v0;
	v5 =	vmul.f32 v5, v1;
	v6 =	vmul.f32 v6, v1  }
0x67: {  	v7 =	vmul.f32 v7, v1;
	v8 =	vmul.f32 v8, v1;
	vm0 =	vlt.s32 v2, $0xFFFF  }
0x68: {  	v9 =	vmul.f32 v9, v1;
	v3 =	vtrunc.f32 v3;
	v2 =	vnsel vm0, $0xFFFF, v2  }
0x69: {  	s0 =	simm.s32 $0x80;
	v4 =	vtrunc.f32 v4;
	v5 =	vtrunc.f32 v5;
	[tilespmem:s3+$0x8070] =	vst v2  }
0x6a: {  	v2 =	vtrunc.f32 v6;
	v6 =	vtrunc.f32 v7;
	v7 =	vld [tilespmem:s0+$0x70]  }
0x6b: {  	v8 =	vtrunc.f32 v8;
	v11 =	vcvt.f32.s32 v3;
	v10 =	vld [tilespmem:s0+$0x0]  }
0x6c: {  	v12 =	vcvt.f32.s32 v4;
	v14 =	vcvt.f32.s32 v5;
	v13 =	vld [tilespmem:s0+$0x10]  }
0x6d: {  	v9 =	vtrunc.f32 v9;
	v3 =	vcvt.f32.s32 v8;
	v5 =	vld [tilespmem:s0+$0x20]  }
0x6e: {  	vm5 =	vlt.s32 v11, $0xFFFF;
	vm6 =	vlt.s32 v12, $0xFFFF;
	vm4 =	vlt.s32 v14, $0xFFFF;
	v8 =	vld [tilespmem:s0+$0x40]  }
0x6f: {  	vm1 =	vlt.s32 v3, $0xFFFF;
	v11 =	vnsel vm5, $0xFFFF, v11;
	v15 =	vcvt.f32.s32 v2;
	v16 =	vld [tilespmem:s0+$0x60]  }
0x70: {  	v12 =	vnsel vm6, $0xFFFF, v12;
	v4 =	vcvt.f32.s32 v6;
	v7 =	vsub.f32 v7, v0  }
0x71: {  	v6 =	vld [tilespmem:s0+$0x30];
	v2 =	vcvt.f32.s32 v9;
	vm3 =	vlt.s32 v15, $0xFFFF;
	v9 =	vsub.f32 v10, v0  }
0x72: {  	vm2 =	vlt.s32 v4, $0xFFFF;
	v10 =	vld [tilespmem:s0+$0x50];
	v13 =	vsub.f32 v13, v0;
	v7 =	vmul.f32 v7, v1  }
0x73: {  	v5 =	vsub.f32 v5, v0;
	v8 =	vsub.f32 v8, v0;
	v9 =	vmul.f32 v9, v1  }
0x74: {  	[tilespmem:s3+$0x8000] =	vst v11;
	v11 =	vsub.f32 v16, v0;
	v13 =	vmul.f32 v13, v1;
	v7 =	vtrunc.f32 v7  }
0x75: {  	vm0 =	vlt.s32 v2, $0xFFFF;
	v17 =	vmul.f32 v5, v1;
	v7 =	vcvt.f32.s32 v7  }
0x76: {  	v6 =	vsub.f32 v6, v0;
	v8 =	vmul.f32 v8, v1;
	v11 =	vmul.f32 v11, v1  }
0x77: {  	v5 =	vtrunc.f32 v9;
	v10 =	vsub.f32 v10, v0;
	vm15 =	vlt.s32 v7, $0xFFFF  }
0x78: {  	[tilespmem:s3+$0x8010] =	vst v12;
	v9 =	vmul.f32 v6, v1;
	v6 =	vtrunc.f32 v13;
	v12 =	vnsel vm15, $0xFFFF, v7  }
0x79: {  	v8 =	vtrunc.f32 v8;
	v10 =	vmul.f32 v10, v1;
	[tilespmem:s0+$0x8070] =	vst v12;
	v12 =	vnsel vm4, $0xFFFF, v14  }
0x7a: {  	s1 =	simm.s32 $0x100;
	s19 =	simm.s32 $0x600;
	v9 =	vtrunc.f32 v9;
	v7 =	vtrunc.f32 v17;
	[tilespmem:s3+$0x8020] =	vst v12;
	v12 =	vnsel vm3, $0xFFFF, v15  }
.LBB2_12:
0x7b: {  	p1 =	sne.s32 s19, $0xFE00;
	v13 =	vld [tilespmem:s1+$0x70];
	v10 =	vtrunc.f32 v10;
	v11 =	vtrunc.f32 v11;
	[tilespmem:s3+$0x8030] =	vst v12;
	v4 =	vnsel vm2, $0xFFFF, v4  }
0x7c: {  	v5 =	vcvt.f32.s32 v5;
	v6 =	vcvt.f32.s32 v6;
	v3 =	vnsel vm1, $0xFFFF, v3;
	v12 =	vld [tilespmem:s1+$0x0];
	[tilespmem:s3+$0x8040] =	vst v4  }
0x7d: {  	v15 =	vcvt.f32.s32 v7;
	v16 =	vcvt.f32.s32 v9;
	v2 =	vnsel vm0, $0xFFFF, v2;
	v14 =	vld [tilespmem:s1+$0x10];
	[tilespmem:s3+$0x8050] =	vst v3  }
0x7e: {  	v4 =	vcvt.f32.s32 v8;
	vm5 =	vlt.s32 v5, $0xFFFF;
	v3 =	vcvt.f32.s32 v10;
	v7 =	vld [tilespmem:s1+$0x20];
	[tilespmem:s3+$0x8060] =	vst v2;
	s3 =	smov.u32 s0;
	s0 =	smov.u32 s1  }
0x7f: {  	vm6 =	vlt.s32 v6, $0xFFFF;
	vm4 =	vlt.s32 v15, $0xFFFF;
	v2 =	vcvt.f32.s32 v11;
	v8 =	vld [tilespmem:s0+$0x30]  }
0x80: {  	vm3 =	vlt.s32 v16, $0xFFFF;
	vm2 =	vlt.s32 v4, $0xFFFF;
	v9 =	vld [tilespmem:s0+$0x40];
	v10 =	vsub.f32 v13, v0  }
0x81: {  	vm1 =	vlt.s32 v3, $0xFFFF;
	vm0 =	vlt.s32 v2, $0xFFFF;
	v11 =	vsub.f32 v12, v0;
	v12 =	vld [tilespmem:s0+$0x50]  }
0x82: {  	v5 =	vnsel vm5, $0xFFFF, v5;
	v13 =	vsub.f32 v14, v0;
	v14 =	vld [tilespmem:s0+$0x60];
	v10 =	vmul.f32 v10, v1  }
0x83: {  	v11 =	vmul.f32 v11, v1;
	v7 =	vsub.f32 v7, v0;
	[tilespmem:s3+$0x8000] =	vst v5;
	v5 =	vnsel vm6, $0xFFFF, v6  }
0x84: {  	v6 =	vmul.f32 v13, v1;
	v8 =	vsub.f32 v8, v0;
	v10 =	vtrunc.f32 v10;
	[tilespmem:s3+$0x8010] =	vst v5  }
0x85: {  	v7 =	vmul.f32 v7, v1;
	v9 =	vsub.f32 v9, v0;
	v13 =	vcvt.f32.s32 v10  }
.Ltmp3:
0x86: {  	v5 =	vtrunc.f32 v11;
	v8 =	vmul.f32 v8, v1;
	v10 =	vsub.f32 v12, v0;
	(pc) =	sbr.rel @p1 .LBB2_12-.Ltmp3, $4  }
0x87: {  	v12 =	vmul.f32 v9, v1;
	v9 =	vsub.f32 v14, v0;
	vm5 =	vlt.s32 v13, $0xFFFF  }
0x88: {  	v6 =	vtrunc.f32 v6;
	v10 =	vmul.f32 v10, v1;
	v13 =	vnsel vm5, $0xFFFF, v13  }
0x89: {  	v7 =	vtrunc.f32 v7;
	v11 =	vmul.f32 v9, v1;
	[tilespmem:s0+$0x8070] =	vst v13;
	v13 =	vnsel vm4, $0xFFFF, v15  }
0x8a: {  	s1 =	sshra.s32 s19, $0x2;
	s19 =	sadd.s32 $0x200, s19;
	v9 =	vtrunc.f32 v8;
	v8 =	vtrunc.f32 v12;
	v12 =	vnsel vm3, $0xFFFF, v16;
	[tilespmem:s3+$0x8020] =	vst v13  }
0x8b: {  	v13 =	vld [tilespmem:s1+$0x70];
	[tilespmem:s3+$0x8030] =	vst v12;
	v4 =	vnsel vm2, $0xFFFF, v4;
	v5 =	vcvt.f32.s32 v5;
	v6 =	vcvt.f32.s32 v6  }
0x8c: {  	v3 =	vnsel vm1, $0xFFFF, v3;
	v8 =	vcvt.f32.s32 v8;
	v12 =	vld [tilespmem:s1+$0x0];
	[tilespmem:s3+$0x8040] =	vst v4;
	v4 =	vtrunc.f32 v10  }
0x8d: {  	v2 =	vnsel vm0, $0xFFFF, v2;
	v10 =	vtrunc.f32 v11;
	v11 =	vld [tilespmem:s1+$0x10];
	[tilespmem:s3+$0x8050] =	vst v3;
	v3 =	vcvt.f32.s32 v7  }
0x8e: {  	v7 =	vcvt.f32.s32 v9;
	vm5 =	vlt.s32 v5, $0xFFFF;
	v4 =	vcvt.f32.s32 v4;
	v9 =	vld [tilespmem:s1+$0x20];
	[tilespmem:s3+$0x8060] =	vst v2  }
0x8f: {  	vm6 =	vlt.s32 v6, $0xFFFF;
	v10 =	vcvt.f32.s32 v10;
	vm2 =	vlt.s32 v8, $0xFFFF;
	v2 =	vld [tilespmem:s1+$0x30]  }
0x90: {  	v5 =	vnsel vm5, $0xFFFF, v5;
	v6 =	vnsel vm6, $0xFFFF, v6;
	v14 =	vld [tilespmem:s1+$0x40];
	v13 =	vsub.f32 v13, v0  }
0x91: {  	vm3 =	vlt.s32 v3, $0xFFFF;
	vm4 =	vlt.s32 v7, $0xFFFF;
	v15 =	vld [tilespmem:s1+$0x50];
	v12 =	vsub.f32 v12, v0  }
0x92: {  	vm1 =	vlt.s32 v4, $0xFFFF;
	v16 =	vld [tilespmem:s1+$0x60];
	v11 =	vsub.f32 v11, v0;
	v13 =	vmul.f32 v13, v1  }
0x93: {  	vm0 =	vlt.s32 v10, $0xFFFF;
	v12 =	vmul.f32 v12, v1;
	v9 =	vsub.f32 v9, v0  }
0x94: {  	v11 =	vmul.f32 v11, v1;
	v2 =	vsub.f32 v2, v0;
	v13 =	vtrunc.f32 v13  }
0x95: {  	v14 =	vsub.f32 v14, v0;
	v9 =	vmul.f32 v9, v1;
	v13 =	vcvt.f32.s32 v13  }
0x96: {  	v15 =	vsub.f32 v15, v0;
	v12 =	vtrunc.f32 v12;
	v2 =	vmul.f32 v2, v1  }
0x97: {  	[tilespmem:s0+$0x8000] =	vst v5;
	v5 =	vmul.f32 v14, v1;
	v14 =	vsub.f32 v16, v0;
	vm11 =	vlt.s32 v13, $0xFFFF  }
0x98: {  	[tilespmem:s0+$0x8010] =	vst v6;
	v6 =	vtrunc.f32 v11;
	v11 =	vmul.f32 v15, v1;
	v13 =	vnsel vm11, $0xFFFF, v13  }
0x99: {  	v3 =	vnsel vm3, $0xFFFF, v3;
	v9 =	vtrunc.f32 v9;
	v6 =	vcvt.f32.s32 v6;
	[tilespmem:s1+$0x8070] =	vst v13  }
0x9a: {  	v14 =	vmul.f32 v14, v1;
	v2 =	vtrunc.f32 v2;
	[tilespmem:s0+$0x8020] =	vst v3;
	v3 =	vnsel vm4, $0xFFFF, v7  }
0x9b: {  	v5 =	vtrunc.f32 v5;
	[tilespmem:s0+$0x8030] =	vst v3;
	v3 =	vnsel vm2, $0xFFFF, v8;
	v8 =	vcvt.f32.s32 v12  }
0x9c: {  	v2 =	vcvt.f32.s32 v2;
	v5 =	vcvt.f32.s32 v5;
	[tilespmem:s0+$0x8040] =	vst v3;
	v3 =	vnsel vm1, $0xFFFF, v4  }
0x9d: {  	v4 =	vcvt.f32.s32 v9;
	[tilespmem:s0+$0x8050] =	vst v3;
	v3 =	vnsel vm0, $0xFFFF, v10;
	vm0 =	vlt.s32 v8, $0xFFFF  }
0x9e: {  	v7 =	vtrunc.f32 v11;
	vm1 =	vlt.s32 v6, $0xFFFF;
	[tilespmem:s0+$0x8060] =	vst v3;
	v3 =	vnsel vm0, $0xFFFF, v8  }
0x9f: {  	v11 =	vtrunc.f32 v14;
	vm0 =	vlt.s32 v4, $0xFFFF;
	[tilespmem:s1+$0x8000] =	vst v3;
	v3 =	vnsel vm1, $0xFFFF, v6  }
0xa0: {  	v6 =	vcvt.f32.s32 v7;
	vm1 =	vlt.s32 v2, $0xFFFF;
	[tilespmem:s1+$0x8010] =	vst v3;
	v3 =	vnsel vm0, $0xFFFF, v4  }
0xa1: {  	v4 =	vcvt.f32.s32 v11;
	vm0 =	vlt.s32 v5, $0xFFFF;
	v2 =	vnsel vm1, $0xFFFF, v2;
	[tilespmem:s1+$0x8020] =	vst v3  }
0xa2: {  	vm1 =	vlt.s32 v6, $0xFFFF;
	[tilespmem:s1+$0x8030] =	vst v2;
	v2 =	vnsel vm0, $0xFFFF, v5  }
0xa3: {  	vm0 =	vlt.s32 v4, $0xFFFF;
	[tilespmem:s1+$0x8040] =	vst v2;
	v2 =	vnsel vm1, $0xFFFF, v6  }
0xa4: {  	[tilespmem:s1+$0x8050] =	vst v2;
	v2 =	vnsel vm0, $0xFFFF, v4  }
0xa5: {  	[tilespmem:s1+$0x8060] =	vst v2  }
0xa6: {  	_ =	swait.ge [sflag:s24], $0x4000  }
0xa7: {  	[sflag:s24] =	ssyncset.done $0x0  }
0xa8: {  	[sflag:s24] =	ssyncadd.s32 $0xFFFFC000  }
0xa9: {  	[spmem:s2] =	stream.indirect.scatter.add.s32 [tilespmem:s18], [sflag:$0x3], $0x1, s25, s22, $0xb8;
	[tilespmem:$0x16080] =	vst v63  }
0xaa: {  	s19 =	simm.s32 $0x0  }
0xab: {  	[tilespmem:s19], [sflag:$0x1] =	stream.linear.gather [hbm4b:s14+s19], $0x4000, $0x38;
	[tilespmem:$0x16080] =	vst v63  }
0xac: {  	_ =	swait.ge [sflag:s26], $0x4000  }
0xad: {  	[sflag:s26] =	ssyncset.done $0x0  }
0xae: {  	s3 =	simm.s32 $0x0;
	[sflag:s26] =	ssyncadd.s32 $0xFFFFC000  }
0xaf: {  	v2 =	vld [tilespmem:s3+$0x4070]  }
0xb0: {  	v3 =	vld [tilespmem:s3+$0x4000]  }
0xb1: {  	v4 =	vld [tilespmem:s3+$0x4010]  }
0xb2: {  	v5 =	vld [tilespmem:s3+$0x4020]  }
0xb3: {  	v6 =	vld [tilespmem:s3+$0x4030]  }
0xb4: {  	v7 =	vld [tilespmem:s3+$0x4040]  }
0xb5: {  	v8 =	vld [tilespmem:s3+$0x4050];
	v2 =	vsub.f32 v2, v0  }
0xb6: {  	v9 =	vld [tilespmem:s3+$0x4060]  }
0xb7: {  	v3 =	vsub.f32 v3, v0;
	v4 =	vsub.f32 v4, v0;
	v2 =	vmul.f32 v2, v1  }
0xb8: {  	v5 =	vsub.f32 v5, v0;
	v6 =	vsub.f32 v6, v0  }
0xb9: {  	v7 =	vsub.f32 v7, v0;
	v3 =	vmul.f32 v3, v1;
	v2 =	vtrunc.f32 v2  }
0xba: {  	v8 =	vsub.f32 v8, v0;
	v4 =	vmul.f32 v4, v1;
	v2 =	vcvt.f32.s32 v2  }
0xbb: {  	v9 =	vsub.f32 v9, v0;
	v5 =	vmul.f32 v5, v1;
	v6 =	vmul.f32 v6, v1  }
0xbc: {  	v7 =	vmul.f32 v7, v1;
	v8 =	vmul.f32 v8, v1;
	vm0 =	vlt.s32 v2, $0xFFFF  }
0xbd: {  	v9 =	vmul.f32 v9, v1;
	v3 =	vtrunc.f32 v3;
	v2 =	vnsel vm0, $0xFFFF, v2  }
0xbe: {  	s0 =	simm.s32 $0x80;
	v4 =	vtrunc.f32 v4;
	v5 =	vtrunc.f32 v5;
	[tilespmem:s3+$0xC070] =	vst v2  }
0xbf: {  	v2 =	vtrunc.f32 v6;
	v6 =	vtrunc.f32 v7;
	v7 =	vld [tilespmem:s0+$0x4070]  }
0xc0: {  	v8 =	vtrunc.f32 v8;
	v11 =	vcvt.f32.s32 v3;
	v10 =	vld [tilespmem:s0+$0x4000]  }
0xc1: {  	v12 =	vcvt.f32.s32 v4;
	v14 =	vcvt.f32.s32 v5;
	v13 =	vld [tilespmem:s0+$0x4010]  }
0xc2: {  	v9 =	vtrunc.f32 v9;
	v3 =	vcvt.f32.s32 v8;
	v5 =	vld [tilespmem:s0+$0x4020]  }
0xc3: {  	vm12 =	vlt.s32 v11, $0xFFFF;
	vm13 =	vlt.s32 v12, $0xFFFF;
	vm14 =	vlt.s32 v14, $0xFFFF;
	v8 =	vld [tilespmem:s0+$0x4040]  }
0xc4: {  	vm1 =	vlt.s32 v3, $0xFFFF;
	v11 =	vnsel vm12, $0xFFFF, v11;
	v15 =	vcvt.f32.s32 v2;
	v63 =	vld [tilespmem:s0+$0x4060]  }
0xc5: {  	v12 =	vnsel vm13, $0xFFFF, v12;
	v4 =	vcvt.f32.s32 v6;
	v7 =	vsub.f32 v7, v0  }
0xc6: {  	v6 =	vld [tilespmem:s0+$0x4030];
	v2 =	vcvt.f32.s32 v9;
	vm3 =	vlt.s32 v15, $0xFFFF;
	v9 =	vsub.f32 v10, v0  }
0xc7: {  	vm2 =	vlt.s32 v4, $0xFFFF;
	v10 =	vld [tilespmem:s0+$0x4050];
	v13 =	vsub.f32 v13, v0;
	v7 =	vmul.f32 v7, v1  }
0xc8: {  	v5 =	vsub.f32 v5, v0;
	v8 =	vsub.f32 v8, v0;
	v9 =	vmul.f32 v9, v1  }
0xc9: {  	[tilespmem:s3+$0xC000] =	vst v11;
	v11 =	vsub.f32 v63, v0;
	v13 =	vmul.f32 v13, v1;
	v7 =	vtrunc.f32 v7  }
0xca: {  	vm0 =	vlt.s32 v2, $0xFFFF;
	v17 =	vmul.f32 v5, v1;
	v7 =	vcvt.f32.s32 v7  }
0xcb: {  	v6 =	vsub.f32 v6, v0;
	v8 =	vmul.f32 v8, v1;
	v11 =	vmul.f32 v11, v1  }
0xcc: {  	v5 =	vtrunc.f32 v9;
	v10 =	vsub.f32 v10, v0;
	vm15 =	vlt.s32 v7, $0xFFFF  }
0xcd: {  	[tilespmem:s3+$0xC010] =	vst v12;
	v9 =	vmul.f32 v6, v1;
	v6 =	vtrunc.f32 v13;
	v12 =	vnsel vm15, $0xFFFF, v7  }
0xce: {  	v8 =	vtrunc.f32 v8;
	v10 =	vmul.f32 v10, v1;
	[tilespmem:s0+$0xC070] =	vst v12;
	v12 =	vnsel vm14, $0xFFFF, v14  }
0xcf: {  	s1 =	simm.s32 $0x100;
	s19 =	simm.s32 $0x600;
	v9 =	vtrunc.f32 v9;
	v7 =	vtrunc.f32 v17;
	[tilespmem:s3+$0xC020] =	vst v12;
	v12 =	vnsel vm3, $0xFFFF, v15  }
.LBB2_14:
0xd0: {  	p1 =	sne.s32 s19, $0xFE00;
	v13 =	vld [tilespmem:s1+$0x4070];
	v10 =	vtrunc.f32 v10;
	v11 =	vtrunc.f32 v11;
	[tilespmem:s3+$0xC030] =	vst v12;
	v4 =	vnsel vm2, $0xFFFF, v4  }
0xd1: {  	v5 =	vcvt.f32.s32 v5;
	v6 =	vcvt.f32.s32 v6;
	v3 =	vnsel vm1, $0xFFFF, v3;
	v12 =	vld [tilespmem:s1+$0x4000];
	[tilespmem:s3+$0xC040] =	vst v4  }
0xd2: {  	v15 =	vcvt.f32.s32 v7;
	v16 =	vcvt.f32.s32 v9;
	v2 =	vnsel vm0, $0xFFFF, v2;
	v14 =	vld [tilespmem:s1+$0x4010];
	[tilespmem:s3+$0xC050] =	vst v3  }
0xd3: {  	v4 =	vcvt.f32.s32 v8;
	vm5 =	vlt.s32 v5, $0xFFFF;
	v3 =	vcvt.f32.s32 v10;
	v7 =	vld [tilespmem:s1+$0x4020];
	[tilespmem:s3+$0xC060] =	vst v2;
	s3 =	smov.u32 s0;
	s0 =	smov.u32 s1  }
0xd4: {  	vm6 =	vlt.s32 v6, $0xFFFF;
	vm4 =	vlt.s32 v15, $0xFFFF;
	v2 =	vcvt.f32.s32 v11;
	v8 =	vld [tilespmem:s0+$0x4030]  }
0xd5: {  	vm3 =	vlt.s32 v16, $0xFFFF;
	vm2 =	vlt.s32 v4, $0xFFFF;
	v9 =	vld [tilespmem:s0+$0x4040];
	v10 =	vsub.f32 v13, v0  }
0xd6: {  	vm1 =	vlt.s32 v3, $0xFFFF;
	vm0 =	vlt.s32 v2, $0xFFFF;
	v11 =	vsub.f32 v12, v0;
	v12 =	vld [tilespmem:s0+$0x4050]  }
0xd7: {  	v5 =	vnsel vm5, $0xFFFF, v5;
	v13 =	vsub.f32 v14, v0;
	v14 =	vld [tilespmem:s0+$0x4060];
	v10 =	vmul.f32 v10, v1  }
0xd8: {  	v11 =	vmul.f32 v11, v1;
	v7 =	vsub.f32 v7, v0;
	[tilespmem:s3+$0xC000] =	vst v5;
	v5 =	vnsel vm6, $0xFFFF, v6  }
0xd9: {  	v6 =	vmul.f32 v13, v1;
	v8 =	vsub.f32 v8, v0;
	v10 =	vtrunc.f32 v10;
	[tilespmem:s3+$0xC010] =	vst v5  }
0xda: {  	v7 =	vmul.f32 v7, v1;
	v9 =	vsub.f32 v9, v0;
	v13 =	vcvt.f32.s32 v10  }
.Ltmp4:
0xdb: {  	v5 =	vtrunc.f32 v11;
	v8 =	vmul.f32 v8, v1;
	v10 =	vsub.f32 v12, v0;
	(pc) =	sbr.rel @p1 .LBB2_14-.Ltmp4, $4  }
0xdc: {  	v12 =	vmul.f32 v9, v1;
	v9 =	vsub.f32 v14, v0;
	vm5 =	vlt.s32 v13, $0xFFFF  }
0xdd: {  	v6 =	vtrunc.f32 v6;
	v10 =	vmul.f32 v10, v1;
	v13 =	vnsel vm5, $0xFFFF, v13  }
0xde: {  	v7 =	vtrunc.f32 v7;
	v11 =	vmul.f32 v9, v1;
	[tilespmem:s0+$0xC070] =	vst v13;
	v13 =	vnsel vm4, $0xFFFF, v15  }
0xdf: {  	s1 =	sshra.s32 s19, $0x2;
	s19 =	sadd.s32 $0x200, s19;
	v9 =	vtrunc.f32 v8;
	v8 =	vtrunc.f32 v12;
	v12 =	vnsel vm3, $0xFFFF, v16;
	[tilespmem:s3+$0xC020] =	vst v13  }
0xe0: {  	v13 =	vld [tilespmem:s1+$0x4070];
	[tilespmem:s3+$0xC030] =	vst v12;
	v4 =	vnsel vm2, $0xFFFF, v4;
	v5 =	vcvt.f32.s32 v5;
	v6 =	vcvt.f32.s32 v6  }
0xe1: {  	v3 =	vnsel vm1, $0xFFFF, v3;
	v8 =	vcvt.f32.s32 v8;
	v12 =	vld [tilespmem:s1+$0x4000];
	[tilespmem:s3+$0xC040] =	vst v4;
	v4 =	vtrunc.f32 v10  }
0xe2: {  	v2 =	vnsel vm0, $0xFFFF, v2;
	v10 =	vtrunc.f32 v11;
	v11 =	vld [tilespmem:s1+$0x4010];
	[tilespmem:s3+$0xC050] =	vst v3;
	v3 =	vcvt.f32.s32 v7  }
0xe3: {  	v7 =	vcvt.f32.s32 v9;
	vm5 =	vlt.s32 v5, $0xFFFF;
	v4 =	vcvt.f32.s32 v4;
	v9 =	vld [tilespmem:s1+$0x4020];
	[tilespmem:s3+$0xC060] =	vst v2  }
0xe4: {  	vm6 =	vlt.s32 v6, $0xFFFF;
	v10 =	vcvt.f32.s32 v10;
	vm2 =	vlt.s32 v8, $0xFFFF;
	v2 =	vld [tilespmem:s1+$0x4030]  }
0xe5: {  	v5 =	vnsel vm5, $0xFFFF, v5;
	v6 =	vnsel vm6, $0xFFFF, v6;
	v14 =	vld [tilespmem:s1+$0x4040];
	v13 =	vsub.f32 v13, v0  }
0xe6: {  	vm3 =	vlt.s32 v3, $0xFFFF;
	vm4 =	vlt.s32 v7, $0xFFFF;
	v15 =	vld [tilespmem:s1+$0x4050];
	v12 =	vsub.f32 v12, v0  }
0xe7: {  	vm1 =	vlt.s32 v4, $0xFFFF;
	v16 =	vld [tilespmem:s1+$0x4060];
	v11 =	vsub.f32 v11, v0;
	v13 =	vmul.f32 v13, v1  }
0xe8: {  	vm0 =	vlt.s32 v10, $0xFFFF;
	v12 =	vmul.f32 v12, v1;
	v9 =	vsub.f32 v9, v0  }
0xe9: {  	v11 =	vmul.f32 v11, v1;
	v2 =	vsub.f32 v2, v0;
	v13 =	vtrunc.f32 v13  }
0xea: {  	v14 =	vsub.f32 v14, v0;
	v9 =	vmul.f32 v9, v1;
	v13 =	vcvt.f32.s32 v13  }
0xeb: {  	v15 =	vsub.f32 v15, v0;
	v12 =	vtrunc.f32 v12;
	v2 =	vmul.f32 v2, v1  }
0xec: {  	[tilespmem:s0+$0xC000] =	vst v5;
	v5 =	vmul.f32 v14, v1;
	v14 =	vsub.f32 v16, v0;
	vm11 =	vlt.s32 v13, $0xFFFF  }
0xed: {  	[tilespmem:s0+$0xC010] =	vst v6;
	v6 =	vtrunc.f32 v11;
	v11 =	vmul.f32 v15, v1;
	v13 =	vnsel vm11, $0xFFFF, v13  }
0xee: {  	v3 =	vnsel vm3, $0xFFFF, v3;
	v9 =	vtrunc.f32 v9;
	v6 =	vcvt.f32.s32 v6;
	[tilespmem:s1+$0xC070] =	vst v13  }
0xef: {  	v14 =	vmul.f32 v14, v1;
	v2 =	vtrunc.f32 v2;
	[tilespmem:s0+$0xC020] =	vst v3;
	v3 =	vnsel vm4, $0xFFFF, v7  }
0xf0: {  	v5 =	vtrunc.f32 v5;
	[tilespmem:s0+$0xC030] =	vst v3;
	v3 =	vnsel vm2, $0xFFFF, v8;
	v8 =	vcvt.f32.s32 v12  }
0xf1: {  	v2 =	vcvt.f32.s32 v2;
	v5 =	vcvt.f32.s32 v5;
	[tilespmem:s0+$0xC040] =	vst v3;
	v3 =	vnsel vm1, $0xFFFF, v4  }
0xf2: {  	v4 =	vcvt.f32.s32 v9;
	[tilespmem:s0+$0xC050] =	vst v3;
	v3 =	vnsel vm0, $0xFFFF, v10;
	vm0 =	vlt.s32 v8, $0xFFFF  }
0xf3: {  	v7 =	vtrunc.f32 v11;
	vm1 =	vlt.s32 v6, $0xFFFF;
	[tilespmem:s0+$0xC060] =	vst v3;
	v3 =	vnsel vm0, $0xFFFF, v8  }
0xf4: {  	v11 =	vtrunc.f32 v14;
	vm0 =	vlt.s32 v4, $0xFFFF;
	[tilespmem:s1+$0xC000] =	vst v3;
	v3 =	vnsel vm1, $0xFFFF, v6  }
0xf5: {  	v6 =	vcvt.f32.s32 v7;
	vm1 =	vlt.s32 v2, $0xFFFF;
	[tilespmem:s1+$0xC010] =	vst v3;
	v3 =	vnsel vm0, $0xFFFF, v4  }
0xf6: {  	v4 =	vcvt.f32.s32 v11;
	vm0 =	vlt.s32 v5, $0xFFFF;
	v2 =	vnsel vm1, $0xFFFF, v2;
	[tilespmem:s1+$0xC020] =	vst v3  }
0xf7: {  	vm1 =	vlt.s32 v6, $0xFFFF;
	[tilespmem:s1+$0xC030] =	vst v2;
	v2 =	vnsel vm0, $0xFFFF, v5  }
0xf8: {  	vm0 =	vlt.s32 v4, $0xFFFF;
	[tilespmem:s1+$0xC040] =	vst v2;
	v2 =	vnsel vm1, $0xFFFF, v6  }
0xf9: {  	[tilespmem:s1+$0xC050] =	vst v2;
	v2 =	vnsel vm0, $0xFFFF, v4  }
0xfa: {  	[tilespmem:s1+$0xC060] =	vst v2  }
0xfb: {  	[spmem:s2] =	stream.indirect.scatter.add.s32 [tilespmem:s18], [sflag:$0x4], $0x1, s28, s22, $0xb8;
	[tilespmem:$0x16080] =	vst v63  }
0xfc: {  	s19 =	simm.s32 $0x0  }
0xfd: {  	[tilespmem:s22], [sflag:$0x2] =	stream.linear.gather [hbm4b:s15+s19], $0x4000, $0x38;
	[tilespmem:$0x16080] =	vst v63  }
0xfe: {  	_ =	swait.ge [sflag:s23], $0x4000  }
0xff: {  	[sflag:s23] =	ssyncset.done $0x0  }
0x100: {  	[sflag:s23] =	ssyncadd.s32 $0xFFFFC000  }
0x101: {  	_ =	swait.ge [sflag:s29], $0x4000  }
0x102: {  	[sflag:s29] =	ssyncset.done $0x0  }
0x103: {  	s3 =	simm.s32 $0x0;
	[sflag:s29] =	ssyncadd.s32 $0xFFFFC000  }
0x104: {  	v2 =	vld [tilespmem:s3+$0x70]  }
0x105: {  	v3 =	vld [tilespmem:s3+$0x0]  }
0x106: {  	v4 =	vld [tilespmem:s3+$0x10]  }
0x107: {  	v5 =	vld [tilespmem:s3+$0x20]  }
0x108: {  	v6 =	vld [tilespmem:s3+$0x30]  }
0x109: {  	v7 =	vld [tilespmem:s3+$0x40]  }
0x10a: {  	v8 =	vld [tilespmem:s3+$0x50];
	v2 =	vsub.f32 v2, v0  }
0x10b: {  	v9 =	vld [tilespmem:s3+$0x60]  }
0x10c: {  	v3 =	vsub.f32 v3, v0;
	v4 =	vsub.f32 v4, v0;
	v2 =	vmul.f32 v2, v1  }
0x10d: {  	v5 =	vsub.f32 v5, v0;
	v6 =	vsub.f32 v6, v0  }
0x10e: {  	v7 =	vsub.f32 v7, v0;
	v3 =	vmul.f32 v3, v1;
	v2 =	vtrunc.f32 v2  }
0x10f: {  	v8 =	vsub.f32 v8, v0;
	v4 =	vmul.f32 v4, v1;
	v2 =	vcvt.f32.s32 v2  }
0x110: {  	v9 =	vsub.f32 v9, v0;
	v5 =	vmul.f32 v5, v1;
	v6 =	vmul.f32 v6, v1  }
0x111: {  	v7 =	vmul.f32 v7, v1;
	v8 =	vmul.f32 v8, v1;
	vm0 =	vlt.s32 v2, $0xFFFF  }
0x112: {  	v9 =	vmul.f32 v9, v1;
	v3 =	vtrunc.f32 v3;
	v2 =	vnsel vm0, $0xFFFF, v2  }
0x113: {  	s0 =	simm.s32 $0x80;
	v4 =	vtrunc.f32 v4;
	v5 =	vtrunc.f32 v5;
	[tilespmem:s3+$0x8070] =	vst v2  }
0x114: {  	v2 =	vtrunc.f32 v6;
	v6 =	vtrunc.f32 v7;
	v7 =	vld [tilespmem:s0+$0x70]  }
0x115: {  	v8 =	vtrunc.f32 v8;
	v11 =	vcvt.f32.s32 v3;
	v10 =	vld [tilespmem:s0+$0x0]  }
0x116: {  	v12 =	vcvt.f32.s32 v4;
	v14 =	vcvt.f32.s32 v5;
	v13 =	vld [tilespmem:s0+$0x10]  }
0x117: {  	v9 =	vtrunc.f32 v9;
	v3 =	vcvt.f32.s32 v8;
	v5 =	vld [tilespmem:s0+$0x20]  }
0x118: {  	vm12 =	vlt.s32 v11, $0xFFFF;
	vm13 =	vlt.s32 v12, $0xFFFF;
	vm14 =	vlt.s32 v14, $0xFFFF;
	v8 =	vld [tilespmem:s0+$0x40]  }
0x119: {  	vm1 =	vlt.s32 v3, $0xFFFF;
	v11 =	vnsel vm12, $0xFFFF, v11;
	v15 =	vcvt.f32.s32 v2;
	v63 =	vld [tilespmem:s0+$0x60]  }
0x11a: {  	v12 =	vnsel vm13, $0xFFFF, v12;
	v4 =	vcvt.f32.s32 v6;
	v7 =	vsub.f32 v7, v0  }
0x11b: {  	v6 =	vld [tilespmem:s0+$0x30];
	v2 =	vcvt.f32.s32 v9;
	vm3 =	vlt.s32 v15, $0xFFFF;
	v9 =	vsub.f32 v10, v0  }
0x11c: {  	vm2 =	vlt.s32 v4, $0xFFFF;
	v10 =	vld [tilespmem:s0+$0x50];
	v13 =	vsub.f32 v13, v0;
	v7 =	vmul.f32 v7, v1  }
0x11d: {  	v5 =	vsub.f32 v5, v0;
	v8 =	vsub.f32 v8, v0;
	v9 =	vmul.f32 v9, v1  }
0x11e: {  	[tilespmem:s3+$0x8000] =	vst v11;
	v11 =	vsub.f32 v63, v0;
	v13 =	vmul.f32 v13, v1;
	v7 =	vtrunc.f32 v7  }
0x11f: {  	vm0 =	vlt.s32 v2, $0xFFFF;
	v17 =	vmul.f32 v5, v1;
	v7 =	vcvt.f32.s32 v7  }
0x120: {  	v6 =	vsub.f32 v6, v0;
	v8 =	vmul.f32 v8, v1;
	v11 =	vmul.f32 v11, v1  }
0x121: {  	v5 =	vtrunc.f32 v9;
	v10 =	vsub.f32 v10, v0;
	vm15 =	vlt.s32 v7, $0xFFFF  }
0x122: {  	[tilespmem:s3+$0x8010] =	vst v12;
	v9 =	vmul.f32 v6, v1;
	v6 =	vtrunc.f32 v13;
	v12 =	vnsel vm15, $0xFFFF, v7  }
0x123: {  	v8 =	vtrunc.f32 v8;
	v10 =	vmul.f32 v10, v1;
	[tilespmem:s0+$0x8070] =	vst v12;
	v12 =	vnsel vm14, $0xFFFF, v14  }
0x124: {  	s1 =	simm.s32 $0x100;
	s19 =	simm.s32 $0x600;
	v9 =	vtrunc.f32 v9;
	v7 =	vtrunc.f32 v17;
	[tilespmem:s3+$0x8020] =	vst v12;
	v12 =	vnsel vm3, $0xFFFF, v15  }
.LBB2_16:
0x125: {  	p1 =	sne.s32 s19, $0xFE00;
	v13 =	vld [tilespmem:s1+$0x70];
	v10 =	vtrunc.f32 v10;
	v11 =	vtrunc.f32 v11;
	[tilespmem:s3+$0x8030] =	vst v12;
	v4 =	vnsel vm2, $0xFFFF, v4  }
0x126: {  	v5 =	vcvt.f32.s32 v5;
	v6 =	vcvt.f32.s32 v6;
	v3 =	vnsel vm1, $0xFFFF, v3;
	v12 =	vld [tilespmem:s1+$0x0];
	[tilespmem:s3+$0x8040] =	vst v4  }
0x127: {  	v15 =	vcvt.f32.s32 v7;
	v16 =	vcvt.f32.s32 v9;
	v2 =	vnsel vm0, $0xFFFF, v2;
	v14 =	vld [tilespmem:s1+$0x10];
	[tilespmem:s3+$0x8050] =	vst v3  }
0x128: {  	v4 =	vcvt.f32.s32 v8;
	vm5 =	vlt.s32 v5, $0xFFFF;
	v3 =	vcvt.f32.s32 v10;
	v7 =	vld [tilespmem:s1+$0x20];
	[tilespmem:s3+$0x8060] =	vst v2;
	s3 =	smov.u32 s0;
	s0 =	smov.u32 s1  }
0x129: {  	vm6 =	vlt.s32 v6, $0xFFFF;
	vm4 =	vlt.s32 v15, $0xFFFF;
	v2 =	vcvt.f32.s32 v11;
	v8 =	vld [tilespmem:s0+$0x30]  }
0x12a: {  	vm3 =	vlt.s32 v16, $0xFFFF;
	vm2 =	vlt.s32 v4, $0xFFFF;
	v9 =	vld [tilespmem:s0+$0x40];
	v10 =	vsub.f32 v13, v0  }
0x12b: {  	vm1 =	vlt.s32 v3, $0xFFFF;
	vm0 =	vlt.s32 v2, $0xFFFF;
	v11 =	vsub.f32 v12, v0;
	v12 =	vld [tilespmem:s0+$0x50]  }
0x12c: {  	v5 =	vnsel vm5, $0xFFFF, v5;
	v13 =	vsub.f32 v14, v0;
	v14 =	vld [tilespmem:s0+$0x60];
	v10 =	vmul.f32 v10, v1  }
0x12d: {  	v11 =	vmul.f32 v11, v1;
	v7 =	vsub.f32 v7, v0;
	[tilespmem:s3+$0x8000] =	vst v5;
	v5 =	vnsel vm6, $0xFFFF, v6  }
0x12e: {  	v6 =	vmul.f32 v13, v1;
	v8 =	vsub.f32 v8, v0;
	v10 =	vtrunc.f32 v10;
	[tilespmem:s3+$0x8010] =	vst v5  }
0x12f: {  	v7 =	vmul.f32 v7, v1;
	v9 =	vsub.f32 v9, v0;
	v13 =	vcvt.f32.s32 v10  }
.Ltmp5:
0x130: {  	v5 =	vtrunc.f32 v11;
	v8 =	vmul.f32 v8, v1;
	v10 =	vsub.f32 v12, v0;
	(pc) =	sbr.rel @p1 .LBB2_16-.Ltmp5, $4  }
0x131: {  	v12 =	vmul.f32 v9, v1;
	v9 =	vsub.f32 v14, v0;
	vm5 =	vlt.s32 v13, $0xFFFF  }
0x132: {  	v6 =	vtrunc.f32 v6;
	v10 =	vmul.f32 v10, v1;
	v13 =	vnsel vm5, $0xFFFF, v13  }
0x133: {  	v7 =	vtrunc.f32 v7;
	v11 =	vmul.f32 v9, v1;
	[tilespmem:s0+$0x8070] =	vst v13;
	v13 =	vnsel vm4, $0xFFFF, v15  }
0x134: {  	s1 =	sshra.s32 s19, $0x2;
	s19 =	sadd.s32 $0x200, s19;
	v9 =	vtrunc.f32 v8;
	v8 =	vtrunc.f32 v12;
	v12 =	vnsel vm3, $0xFFFF, v16;
	[tilespmem:s3+$0x8020] =	vst v13  }
0x135: {  	v13 =	vld [tilespmem:s1+$0x70];
	[tilespmem:s3+$0x8030] =	vst v12;
	v4 =	vnsel vm2, $0xFFFF, v4;
	v5 =	vcvt.f32.s32 v5;
	v6 =	vcvt.f32.s32 v6  }
0x136: {  	v3 =	vnsel vm1, $0xFFFF, v3;
	v8 =	vcvt.f32.s32 v8;
	v12 =	vld [tilespmem:s1+$0x0];
	[tilespmem:s3+$0x8040] =	vst v4;
	v4 =	vtrunc.f32 v10  }
0x137: {  	v2 =	vnsel vm0, $0xFFFF, v2;
	v10 =	vtrunc.f32 v11;
	v11 =	vld [tilespmem:s1+$0x10];
	[tilespmem:s3+$0x8050] =	vst v3;
	v3 =	vcvt.f32.s32 v7  }
0x138: {  	v7 =	vcvt.f32.s32 v9;
	vm5 =	vlt.s32 v5, $0xFFFF;
	v4 =	vcvt.f32.s32 v4;
	v9 =	vld [tilespmem:s1+$0x20];
	[tilespmem:s3+$0x8060] =	vst v2  }
0x139: {  	vm6 =	vlt.s32 v6, $0xFFFF;
	v10 =	vcvt.f32.s32 v10;
	vm2 =	vlt.s32 v8, $0xFFFF;
	v2 =	vld [tilespmem:s1+$0x30]  }
0x13a: {  	v5 =	vnsel vm5, $0xFFFF, v5;
	v6 =	vnsel vm6, $0xFFFF, v6;
	v14 =	vld [tilespmem:s1+$0x40];
	v13 =	vsub.f32 v13, v0  }
0x13b: {  	vm3 =	vlt.s32 v3, $0xFFFF;
	vm4 =	vlt.s32 v7, $0xFFFF;
	v15 =	vld [tilespmem:s1+$0x50];
	v12 =	vsub.f32 v12, v0  }
0x13c: {  	vm1 =	vlt.s32 v4, $0xFFFF;
	v16 =	vld [tilespmem:s1+$0x60];
	v11 =	vsub.f32 v11, v0;
	v13 =	vmul.f32 v13, v1  }
0x13d: {  	vm0 =	vlt.s32 v10, $0xFFFF;
	v12 =	vmul.f32 v12, v1;
	v9 =	vsub.f32 v9, v0  }
0x13e: {  	v11 =	vmul.f32 v11, v1;
	v2 =	vsub.f32 v2, v0;
	v13 =	vtrunc.f32 v13  }
0x13f: {  	v14 =	vsub.f32 v14, v0;
	v9 =	vmul.f32 v9, v1;
	v13 =	vcvt.f32.s32 v13  }
0x140: {  	v15 =	vsub.f32 v15, v0;
	v12 =	vtrunc.f32 v12;
	v2 =	vmul.f32 v2, v1  }
0x141: {  	[tilespmem:s0+$0x8000] =	vst v5;
	v5 =	vmul.f32 v14, v1;
	v14 =	vsub.f32 v16, v0;
	vm11 =	vlt.s32 v13, $0xFFFF  }
0x142: {  	[tilespmem:s0+$0x8010] =	vst v6;
	v6 =	vtrunc.f32 v11;
	v11 =	vmul.f32 v15, v1;
	v13 =	vnsel vm11, $0xFFFF, v13  }
0x143: {  	v3 =	vnsel vm3, $0xFFFF, v3;
	v9 =	vtrunc.f32 v9;
	v6 =	vcvt.f32.s32 v6;
	[tilespmem:s1+$0x8070] =	vst v13  }
0x144: {  	v14 =	vmul.f32 v14, v1;
	v2 =	vtrunc.f32 v2;
	[tilespmem:s0+$0x8020] =	vst v3;
	v3 =	vnsel vm4, $0xFFFF, v7  }
0x145: {  	v5 =	vtrunc.f32 v5;
	[tilespmem:s0+$0x8030] =	vst v3;
	v3 =	vnsel vm2, $0xFFFF, v8;
	v8 =	vcvt.f32.s32 v12  }
0x146: {  	v2 =	vcvt.f32.s32 v2;
	v5 =	vcvt.f32.s32 v5;
	[tilespmem:s0+$0x8040] =	vst v3;
	v3 =	vnsel vm1, $0xFFFF, v4  }
0x147: {  	v4 =	vcvt.f32.s32 v9;
	[tilespmem:s0+$0x8050] =	vst v3;
	v3 =	vnsel vm0, $0xFFFF, v10;
	vm0 =	vlt.s32 v8, $0xFFFF  }
0x148: {  	v7 =	vtrunc.f32 v11;
	vm1 =	vlt.s32 v6, $0xFFFF;
	[tilespmem:s0+$0x8060] =	vst v3;
	v3 =	vnsel vm0, $0xFFFF, v8  }
0x149: {  	v11 =	vtrunc.f32 v14;
	vm0 =	vlt.s32 v4, $0xFFFF;
	[tilespmem:s1+$0x8000] =	vst v3;
	v3 =	vnsel vm1, $0xFFFF, v6  }
0x14a: {  	v6 =	vcvt.f32.s32 v7;
	vm1 =	vlt.s32 v2, $0xFFFF;
	[tilespmem:s1+$0x8010] =	vst v3;
	v3 =	vnsel vm0, $0xFFFF, v4  }
0x14b: {  	v4 =	vcvt.f32.s32 v11;
	vm0 =	vlt.s32 v5, $0xFFFF;
	v2 =	vnsel vm1, $0xFFFF, v2;
	[tilespmem:s1+$0x8020] =	vst v3  }
0x14c: {  	vm1 =	vlt.s32 v6, $0xFFFF;
	[tilespmem:s1+$0x8030] =	vst v2;
	v2 =	vnsel vm0, $0xFFFF, v5  }
0x14d: {  	vm0 =	vlt.s32 v4, $0xFFFF;
	[tilespmem:s1+$0x8040] =	vst v2;
	v2 =	vnsel vm1, $0xFFFF, v6  }
0x14e: {  	[tilespmem:s1+$0x8050] =	vst v2;
	v2 =	vnsel vm0, $0xFFFF, v4  }
0x14f: {  	[tilespmem:s1+$0x8060] =	vst v2  }
0x150: {  	[spmem:s2] =	stream.indirect.scatter.add.s32 [tilespmem:s18], [sflag:$0x3], $0x1, s25, s22, $0xb8;
	[tilespmem:$0x16080] =	vst v63  }
0x151: {  	_ =	swait.ge [sflag:s26], $0x4000  }
0x152: {  	[sflag:s26] =	ssyncset.done $0x0  }
0x153: {  	[sflag:s26] =	ssyncadd.s32 $0xFFFFC000  }
0x154: {  	_ =	swait.ge [sflag:s30], $0x4000  }
0x155: {  	[sflag:s30] =	ssyncset.done $0x0  }
0x156: {  	s3 =	simm.s32 $0x0;
	[sflag:s30] =	ssyncadd.s32 $0xFFFFC000  }
0x157: {  	v2 =	vld [tilespmem:s3+$0x4070]  }
0x158: {  	v3 =	vld [tilespmem:s3+$0x4000]  }
0x159: {  	v4 =	vld [tilespmem:s3+$0x4010]  }
0x15a: {  	v5 =	vld [tilespmem:s3+$0x4020]  }
0x15b: {  	v6 =	vld [tilespmem:s3+$0x4030]  }
0x15c: {  	v7 =	vld [tilespmem:s3+$0x4040]  }
0x15d: {  	v8 =	vld [tilespmem:s3+$0x4050];
	v2 =	vsub.f32 v2, v0  }
0x15e: {  	v9 =	vld [tilespmem:s3+$0x4060]  }
0x15f: {  	v3 =	vsub.f32 v3, v0;
	v4 =	vsub.f32 v4, v0;
	v2 =	vmul.f32 v2, v1  }
0x160: {  	v5 =	vsub.f32 v5, v0;
	v6 =	vsub.f32 v6, v0  }
0x161: {  	v7 =	vsub.f32 v7, v0;
	v3 =	vmul.f32 v3, v1;
	v2 =	vtrunc.f32 v2  }
0x162: {  	v8 =	vsub.f32 v8, v0;
	v4 =	vmul.f32 v4, v1;
	v2 =	vcvt.f32.s32 v2  }
0x163: {  	v9 =	vsub.f32 v9, v0;
	v5 =	vmul.f32 v5, v1;
	v6 =	vmul.f32 v6, v1  }
0x164: {  	v7 =	vmul.f32 v7, v1;
	v8 =	vmul.f32 v8, v1;
	vm0 =	vlt.s32 v2, $0xFFFF  }
0x165: {  	v9 =	vmul.f32 v9, v1;
	v3 =	vtrunc.f32 v3;
	v2 =	vnsel vm0, $0xFFFF, v2  }
0x166: {  	s0 =	simm.s32 $0x80;
	v4 =	vtrunc.f32 v4;
	v5 =	vtrunc.f32 v5;
	[tilespmem:s3+$0xC070] =	vst v2  }
0x167: {  	v2 =	vtrunc.f32 v6;
	v6 =	vtrunc.f32 v7;
	v7 =	vld [tilespmem:s0+$0x4070]  }
0x168: {  	v8 =	vtrunc.f32 v8;
	v11 =	vcvt.f32.s32 v3;
	v10 =	vld [tilespmem:s0+$0x4000]  }
0x169: {  	v12 =	vcvt.f32.s32 v4;
	v14 =	vcvt.f32.s32 v5;
	v13 =	vld [tilespmem:s0+$0x4010]  }
0x16a: {  	v9 =	vtrunc.f32 v9;
	v3 =	vcvt.f32.s32 v8;
	v5 =	vld [tilespmem:s0+$0x4020]  }
0x16b: {  	vm12 =	vlt.s32 v11, $0xFFFF;
	vm13 =	vlt.s32 v12, $0xFFFF;
	vm14 =	vlt.s32 v14, $0xFFFF;
	v8 =	vld [tilespmem:s0+$0x4040]  }
0x16c: {  	vm1 =	vlt.s32 v3, $0xFFFF;
	v11 =	vnsel vm12, $0xFFFF, v11;
	v15 =	vcvt.f32.s32 v2;
	v63 =	vld [tilespmem:s0+$0x4060]  }
0x16d: {  	v12 =	vnsel vm13, $0xFFFF, v12;
	v4 =	vcvt.f32.s32 v6;
	v7 =	vsub.f32 v7, v0  }
0x16e: {  	v6 =	vld [tilespmem:s0+$0x4030];
	v2 =	vcvt.f32.s32 v9;
	vm3 =	vlt.s32 v15, $0xFFFF;
	v9 =	vsub.f32 v10, v0  }
0x16f: {  	vm2 =	vlt.s32 v4, $0xFFFF;
	v10 =	vld [tilespmem:s0+$0x4050];
	v13 =	vsub.f32 v13, v0;
	v7 =	vmul.f32 v7, v1  }
0x170: {  	v5 =	vsub.f32 v5, v0;
	v8 =	vsub.f32 v8, v0;
	v9 =	vmul.f32 v9, v1  }
0x171: {  	[tilespmem:s3+$0xC000] =	vst v11;
	v11 =	vsub.f32 v63, v0;
	v13 =	vmul.f32 v13, v1;
	v7 =	vtrunc.f32 v7  }
0x172: {  	vm0 =	vlt.s32 v2, $0xFFFF;
	v17 =	vmul.f32 v5, v1;
	v7 =	vcvt.f32.s32 v7  }
0x173: {  	v6 =	vsub.f32 v6, v0;
	v8 =	vmul.f32 v8, v1;
	v11 =	vmul.f32 v11, v1  }
0x174: {  	v5 =	vtrunc.f32 v9;
	v10 =	vsub.f32 v10, v0;
	vm15 =	vlt.s32 v7, $0xFFFF  }
0x175: {  	[tilespmem:s3+$0xC010] =	vst v12;
	v9 =	vmul.f32 v6, v1;
	v6 =	vtrunc.f32 v13;
	v12 =	vnsel vm15, $0xFFFF, v7  }
0x176: {  	v8 =	vtrunc.f32 v8;
	v10 =	vmul.f32 v10, v1;
	[tilespmem:s0+$0xC070] =	vst v12;
	v12 =	vnsel vm14, $0xFFFF, v14  }
0x177: {  	s19 =	simm.s32 $0x600;
	s1 =	simm.s32 $0x100;
	v9 =	vtrunc.f32 v9;
	v7 =	vtrunc.f32 v17;
	[tilespmem:s3+$0xC020] =	vst v12;
	v12 =	vnsel vm3, $0xFFFF, v15  }
.LBB2_18:
0x178: {  	p1 =	sne.s32 s19, $0xFE00;
	v13 =	vld [tilespmem:s1+$0x4070];
	v10 =	vtrunc.f32 v10;
	v11 =	vtrunc.f32 v11;
	[tilespmem:s3+$0xC030] =	vst v12;
	v4 =	vnsel vm2, $0xFFFF, v4  }
0x179: {  	v5 =	vcvt.f32.s32 v5;
	v6 =	vcvt.f32.s32 v6;
	v3 =	vnsel vm1, $0xFFFF, v3;
	v12 =	vld [tilespmem:s1+$0x4000];
	[tilespmem:s3+$0xC040] =	vst v4  }
0x17a: {  	v15 =	vcvt.f32.s32 v7;
	v16 =	vcvt.f32.s32 v9;
	v2 =	vnsel vm0, $0xFFFF, v2;
	v14 =	vld [tilespmem:s1+$0x4010];
	[tilespmem:s3+$0xC050] =	vst v3  }
0x17b: {  	v4 =	vcvt.f32.s32 v8;
	vm5 =	vlt.s32 v5, $0xFFFF;
	v3 =	vcvt.f32.s32 v10;
	v7 =	vld [tilespmem:s1+$0x4020];
	[tilespmem:s3+$0xC060] =	vst v2;
	s3 =	smov.u32 s0;
	s0 =	smov.u32 s1  }
0x17c: {  	vm6 =	vlt.s32 v6, $0xFFFF;
	vm4 =	vlt.s32 v15, $0xFFFF;
	v2 =	vcvt.f32.s32 v11;
	v8 =	vld [tilespmem:s0+$0x4030]  }
0x17d: {  	vm3 =	vlt.s32 v16, $0xFFFF;
	vm2 =	vlt.s32 v4, $0xFFFF;
	v9 =	vld [tilespmem:s0+$0x4040];
	v10 =	vsub.f32 v13, v0  }
0x17e: {  	vm1 =	vlt.s32 v3, $0xFFFF;
	vm0 =	vlt.s32 v2, $0xFFFF;
	v11 =	vsub.f32 v12, v0;
	v12 =	vld [tilespmem:s0+$0x4050]  }
0x17f: {  	v5 =	vnsel vm5, $0xFFFF, v5;
	v13 =	vsub.f32 v14, v0;
	v14 =	vld [tilespmem:s0+$0x4060];
	v10 =	vmul.f32 v10, v1  }
0x180: {  	v11 =	vmul.f32 v11, v1;
	v7 =	vsub.f32 v7, v0;
	[tilespmem:s3+$0xC000] =	vst v5;
	v5 =	vnsel vm6, $0xFFFF, v6  }
0x181: {  	v6 =	vmul.f32 v13, v1;
	v8 =	vsub.f32 v8, v0;
	v10 =	vtrunc.f32 v10;
	[tilespmem:s3+$0xC010] =	vst v5  }
0x182: {  	v7 =	vmul.f32 v7, v1;
	v9 =	vsub.f32 v9, v0;
	v13 =	vcvt.f32.s32 v10  }
.Ltmp6:
0x183: {  	v5 =	vtrunc.f32 v11;
	v8 =	vmul.f32 v8, v1;
	v10 =	vsub.f32 v12, v0;
	(pc) =	sbr.rel @p1 .LBB2_18-.Ltmp6, $4  }
0x184: {  	v12 =	vmul.f32 v9, v1;
	v9 =	vsub.f32 v14, v0;
	vm5 =	vlt.s32 v13, $0xFFFF  }
0x185: {  	v6 =	vtrunc.f32 v6;
	v10 =	vmul.f32 v10, v1;
	v13 =	vnsel vm5, $0xFFFF, v13  }
0x186: {  	v7 =	vtrunc.f32 v7;
	v11 =	vmul.f32 v9, v1;
	[tilespmem:s0+$0xC070] =	vst v13;
	v13 =	vnsel vm4, $0xFFFF, v15  }
0x187: {  	s1 =	sshra.s32 s19, $0x2;
	s19 =	sadd.s32 $0x200, s19;
	v9 =	vtrunc.f32 v8;
	v8 =	vtrunc.f32 v12;
	v12 =	vnsel vm3, $0xFFFF, v16;
	[tilespmem:s3+$0xC020] =	vst v13  }
.Ltmp7:
0x188: {  	_ = 	snop;
	(pc) =	sbr.rel .LBB2_19-.Ltmp7, $1  }
0x189: {  	_ =	sdelay $0x3  }
.LBB2_2:
0x18a: {  	[tilespmem:s0], [sflag:$0x1] =	stream.linear.gather [hbm4b:s7+s0], $0x4000, $0x38;
	[tilespmem:$0x16080] =	vst v63  }
0x18b: {  	_ = 	snop  }
0x18c: {  	[tilespmem:s22], [sflag:$0x2] =	stream.linear.gather [hbm4b:s9+s0], $0x4000, $0x38;
	[tilespmem:$0x16080] =	vst v63  }
0x18d: {  	_ =	swait.ge [sflag:s23], $0x4000  }
0x18e: {  	[sflag:s23] =	ssyncset.done $0x0  }
0x18f: {  	s3 =	simm.s32 $0x0;
	[sflag:s23] =	ssyncadd.s32 $0xFFFFC000  }
0x190: {  	v2 =	vld [tilespmem:s3+$0x70]  }
0x191: {  	v3 =	vld [tilespmem:s3+$0x0]  }
0x192: {  	v4 =	vld [tilespmem:s3+$0x10]  }
0x193: {  	v5 =	vld [tilespmem:s3+$0x20]  }
0x194: {  	v6 =	vld [tilespmem:s3+$0x30]  }
0x195: {  	v7 =	vld [tilespmem:s3+$0x40]  }
0x196: {  	v8 =	vld [tilespmem:s3+$0x50];
	v2 =	vsub.f32 v2, v0  }
0x197: {  	v9 =	vld [tilespmem:s3+$0x60]  }
0x198: {  	v3 =	vsub.f32 v3, v0;
	v4 =	vsub.f32 v4, v0;
	v2 =	vmul.f32 v2, v1  }
0x199: {  	v5 =	vsub.f32 v5, v0;
	v6 =	vsub.f32 v6, v0  }
0x19a: {  	v7 =	vsub.f32 v7, v0;
	v3 =	vmul.f32 v3, v1;
	v2 =	vtrunc.f32 v2  }
0x19b: {  	v8 =	vsub.f32 v8, v0;
	v4 =	vmul.f32 v4, v1;
	v2 =	vcvt.f32.s32 v2  }
0x19c: {  	v9 =	vsub.f32 v9, v0;
	v5 =	vmul.f32 v5, v1;
	v6 =	vmul.f32 v6, v1  }
0x19d: {  	v7 =	vmul.f32 v7, v1;
	v8 =	vmul.f32 v8, v1;
	vm0 =	vlt.s32 v2, $0xFFFF  }
0x19e: {  	v9 =	vmul.f32 v9, v1;
	v3 =	vtrunc.f32 v3;
	v2 =	vnsel vm0, $0xFFFF, v2  }
0x19f: {  	s0 =	simm.s32 $0x80;
	v4 =	vtrunc.f32 v4;
	v5 =	vtrunc.f32 v5;
	[tilespmem:s3+$0x8070] =	vst v2  }
0x1a0: {  	v2 =	vtrunc.f32 v6;
	v6 =	vtrunc.f32 v7;
	v7 =	vld [tilespmem:s0+$0x70]  }
0x1a1: {  	v8 =	vtrunc.f32 v8;
	v11 =	vcvt.f32.s32 v3;
	v10 =	vld [tilespmem:s0+$0x0]  }
0x1a2: {  	v12 =	vcvt.f32.s32 v4;
	v14 =	vcvt.f32.s32 v5;
	v13 =	vld [tilespmem:s0+$0x10]  }
0x1a3: {  	v9 =	vtrunc.f32 v9;
	v3 =	vcvt.f32.s32 v8;
	v5 =	vld [tilespmem:s0+$0x20]  }
0x1a4: {  	vm5 =	vlt.s32 v11, $0xFFFF;
	vm6 =	vlt.s32 v12, $0xFFFF;
	vm4 =	vlt.s32 v14, $0xFFFF;
	v8 =	vld [tilespmem:s0+$0x40]  }
0x1a5: {  	vm1 =	vlt.s32 v3, $0xFFFF;
	v11 =	vnsel vm5, $0xFFFF, v11;
	v15 =	vcvt.f32.s32 v2;
	v16 =	vld [tilespmem:s0+$0x60]  }
0x1a6: {  	v12 =	vnsel vm6, $0xFFFF, v12;
	v4 =	vcvt.f32.s32 v6;
	v7 =	vsub.f32 v7, v0  }
0x1a7: {  	v6 =	vld [tilespmem:s0+$0x30];
	v2 =	vcvt.f32.s32 v9;
	vm3 =	vlt.s32 v15, $0xFFFF;
	v9 =	vsub.f32 v10, v0  }
0x1a8: {  	vm2 =	vlt.s32 v4, $0xFFFF;
	v10 =	vld [tilespmem:s0+$0x50];
	v13 =	vsub.f32 v13, v0;
	v7 =	vmul.f32 v7, v1  }
0x1a9: {  	v5 =	vsub.f32 v5, v0;
	v8 =	vsub.f32 v8, v0;
	v9 =	vmul.f32 v9, v1  }
0x1aa: {  	[tilespmem:s3+$0x8000] =	vst v11;
	v11 =	vsub.f32 v16, v0;
	v13 =	vmul.f32 v13, v1;
	v7 =	vtrunc.f32 v7  }
0x1ab: {  	vm0 =	vlt.s32 v2, $0xFFFF;
	v17 =	vmul.f32 v5, v1;
	v7 =	vcvt.f32.s32 v7  }
0x1ac: {  	v6 =	vsub.f32 v6, v0;
	v8 =	vmul.f32 v8, v1;
	v11 =	vmul.f32 v11, v1  }
0x1ad: {  	v5 =	vtrunc.f32 v9;
	v10 =	vsub.f32 v10, v0;
	vm15 =	vlt.s32 v7, $0xFFFF  }
0x1ae: {  	[tilespmem:s3+$0x8010] =	vst v12;
	v9 =	vmul.f32 v6, v1;
	v6 =	vtrunc.f32 v13;
	v12 =	vnsel vm15, $0xFFFF, v7  }
0x1af: {  	v8 =	vtrunc.f32 v8;
	v10 =	vmul.f32 v10, v1;
	[tilespmem:s0+$0x8070] =	vst v12;
	v12 =	vnsel vm4, $0xFFFF, v14  }
0x1b0: {  	s1 =	simm.s32 $0x100;
	s19 =	simm.s32 $0x600;
	v9 =	vtrunc.f32 v9;
	v7 =	vtrunc.f32 v17;
	[tilespmem:s3+$0x8020] =	vst v12;
	v12 =	vnsel vm3, $0xFFFF, v15  }
.LBB2_3:
0x1b1: {  	p1 =	sne.s32 s19, $0xFE00;
	v13 =	vld [tilespmem:s1+$0x70];
	v10 =	vtrunc.f32 v10;
	v11 =	vtrunc.f32 v11;
	[tilespmem:s3+$0x8030] =	vst v12;
	v4 =	vnsel vm2, $0xFFFF, v4  }
0x1b2: {  	v5 =	vcvt.f32.s32 v5;
	v6 =	vcvt.f32.s32 v6;
	v3 =	vnsel vm1, $0xFFFF, v3;
	v12 =	vld [tilespmem:s1+$0x0];
	[tilespmem:s3+$0x8040] =	vst v4  }
0x1b3: {  	v15 =	vcvt.f32.s32 v7;
	v16 =	vcvt.f32.s32 v9;
	v2 =	vnsel vm0, $0xFFFF, v2;
	v14 =	vld [tilespmem:s1+$0x10];
	[tilespmem:s3+$0x8050] =	vst v3  }
0x1b4: {  	v4 =	vcvt.f32.s32 v8;
	vm5 =	vlt.s32 v5, $0xFFFF;
	v3 =	vcvt.f32.s32 v10;
	v7 =	vld [tilespmem:s1+$0x20];
	[tilespmem:s3+$0x8060] =	vst v2;
	s3 =	smov.u32 s0;
	s0 =	smov.u32 s1  }
0x1b5: {  	vm6 =	vlt.s32 v6, $0xFFFF;
	vm4 =	vlt.s32 v15, $0xFFFF;
	v2 =	vcvt.f32.s32 v11;
	v8 =	vld [tilespmem:s0+$0x30]  }
0x1b6: {  	vm3 =	vlt.s32 v16, $0xFFFF;
	vm2 =	vlt.s32 v4, $0xFFFF;
	v9 =	vld [tilespmem:s0+$0x40];
	v10 =	vsub.f32 v13, v0  }
0x1b7: {  	vm1 =	vlt.s32 v3, $0xFFFF;
	vm0 =	vlt.s32 v2, $0xFFFF;
	v11 =	vsub.f32 v12, v0;
	v12 =	vld [tilespmem:s0+$0x50]  }
0x1b8: {  	v5 =	vnsel vm5, $0xFFFF, v5;
	v13 =	vsub.f32 v14, v0;
	v14 =	vld [tilespmem:s0+$0x60];
	v10 =	vmul.f32 v10, v1  }
0x1b9: {  	v11 =	vmul.f32 v11, v1;
	v7 =	vsub.f32 v7, v0;
	[tilespmem:s3+$0x8000] =	vst v5;
	v5 =	vnsel vm6, $0xFFFF, v6  }
0x1ba: {  	v6 =	vmul.f32 v13, v1;
	v8 =	vsub.f32 v8, v0;
	v10 =	vtrunc.f32 v10;
	[tilespmem:s3+$0x8010] =	vst v5  }
0x1bb: {  	v7 =	vmul.f32 v7, v1;
	v9 =	vsub.f32 v9, v0;
	v13 =	vcvt.f32.s32 v10  }
.Ltmp8:
0x1bc: {  	v5 =	vtrunc.f32 v11;
	v8 =	vmul.f32 v8, v1;
	v10 =	vsub.f32 v12, v0;
	(pc) =	sbr.rel @p1 .LBB2_3-.Ltmp8, $4  }
0x1bd: {  	v12 =	vmul.f32 v9, v1;
	v9 =	vsub.f32 v14, v0;
	vm5 =	vlt.s32 v13, $0xFFFF  }
0x1be: {  	v6 =	vtrunc.f32 v6;
	v10 =	vmul.f32 v10, v1;
	v13 =	vnsel vm5, $0xFFFF, v13  }
0x1bf: {  	v7 =	vtrunc.f32 v7;
	v11 =	vmul.f32 v9, v1;
	[tilespmem:s0+$0x8070] =	vst v13;
	v13 =	vnsel vm4, $0xFFFF, v15  }
0x1c0: {  	s1 =	sshra.s32 s19, $0x2;
	s19 =	sadd.s32 $0x200, s19;
	v9 =	vtrunc.f32 v8;
	v8 =	vtrunc.f32 v12;
	v12 =	vnsel vm3, $0xFFFF, v16;
	[tilespmem:s3+$0x8020] =	vst v13  }
0x1c1: {  	v13 =	vld [tilespmem:s1+$0x70];
	[tilespmem:s3+$0x8030] =	vst v12;
	v4 =	vnsel vm2, $0xFFFF, v4;
	v5 =	vcvt.f32.s32 v5;
	v6 =	vcvt.f32.s32 v6  }
0x1c2: {  	v3 =	vnsel vm1, $0xFFFF, v3;
	v8 =	vcvt.f32.s32 v8;
	v12 =	vld [tilespmem:s1+$0x0];
	[tilespmem:s3+$0x8040] =	vst v4;
	v4 =	vtrunc.f32 v10  }
0x1c3: {  	v2 =	vnsel vm0, $0xFFFF, v2;
	v10 =	vtrunc.f32 v11;
	v11 =	vld [tilespmem:s1+$0x10];
	[tilespmem:s3+$0x8050] =	vst v3;
	v3 =	vcvt.f32.s32 v7  }
0x1c4: {  	v7 =	vcvt.f32.s32 v9;
	vm5 =	vlt.s32 v5, $0xFFFF;
	v4 =	vcvt.f32.s32 v4;
	v9 =	vld [tilespmem:s1+$0x20];
	[tilespmem:s3+$0x8060] =	vst v2  }
0x1c5: {  	vm6 =	vlt.s32 v6, $0xFFFF;
	v10 =	vcvt.f32.s32 v10;
	vm2 =	vlt.s32 v8, $0xFFFF;
	v2 =	vld [tilespmem:s1+$0x30]  }
0x1c6: {  	v5 =	vnsel vm5, $0xFFFF, v5;
	v6 =	vnsel vm6, $0xFFFF, v6;
	v14 =	vld [tilespmem:s1+$0x40];
	v13 =	vsub.f32 v13, v0  }
0x1c7: {  	vm3 =	vlt.s32 v3, $0xFFFF;
	vm4 =	vlt.s32 v7, $0xFFFF;
	v15 =	vld [tilespmem:s1+$0x50];
	v12 =	vsub.f32 v12, v0  }
0x1c8: {  	vm1 =	vlt.s32 v4, $0xFFFF;
	v16 =	vld [tilespmem:s1+$0x60];
	v11 =	vsub.f32 v11, v0;
	v13 =	vmul.f32 v13, v1  }
0x1c9: {  	vm0 =	vlt.s32 v10, $0xFFFF;
	v12 =	vmul.f32 v12, v1;
	v9 =	vsub.f32 v9, v0  }
0x1ca: {  	v11 =	vmul.f32 v11, v1;
	v2 =	vsub.f32 v2, v0;
	v13 =	vtrunc.f32 v13  }
0x1cb: {  	v14 =	vsub.f32 v14, v0;
	v9 =	vmul.f32 v9, v1;
	v13 =	vcvt.f32.s32 v13  }
0x1cc: {  	v15 =	vsub.f32 v15, v0;
	v12 =	vtrunc.f32 v12;
	v2 =	vmul.f32 v2, v1  }
0x1cd: {  	[tilespmem:s0+$0x8000] =	vst v5;
	v5 =	vmul.f32 v14, v1;
	v14 =	vsub.f32 v16, v0;
	vm11 =	vlt.s32 v13, $0xFFFF  }
0x1ce: {  	[tilespmem:s0+$0x8010] =	vst v6;
	v6 =	vtrunc.f32 v11;
	v11 =	vmul.f32 v15, v1;
	v13 =	vnsel vm11, $0xFFFF, v13  }
0x1cf: {  	v3 =	vnsel vm3, $0xFFFF, v3;
	v9 =	vtrunc.f32 v9;
	v6 =	vcvt.f32.s32 v6;
	[tilespmem:s1+$0x8070] =	vst v13  }
0x1d0: {  	v14 =	vmul.f32 v14, v1;
	v2 =	vtrunc.f32 v2;
	[tilespmem:s0+$0x8020] =	vst v3;
	v3 =	vnsel vm4, $0xFFFF, v7  }
0x1d1: {  	v5 =	vtrunc.f32 v5;
	[tilespmem:s0+$0x8030] =	vst v3;
	v3 =	vnsel vm2, $0xFFFF, v8;
	v8 =	vcvt.f32.s32 v12  }
0x1d2: {  	v2 =	vcvt.f32.s32 v2;
	v5 =	vcvt.f32.s32 v5;
	[tilespmem:s0+$0x8040] =	vst v3;
	v3 =	vnsel vm1, $0xFFFF, v4  }
0x1d3: {  	v4 =	vcvt.f32.s32 v9;
	[tilespmem:s0+$0x8050] =	vst v3;
	v3 =	vnsel vm0, $0xFFFF, v10;
	vm0 =	vlt.s32 v8, $0xFFFF  }
0x1d4: {  	v7 =	vtrunc.f32 v11;
	vm1 =	vlt.s32 v6, $0xFFFF;
	[tilespmem:s0+$0x8060] =	vst v3;
	v3 =	vnsel vm0, $0xFFFF, v8  }
0x1d5: {  	v11 =	vtrunc.f32 v14;
	vm0 =	vlt.s32 v4, $0xFFFF;
	[tilespmem:s1+$0x8000] =	vst v3;
	v3 =	vnsel vm1, $0xFFFF, v6  }
0x1d6: {  	v6 =	vcvt.f32.s32 v7;
	vm1 =	vlt.s32 v2, $0xFFFF;
	[tilespmem:s1+$0x8010] =	vst v3;
	v3 =	vnsel vm0, $0xFFFF, v4  }
0x1d7: {  	v4 =	vcvt.f32.s32 v11;
	vm0 =	vlt.s32 v5, $0xFFFF;
	v2 =	vnsel vm1, $0xFFFF, v2;
	[tilespmem:s1+$0x8020] =	vst v3  }
0x1d8: {  	vm1 =	vlt.s32 v6, $0xFFFF;
	[tilespmem:s1+$0x8030] =	vst v2;
	v2 =	vnsel vm0, $0xFFFF, v5  }
0x1d9: {  	vm0 =	vlt.s32 v4, $0xFFFF;
	[tilespmem:s1+$0x8040] =	vst v2;
	v2 =	vnsel vm1, $0xFFFF, v6  }
0x1da: {  	[tilespmem:s1+$0x8050] =	vst v2;
	v2 =	vnsel vm0, $0xFFFF, v4  }
0x1db: {  	[tilespmem:s1+$0x8060] =	vst v2  }
0x1dc: {  	_ =	swait.ge [sflag:s24], $0x4000  }
0x1dd: {  	[sflag:s24] =	ssyncset.done $0x0  }
0x1de: {  	[sflag:s24] =	ssyncadd.s32 $0xFFFFC000  }
0x1df: {  	[spmem:s2] =	stream.indirect.scatter.add.s32 [tilespmem:s18], [sflag:$0x3], $0x1, s25, s22, $0xb8;
	[tilespmem:$0x16080] =	vst v63  }
0x1e0: {  	s19 =	simm.s32 $0x0  }
0x1e1: {  	[tilespmem:s19], [sflag:$0x1] =	stream.linear.gather [hbm4b:s10+s19], $0x4000, $0x38;
	[tilespmem:$0x16080] =	vst v63  }
0x1e2: {  	_ =	swait.ge [sflag:s26], $0x4000  }
0x1e3: {  	[sflag:s26] =	ssyncset.done $0x0  }
0x1e4: {  	s3 =	simm.s32 $0x0;
	[sflag:s26] =	ssyncadd.s32 $0xFFFFC000  }
0x1e5: {  	v2 =	vld [tilespmem:s3+$0x4070]  }
0x1e6: {  	v3 =	vld [tilespmem:s3+$0x4000]  }
0x1e7: {  	v4 =	vld [tilespmem:s3+$0x4010]  }
0x1e8: {  	v5 =	vld [tilespmem:s3+$0x4020]  }
0x1e9: {  	v6 =	vld [tilespmem:s3+$0x4030]  }
0x1ea: {  	v7 =	vld [tilespmem:s3+$0x4040]  }
0x1eb: {  	v8 =	vld [tilespmem:s3+$0x4050];
	v2 =	vsub.f32 v2, v0  }
0x1ec: {  	v9 =	vld [tilespmem:s3+$0x4060]  }
0x1ed: {  	v3 =	vsub.f32 v3, v0;
	v4 =	vsub.f32 v4, v0;
	v2 =	vmul.f32 v2, v1  }
0x1ee: {  	v5 =	vsub.f32 v5, v0;
	v6 =	vsub.f32 v6, v0  }
0x1ef: {  	v7 =	vsub.f32 v7, v0;
	v3 =	vmul.f32 v3, v1;
	v2 =	vtrunc.f32 v2  }
0x1f0: {  	v8 =	vsub.f32 v8, v0;
	v4 =	vmul.f32 v4, v1;
	v2 =	vcvt.f32.s32 v2  }
0x1f1: {  	v9 =	vsub.f32 v9, v0;
	v5 =	vmul.f32 v5, v1;
	v6 =	vmul.f32 v6, v1  }
0x1f2: {  	v7 =	vmul.f32 v7, v1;
	v8 =	vmul.f32 v8, v1;
	vm0 =	vlt.s32 v2, $0xFFFF  }
0x1f3: {  	v9 =	vmul.f32 v9, v1;
	v3 =	vtrunc.f32 v3;
	v2 =	vnsel vm0, $0xFFFF, v2  }
0x1f4: {  	s0 =	simm.s32 $0x80;
	v4 =	vtrunc.f32 v4;
	v5 =	vtrunc.f32 v5;
	[tilespmem:s3+$0xC070] =	vst v2  }
0x1f5: {  	v2 =	vtrunc.f32 v6;
	v6 =	vtrunc.f32 v7;
	v7 =	vld [tilespmem:s0+$0x4070]  }
0x1f6: {  	v8 =	vtrunc.f32 v8;
	v11 =	vcvt.f32.s32 v3;
	v10 =	vld [tilespmem:s0+$0x4000]  }
0x1f7: {  	v12 =	vcvt.f32.s32 v4;
	v14 =	vcvt.f32.s32 v5;
	v13 =	vld [tilespmem:s0+$0x4010]  }
0x1f8: {  	v9 =	vtrunc.f32 v9;
	v3 =	vcvt.f32.s32 v8;
	v5 =	vld [tilespmem:s0+$0x4020]  }
0x1f9: {  	vm12 =	vlt.s32 v11, $0xFFFF;
	vm13 =	vlt.s32 v12, $0xFFFF;
	vm14 =	vlt.s32 v14, $0xFFFF;
	v8 =	vld [tilespmem:s0+$0x4040]  }
0x1fa: {  	vm1 =	vlt.s32 v3, $0xFFFF;
	v11 =	vnsel vm12, $0xFFFF, v11;
	v15 =	vcvt.f32.s32 v2;
	v63 =	vld [tilespmem:s0+$0x4060]  }
0x1fb: {  	v12 =	vnsel vm13, $0xFFFF, v12;
	v4 =	vcvt.f32.s32 v6;
	v7 =	vsub.f32 v7, v0  }
0x1fc: {  	v6 =	vld [tilespmem:s0+$0x4030];
	v2 =	vcvt.f32.s32 v9;
	vm3 =	vlt.s32 v15, $0xFFFF;
	v9 =	vsub.f32 v10, v0  }
0x1fd: {  	vm2 =	vlt.s32 v4, $0xFFFF;
	v10 =	vld [tilespmem:s0+$0x4050];
	v13 =	vsub.f32 v13, v0;
	v7 =	vmul.f32 v7, v1  }
0x1fe: {  	v5 =	vsub.f32 v5, v0;
	v8 =	vsub.f32 v8, v0;
	v9 =	vmul.f32 v9, v1  }
0x1ff: {  	[tilespmem:s3+$0xC000] =	vst v11;
	v11 =	vsub.f32 v63, v0;
	v13 =	vmul.f32 v13, v1;
	v7 =	vtrunc.f32 v7  }
0x200: {  	vm0 =	vlt.s32 v2, $0xFFFF;
	v17 =	vmul.f32 v5, v1;
	v7 =	vcvt.f32.s32 v7  }
0x201: {  	v6 =	vsub.f32 v6, v0;
	v8 =	vmul.f32 v8, v1;
	v11 =	vmul.f32 v11, v1  }
0x202: {  	v5 =	vtrunc.f32 v9;
	v10 =	vsub.f32 v10, v0;
	vm15 =	vlt.s32 v7, $0xFFFF  }
0x203: {  	[tilespmem:s3+$0xC010] =	vst v12;
	v9 =	vmul.f32 v6, v1;
	v6 =	vtrunc.f32 v13;
	v12 =	vnsel vm15, $0xFFFF, v7  }
0x204: {  	v8 =	vtrunc.f32 v8;
	v10 =	vmul.f32 v10, v1;
	[tilespmem:s0+$0xC070] =	vst v12;
	v12 =	vnsel vm14, $0xFFFF, v14  }
0x205: {  	s1 =	simm.s32 $0x100;
	s19 =	simm.s32 $0x600;
	v9 =	vtrunc.f32 v9;
	v7 =	vtrunc.f32 v17;
	[tilespmem:s3+$0xC020] =	vst v12;
	v12 =	vnsel vm3, $0xFFFF, v15  }
.LBB2_5:
0x206: {  	p1 =	sne.s32 s19, $0xFE00;
	v13 =	vld [tilespmem:s1+$0x4070];
	v10 =	vtrunc.f32 v10;
	v11 =	vtrunc.f32 v11;
	[tilespmem:s3+$0xC030] =	vst v12;
	v4 =	vnsel vm2, $0xFFFF, v4  }
0x207: {  	v5 =	vcvt.f32.s32 v5;
	v6 =	vcvt.f32.s32 v6;
	v3 =	vnsel vm1, $0xFFFF, v3;
	v12 =	vld [tilespmem:s1+$0x4000];
	[tilespmem:s3+$0xC040] =	vst v4  }
0x208: {  	v15 =	vcvt.f32.s32 v7;
	v16 =	vcvt.f32.s32 v9;
	v2 =	vnsel vm0, $0xFFFF, v2;
	v14 =	vld [tilespmem:s1+$0x4010];
	[tilespmem:s3+$0xC050] =	vst v3  }
0x209: {  	v4 =	vcvt.f32.s32 v8;
	vm5 =	vlt.s32 v5, $0xFFFF;
	v3 =	vcvt.f32.s32 v10;
	v7 =	vld [tilespmem:s1+$0x4020];
	[tilespmem:s3+$0xC060] =	vst v2;
	s3 =	smov.u32 s0;
	s0 =	smov.u32 s1  }
0x20a: {  	vm6 =	vlt.s32 v6, $0xFFFF;
	vm4 =	vlt.s32 v15, $0xFFFF;
	v2 =	vcvt.f32.s32 v11;
	v8 =	vld [tilespmem:s0+$0x4030]  }
0x20b: {  	vm3 =	vlt.s32 v16, $0xFFFF;
	vm2 =	vlt.s32 v4, $0xFFFF;
	v9 =	vld [tilespmem:s0+$0x4040];
	v10 =	vsub.f32 v13, v0  }
0x20c: {  	vm1 =	vlt.s32 v3, $0xFFFF;
	vm0 =	vlt.s32 v2, $0xFFFF;
	v11 =	vsub.f32 v12, v0;
	v12 =	vld [tilespmem:s0+$0x4050]  }
0x20d: {  	v5 =	vnsel vm5, $0xFFFF, v5;
	v13 =	vsub.f32 v14, v0;
	v14 =	vld [tilespmem:s0+$0x4060];
	v10 =	vmul.f32 v10, v1  }
0x20e: {  	v11 =	vmul.f32 v11, v1;
	v7 =	vsub.f32 v7, v0;
	[tilespmem:s3+$0xC000] =	vst v5;
	v5 =	vnsel vm6, $0xFFFF, v6  }
0x20f: {  	v6 =	vmul.f32 v13, v1;
	v8 =	vsub.f32 v8, v0;
	v10 =	vtrunc.f32 v10;
	[tilespmem:s3+$0xC010] =	vst v5  }
0x210: {  	v7 =	vmul.f32 v7, v1;
	v9 =	vsub.f32 v9, v0;
	v13 =	vcvt.f32.s32 v10  }
.Ltmp9:
0x211: {  	v5 =	vtrunc.f32 v11;
	v8 =	vmul.f32 v8, v1;
	v10 =	vsub.f32 v12, v0;
	(pc) =	sbr.rel @p1 .LBB2_5-.Ltmp9, $4  }
0x212: {  	v12 =	vmul.f32 v9, v1;
	v9 =	vsub.f32 v14, v0;
	vm5 =	vlt.s32 v13, $0xFFFF  }
0x213: {  	v6 =	vtrunc.f32 v6;
	v10 =	vmul.f32 v10, v1;
	v13 =	vnsel vm5, $0xFFFF, v13  }
0x214: {  	v7 =	vtrunc.f32 v7;
	v11 =	vmul.f32 v9, v1;
	[tilespmem:s0+$0xC070] =	vst v13;
	v13 =	vnsel vm4, $0xFFFF, v15  }
0x215: {  	s1 =	sshra.s32 s19, $0x2;
	s19 =	sadd.s32 $0x200, s19;
	v9 =	vtrunc.f32 v8;
	v8 =	vtrunc.f32 v12;
	v12 =	vnsel vm3, $0xFFFF, v16;
	[tilespmem:s3+$0xC020] =	vst v13  }
0x216: {  	v13 =	vld [tilespmem:s1+$0x4070];
	[tilespmem:s3+$0xC030] =	vst v12;
	v4 =	vnsel vm2, $0xFFFF, v4;
	v5 =	vcvt.f32.s32 v5;
	v6 =	vcvt.f32.s32 v6  }
0x217: {  	v3 =	vnsel vm1, $0xFFFF, v3;
	v8 =	vcvt.f32.s32 v8;
	v12 =	vld [tilespmem:s1+$0x4000];
	[tilespmem:s3+$0xC040] =	vst v4;
	v4 =	vtrunc.f32 v10  }
0x218: {  	v2 =	vnsel vm0, $0xFFFF, v2;
	v10 =	vtrunc.f32 v11;
	v11 =	vld [tilespmem:s1+$0x4010];
	[tilespmem:s3+$0xC050] =	vst v3;
	v3 =	vcvt.f32.s32 v7  }
0x219: {  	v7 =	vcvt.f32.s32 v9;
	vm5 =	vlt.s32 v5, $0xFFFF;
	v4 =	vcvt.f32.s32 v4;
	v9 =	vld [tilespmem:s1+$0x4020];
	[tilespmem:s3+$0xC060] =	vst v2  }
0x21a: {  	vm6 =	vlt.s32 v6, $0xFFFF;
	v10 =	vcvt.f32.s32 v10;
	vm2 =	vlt.s32 v8, $0xFFFF;
	v2 =	vld [tilespmem:s1+$0x4030]  }
0x21b: {  	v5 =	vnsel vm5, $0xFFFF, v5;
	v6 =	vnsel vm6, $0xFFFF, v6;
	v14 =	vld [tilespmem:s1+$0x4040];
	v13 =	vsub.f32 v13, v0  }
0x21c: {  	vm3 =	vlt.s32 v3, $0xFFFF;
	vm4 =	vlt.s32 v7, $0xFFFF;
	v15 =	vld [tilespmem:s1+$0x4050];
	v12 =	vsub.f32 v12, v0  }
0x21d: {  	vm1 =	vlt.s32 v4, $0xFFFF;
	v16 =	vld [tilespmem:s1+$0x4060];
	v11 =	vsub.f32 v11, v0;
	v13 =	vmul.f32 v13, v1  }
0x21e: {  	vm0 =	vlt.s32 v10, $0xFFFF;
	v12 =	vmul.f32 v12, v1;
	v9 =	vsub.f32 v9, v0  }
0x21f: {  	v11 =	vmul.f32 v11, v1;
	v2 =	vsub.f32 v2, v0;
	v13 =	vtrunc.f32 v13  }
0x220: {  	v14 =	vsub.f32 v14, v0;
	v9 =	vmul.f32 v9, v1;
	v13 =	vcvt.f32.s32 v13  }
0x221: {  	v15 =	vsub.f32 v15, v0;
	v12 =	vtrunc.f32 v12;
	v2 =	vmul.f32 v2, v1  }
0x222: {  	[tilespmem:s0+$0xC000] =	vst v5;
	v5 =	vmul.f32 v14, v1;
	v14 =	vsub.f32 v16, v0;
	vm11 =	vlt.s32 v13, $0xFFFF  }
0x223: {  	[tilespmem:s0+$0xC010] =	vst v6;
	v6 =	vtrunc.f32 v11;
	v11 =	vmul.f32 v15, v1;
	v13 =	vnsel vm11, $0xFFFF, v13  }
0x224: {  	v3 =	vnsel vm3, $0xFFFF, v3;
	v9 =	vtrunc.f32 v9;
	v6 =	vcvt.f32.s32 v6;
	[tilespmem:s1+$0xC070] =	vst v13  }
0x225: {  	v14 =	vmul.f32 v14, v1;
	v2 =	vtrunc.f32 v2;
	[tilespmem:s0+$0xC020] =	vst v3;
	v3 =	vnsel vm4, $0xFFFF, v7  }
0x226: {  	v5 =	vtrunc.f32 v5;
	[tilespmem:s0+$0xC030] =	vst v3;
	v3 =	vnsel vm2, $0xFFFF, v8;
	v8 =	vcvt.f32.s32 v12  }
0x227: {  	v2 =	vcvt.f32.s32 v2;
	v5 =	vcvt.f32.s32 v5;
	[tilespmem:s0+$0xC040] =	vst v3;
	v3 =	vnsel vm1, $0xFFFF, v4  }
0x228: {  	v4 =	vcvt.f32.s32 v9;
	[tilespmem:s0+$0xC050] =	vst v3;
	v3 =	vnsel vm0, $0xFFFF, v10;
	vm0 =	vlt.s32 v8, $0xFFFF  }
0x229: {  	v7 =	vtrunc.f32 v11;
	vm1 =	vlt.s32 v6, $0xFFFF;
	[tilespmem:s0+$0xC060] =	vst v3;
	v3 =	vnsel vm0, $0xFFFF, v8  }
0x22a: {  	v11 =	vtrunc.f32 v14;
	vm0 =	vlt.s32 v4, $0xFFFF;
	[tilespmem:s1+$0xC000] =	vst v3;
	v3 =	vnsel vm1, $0xFFFF, v6  }
0x22b: {  	v6 =	vcvt.f32.s32 v7;
	vm1 =	vlt.s32 v2, $0xFFFF;
	[tilespmem:s1+$0xC010] =	vst v3;
	v3 =	vnsel vm0, $0xFFFF, v4  }
0x22c: {  	v4 =	vcvt.f32.s32 v11;
	vm0 =	vlt.s32 v5, $0xFFFF;
	v2 =	vnsel vm1, $0xFFFF, v2;
	[tilespmem:s1+$0xC020] =	vst v3  }
0x22d: {  	vm1 =	vlt.s32 v6, $0xFFFF;
	[tilespmem:s1+$0xC030] =	vst v2;
	v2 =	vnsel vm0, $0xFFFF, v5  }
0x22e: {  	vm0 =	vlt.s32 v4, $0xFFFF;
	[tilespmem:s1+$0xC040] =	vst v2;
	v2 =	vnsel vm1, $0xFFFF, v6  }
0x22f: {  	[tilespmem:s1+$0xC050] =	vst v2;
	v2 =	vnsel vm0, $0xFFFF, v4  }
0x230: {  	[tilespmem:s1+$0xC060] =	vst v2  }
0x231: {  	[spmem:s2] =	stream.indirect.scatter.add.s32 [tilespmem:s18], [sflag:$0x4], $0x1, s28, s22, $0xb8;
	[tilespmem:$0x16080] =	vst v63  }
0x232: {  	s19 =	simm.s32 $0x0  }
0x233: {  	[tilespmem:s22], [sflag:$0x2] =	stream.linear.gather [hbm4b:s11+s19], $0x4000, $0x38;
	[tilespmem:$0x16080] =	vst v63  }
0x234: {  	_ =	swait.ge [sflag:s23], $0x4000  }
0x235: {  	[sflag:s23] =	ssyncset.done $0x0  }
0x236: {  	[sflag:s23] =	ssyncadd.s32 $0xFFFFC000  }
0x237: {  	_ =	swait.ge [sflag:s29], $0x4000  }
0x238: {  	[sflag:s29] =	ssyncset.done $0x0  }
0x239: {  	s3 =	simm.s32 $0x0;
	[sflag:s29] =	ssyncadd.s32 $0xFFFFC000  }
0x23a: {  	v2 =	vld [tilespmem:s3+$0x70]  }
0x23b: {  	v3 =	vld [tilespmem:s3+$0x0]  }
0x23c: {  	v4 =	vld [tilespmem:s3+$0x10]  }
0x23d: {  	v5 =	vld [tilespmem:s3+$0x20]  }
0x23e: {  	v6 =	vld [tilespmem:s3+$0x30]  }
0x23f: {  	v7 =	vld [tilespmem:s3+$0x40]  }
0x240: {  	v8 =	vld [tilespmem:s3+$0x50];
	v2 =	vsub.f32 v2, v0  }
0x241: {  	v9 =	vld [tilespmem:s3+$0x60]  }
0x242: {  	v3 =	vsub.f32 v3, v0;
	v4 =	vsub.f32 v4, v0;
	v2 =	vmul.f32 v2, v1  }
0x243: {  	v5 =	vsub.f32 v5, v0;
	v6 =	vsub.f32 v6, v0  }
0x244: {  	v7 =	vsub.f32 v7, v0;
	v3 =	vmul.f32 v3, v1;
	v2 =	vtrunc.f32 v2  }
0x245: {  	v8 =	vsub.f32 v8, v0;
	v4 =	vmul.f32 v4, v1;
	v2 =	vcvt.f32.s32 v2  }
0x246: {  	v9 =	vsub.f32 v9, v0;
	v5 =	vmul.f32 v5, v1;
	v6 =	vmul.f32 v6, v1  }
0x247: {  	v7 =	vmul.f32 v7, v1;
	v8 =	vmul.f32 v8, v1;
	vm0 =	vlt.s32 v2, $0xFFFF  }
0x248: {  	v9 =	vmul.f32 v9, v1;
	v3 =	vtrunc.f32 v3;
	v2 =	vnsel vm0, $0xFFFF, v2  }
0x249: {  	s0 =	simm.s32 $0x80;
	v4 =	vtrunc.f32 v4;
	v5 =	vtrunc.f32 v5;
	[tilespmem:s3+$0x8070] =	vst v2  }
0x24a: {  	v2 =	vtrunc.f32 v6;
	v6 =	vtrunc.f32 v7;
	v7 =	vld [tilespmem:s0+$0x70]  }
0x24b: {  	v8 =	vtrunc.f32 v8;
	v11 =	vcvt.f32.s32 v3;
	v10 =	vld [tilespmem:s0+$0x0]  }
0x24c: {  	v12 =	vcvt.f32.s32 v4;
	v14 =	vcvt.f32.s32 v5;
	v13 =	vld [tilespmem:s0+$0x10]  }
0x24d: {  	v9 =	vtrunc.f32 v9;
	v3 =	vcvt.f32.s32 v8;
	v5 =	vld [tilespmem:s0+$0x20]  }
0x24e: {  	vm12 =	vlt.s32 v11, $0xFFFF;
	vm13 =	vlt.s32 v12, $0xFFFF;
	vm14 =	vlt.s32 v14, $0xFFFF;
	v8 =	vld [tilespmem:s0+$0x40]  }
0x24f: {  	vm1 =	vlt.s32 v3, $0xFFFF;
	v11 =	vnsel vm12, $0xFFFF, v11;
	v15 =	vcvt.f32.s32 v2;
	v63 =	vld [tilespmem:s0+$0x60]  }
0x250: {  	v12 =	vnsel vm13, $0xFFFF, v12;
	v4 =	vcvt.f32.s32 v6;
	v7 =	vsub.f32 v7, v0  }
0x251: {  	v6 =	vld [tilespmem:s0+$0x30];
	v2 =	vcvt.f32.s32 v9;
	vm3 =	vlt.s32 v15, $0xFFFF;
	v9 =	vsub.f32 v10, v0  }
0x252: {  	vm2 =	vlt.s32 v4, $0xFFFF;
	v10 =	vld [tilespmem:s0+$0x50];
	v13 =	vsub.f32 v13, v0;
	v7 =	vmul.f32 v7, v1  }
0x253: {  	v5 =	vsub.f32 v5, v0;
	v8 =	vsub.f32 v8, v0;
	v9 =	vmul.f32 v9, v1  }
0x254: {  	[tilespmem:s3+$0x8000] =	vst v11;
	v11 =	vsub.f32 v63, v0;
	v13 =	vmul.f32 v13, v1;
	v7 =	vtrunc.f32 v7  }
0x255: {  	vm0 =	vlt.s32 v2, $0xFFFF;
	v17 =	vmul.f32 v5, v1;
	v7 =	vcvt.f32.s32 v7  }
0x256: {  	v6 =	vsub.f32 v6, v0;
	v8 =	vmul.f32 v8, v1;
	v11 =	vmul.f32 v11, v1  }
0x257: {  	v5 =	vtrunc.f32 v9;
	v10 =	vsub.f32 v10, v0;
	vm15 =	vlt.s32 v7, $0xFFFF  }
0x258: {  	[tilespmem:s3+$0x8010] =	vst v12;
	v9 =	vmul.f32 v6, v1;
	v6 =	vtrunc.f32 v13;
	v12 =	vnsel vm15, $0xFFFF, v7  }
0x259: {  	v8 =	vtrunc.f32 v8;
	v10 =	vmul.f32 v10, v1;
	[tilespmem:s0+$0x8070] =	vst v12;
	v12 =	vnsel vm14, $0xFFFF, v14  }
0x25a: {  	s1 =	simm.s32 $0x100;
	s19 =	simm.s32 $0x600;
	v9 =	vtrunc.f32 v9;
	v7 =	vtrunc.f32 v17;
	[tilespmem:s3+$0x8020] =	vst v12;
	v12 =	vnsel vm3, $0xFFFF, v15  }
.LBB2_7:
0x25b: {  	p1 =	sne.s32 s19, $0xFE00;
	v13 =	vld [tilespmem:s1+$0x70];
	v10 =	vtrunc.f32 v10;
	v11 =	vtrunc.f32 v11;
	[tilespmem:s3+$0x8030] =	vst v12;
	v4 =	vnsel vm2, $0xFFFF, v4  }
0x25c: {  	v5 =	vcvt.f32.s32 v5;
	v6 =	vcvt.f32.s32 v6;
	v3 =	vnsel vm1, $0xFFFF, v3;
	v12 =	vld [tilespmem:s1+$0x0];
	[tilespmem:s3+$0x8040] =	vst v4  }
0x25d: {  	v15 =	vcvt.f32.s32 v7;
	v16 =	vcvt.f32.s32 v9;
	v2 =	vnsel vm0, $0xFFFF, v2;
	v14 =	vld [tilespmem:s1+$0x10];
	[tilespmem:s3+$0x8050] =	vst v3  }
0x25e: {  	v4 =	vcvt.f32.s32 v8;
	vm5 =	vlt.s32 v5, $0xFFFF;
	v3 =	vcvt.f32.s32 v10;
	v7 =	vld [tilespmem:s1+$0x20];
	[tilespmem:s3+$0x8060] =	vst v2;
	s3 =	smov.u32 s0;
	s0 =	smov.u32 s1  }
0x25f: {  	vm6 =	vlt.s32 v6, $0xFFFF;
	vm4 =	vlt.s32 v15, $0xFFFF;
	v2 =	vcvt.f32.s32 v11;
	v8 =	vld [tilespmem:s0+$0x30]  }
0x260: {  	vm3 =	vlt.s32 v16, $0xFFFF;
	vm2 =	vlt.s32 v4, $0xFFFF;
	v9 =	vld [tilespmem:s0+$0x40];
	v10 =	vsub.f32 v13, v0  }
0x261: {  	vm1 =	vlt.s32 v3, $0xFFFF;
	vm0 =	vlt.s32 v2, $0xFFFF;
	v11 =	vsub.f32 v12, v0;
	v12 =	vld [tilespmem:s0+$0x50]  }
0x262: {  	v5 =	vnsel vm5, $0xFFFF, v5;
	v13 =	vsub.f32 v14, v0;
	v14 =	vld [tilespmem:s0+$0x60];
	v10 =	vmul.f32 v10, v1  }
0x263: {  	v11 =	vmul.f32 v11, v1;
	v7 =	vsub.f32 v7, v0;
	[tilespmem:s3+$0x8000] =	vst v5;
	v5 =	vnsel vm6, $0xFFFF, v6  }
0x264: {  	v6 =	vmul.f32 v13, v1;
	v8 =	vsub.f32 v8, v0;
	v10 =	vtrunc.f32 v10;
	[tilespmem:s3+$0x8010] =	vst v5  }
0x265: {  	v7 =	vmul.f32 v7, v1;
	v9 =	vsub.f32 v9, v0;
	v13 =	vcvt.f32.s32 v10  }
.Ltmp10:
0x266: {  	v5 =	vtrunc.f32 v11;
	v8 =	vmul.f32 v8, v1;
	v10 =	vsub.f32 v12, v0;
	(pc) =	sbr.rel @p1 .LBB2_7-.Ltmp10, $4  }
0x267: {  	v12 =	vmul.f32 v9, v1;
	v9 =	vsub.f32 v14, v0;
	vm5 =	vlt.s32 v13, $0xFFFF  }
0x268: {  	v6 =	vtrunc.f32 v6;
	v10 =	vmul.f32 v10, v1;
	v13 =	vnsel vm5, $0xFFFF, v13  }
0x269: {  	v7 =	vtrunc.f32 v7;
	v11 =	vmul.f32 v9, v1;
	[tilespmem:s0+$0x8070] =	vst v13;
	v13 =	vnsel vm4, $0xFFFF, v15  }
0x26a: {  	s1 =	sshra.s32 s19, $0x2;
	s19 =	sadd.s32 $0x200, s19;
	v9 =	vtrunc.f32 v8;
	v8 =	vtrunc.f32 v12;
	v12 =	vnsel vm3, $0xFFFF, v16;
	[tilespmem:s3+$0x8020] =	vst v13  }
0x26b: {  	v13 =	vld [tilespmem:s1+$0x70];
	[tilespmem:s3+$0x8030] =	vst v12;
	v4 =	vnsel vm2, $0xFFFF, v4;
	v5 =	vcvt.f32.s32 v5;
	v6 =	vcvt.f32.s32 v6  }
0x26c: {  	v3 =	vnsel vm1, $0xFFFF, v3;
	v8 =	vcvt.f32.s32 v8;
	v12 =	vld [tilespmem:s1+$0x0];
	[tilespmem:s3+$0x8040] =	vst v4;
	v4 =	vtrunc.f32 v10  }
0x26d: {  	v2 =	vnsel vm0, $0xFFFF, v2;
	v10 =	vtrunc.f32 v11;
	v11 =	vld [tilespmem:s1+$0x10];
	[tilespmem:s3+$0x8050] =	vst v3;
	v3 =	vcvt.f32.s32 v7  }
0x26e: {  	v7 =	vcvt.f32.s32 v9;
	vm5 =	vlt.s32 v5, $0xFFFF;
	v4 =	vcvt.f32.s32 v4;
	v9 =	vld [tilespmem:s1+$0x20];
	[tilespmem:s3+$0x8060] =	vst v2  }
0x26f: {  	vm6 =	vlt.s32 v6, $0xFFFF;
	v10 =	vcvt.f32.s32 v10;
	vm2 =	vlt.s32 v8, $0xFFFF;
	v2 =	vld [tilespmem:s1+$0x30]  }
0x270: {  	v5 =	vnsel vm5, $0xFFFF, v5;
	v6 =	vnsel vm6, $0xFFFF, v6;
	v14 =	vld [tilespmem:s1+$0x40];
	v13 =	vsub.f32 v13, v0  }
0x271: {  	vm3 =	vlt.s32 v3, $0xFFFF;
	vm4 =	vlt.s32 v7, $0xFFFF;
	v15 =	vld [tilespmem:s1+$0x50];
	v12 =	vsub.f32 v12, v0  }
0x272: {  	vm1 =	vlt.s32 v4, $0xFFFF;
	v16 =	vld [tilespmem:s1+$0x60];
	v11 =	vsub.f32 v11, v0;
	v13 =	vmul.f32 v13, v1  }
0x273: {  	vm0 =	vlt.s32 v10, $0xFFFF;
	v12 =	vmul.f32 v12, v1;
	v9 =	vsub.f32 v9, v0  }
0x274: {  	v11 =	vmul.f32 v11, v1;
	v2 =	vsub.f32 v2, v0;
	v13 =	vtrunc.f32 v13  }
0x275: {  	v14 =	vsub.f32 v14, v0;
	v9 =	vmul.f32 v9, v1;
	v13 =	vcvt.f32.s32 v13  }
0x276: {  	v15 =	vsub.f32 v15, v0;
	v12 =	vtrunc.f32 v12;
	v2 =	vmul.f32 v2, v1  }
0x277: {  	[tilespmem:s0+$0x8000] =	vst v5;
	v5 =	vmul.f32 v14, v1;
	v14 =	vsub.f32 v16, v0;
	vm11 =	vlt.s32 v13, $0xFFFF  }
0x278: {  	[tilespmem:s0+$0x8010] =	vst v6;
	v6 =	vtrunc.f32 v11;
	v11 =	vmul.f32 v15, v1;
	v13 =	vnsel vm11, $0xFFFF, v13  }
0x279: {  	v3 =	vnsel vm3, $0xFFFF, v3;
	v9 =	vtrunc.f32 v9;
	v6 =	vcvt.f32.s32 v6;
	[tilespmem:s1+$0x8070] =	vst v13  }
0x27a: {  	v14 =	vmul.f32 v14, v1;
	v2 =	vtrunc.f32 v2;
	[tilespmem:s0+$0x8020] =	vst v3;
	v3 =	vnsel vm4, $0xFFFF, v7  }
0x27b: {  	v5 =	vtrunc.f32 v5;
	[tilespmem:s0+$0x8030] =	vst v3;
	v3 =	vnsel vm2, $0xFFFF, v8;
	v8 =	vcvt.f32.s32 v12  }
0x27c: {  	v2 =	vcvt.f32.s32 v2;
	v5 =	vcvt.f32.s32 v5;
	[tilespmem:s0+$0x8040] =	vst v3;
	v3 =	vnsel vm1, $0xFFFF, v4  }
0x27d: {  	v4 =	vcvt.f32.s32 v9;
	[tilespmem:s0+$0x8050] =	vst v3;
	v3 =	vnsel vm0, $0xFFFF, v10;
	vm0 =	vlt.s32 v8, $0xFFFF  }
0x27e: {  	v7 =	vtrunc.f32 v11;
	vm1 =	vlt.s32 v6, $0xFFFF;
	[tilespmem:s0+$0x8060] =	vst v3;
	v3 =	vnsel vm0, $0xFFFF, v8  }
0x27f: {  	v11 =	vtrunc.f32 v14;
	vm0 =	vlt.s32 v4, $0xFFFF;
	[tilespmem:s1+$0x8000] =	vst v3;
	v3 =	vnsel vm1, $0xFFFF, v6  }
0x280: {  	v6 =	vcvt.f32.s32 v7;
	vm1 =	vlt.s32 v2, $0xFFFF;
	[tilespmem:s1+$0x8010] =	vst v3;
	v3 =	vnsel vm0, $0xFFFF, v4  }
0x281: {  	v4 =	vcvt.f32.s32 v11;
	vm0 =	vlt.s32 v5, $0xFFFF;
	v2 =	vnsel vm1, $0xFFFF, v2;
	[tilespmem:s1+$0x8020] =	vst v3  }
0x282: {  	vm1 =	vlt.s32 v6, $0xFFFF;
	[tilespmem:s1+$0x8030] =	vst v2;
	v2 =	vnsel vm0, $0xFFFF, v5  }
0x283: {  	vm0 =	vlt.s32 v4, $0xFFFF;
	[tilespmem:s1+$0x8040] =	vst v2;
	v2 =	vnsel vm1, $0xFFFF, v6  }
0x284: {  	[tilespmem:s1+$0x8050] =	vst v2;
	v2 =	vnsel vm0, $0xFFFF, v4  }
0x285: {  	[tilespmem:s1+$0x8060] =	vst v2  }
0x286: {  	[spmem:s2] =	stream.indirect.scatter.add.s32 [tilespmem:s18], [sflag:$0x3], $0x1, s25, s22, $0xb8;
	[tilespmem:$0x16080] =	vst v63  }
0x287: {  	_ =	swait.ge [sflag:s26], $0x4000  }
0x288: {  	[sflag:s26] =	ssyncset.done $0x0  }
0x289: {  	[sflag:s26] =	ssyncadd.s32 $0xFFFFC000  }
0x28a: {  	_ =	swait.ge [sflag:s30], $0x4000  }
0x28b: {  	[sflag:s30] =	ssyncset.done $0x0  }
0x28c: {  	s3 =	simm.s32 $0x0;
	[sflag:s30] =	ssyncadd.s32 $0xFFFFC000  }
0x28d: {  	v2 =	vld [tilespmem:s3+$0x4070]  }
0x28e: {  	v3 =	vld [tilespmem:s3+$0x4000]  }
0x28f: {  	v4 =	vld [tilespmem:s3+$0x4010]  }
0x290: {  	v5 =	vld [tilespmem:s3+$0x4020]  }
0x291: {  	v6 =	vld [tilespmem:s3+$0x4030]  }
0x292: {  	v7 =	vld [tilespmem:s3+$0x4040]  }
0x293: {  	v8 =	vld [tilespmem:s3+$0x4050];
	v2 =	vsub.f32 v2, v0  }
0x294: {  	v9 =	vld [tilespmem:s3+$0x4060]  }
0x295: {  	v3 =	vsub.f32 v3, v0;
	v4 =	vsub.f32 v4, v0;
	v2 =	vmul.f32 v2, v1  }
0x296: {  	v5 =	vsub.f32 v5, v0;
	v6 =	vsub.f32 v6, v0  }
0x297: {  	v7 =	vsub.f32 v7, v0;
	v3 =	vmul.f32 v3, v1;
	v2 =	vtrunc.f32 v2  }
0x298: {  	v8 =	vsub.f32 v8, v0;
	v4 =	vmul.f32 v4, v1;
	v2 =	vcvt.f32.s32 v2  }
0x299: {  	v9 =	vsub.f32 v9, v0;
	v5 =	vmul.f32 v5, v1;
	v6 =	vmul.f32 v6, v1  }
0x29a: {  	v7 =	vmul.f32 v7, v1;
	v8 =	vmul.f32 v8, v1;
	vm0 =	vlt.s32 v2, $0xFFFF  }
0x29b: {  	v9 =	vmul.f32 v9, v1;
	v3 =	vtrunc.f32 v3;
	v2 =	vnsel vm0, $0xFFFF, v2  }
0x29c: {  	s0 =	simm.s32 $0x80;
	v4 =	vtrunc.f32 v4;
	v5 =	vtrunc.f32 v5;
	[tilespmem:s3+$0xC070] =	vst v2  }
0x29d: {  	v2 =	vtrunc.f32 v6;
	v6 =	vtrunc.f32 v7;
	v7 =	vld [tilespmem:s0+$0x4070]  }
0x29e: {  	v8 =	vtrunc.f32 v8;
	v11 =	vcvt.f32.s32 v3;
	v10 =	vld [tilespmem:s0+$0x4000]  }
0x29f: {  	v12 =	vcvt.f32.s32 v4;
	v14 =	vcvt.f32.s32 v5;
	v13 =	vld [tilespmem:s0+$0x4010]  }
0x2a0: {  	v9 =	vtrunc.f32 v9;
	v3 =	vcvt.f32.s32 v8;
	v5 =	vld [tilespmem:s0+$0x4020]  }
0x2a1: {  	vm12 =	vlt.s32 v11, $0xFFFF;
	vm13 =	vlt.s32 v12, $0xFFFF;
	vm14 =	vlt.s32 v14, $0xFFFF;
	v8 =	vld [tilespmem:s0+$0x4040]  }
0x2a2: {  	vm1 =	vlt.s32 v3, $0xFFFF;
	v11 =	vnsel vm12, $0xFFFF, v11;
	v15 =	vcvt.f32.s32 v2;
	v63 =	vld [tilespmem:s0+$0x4060]  }
0x2a3: {  	v12 =	vnsel vm13, $0xFFFF, v12;
	v4 =	vcvt.f32.s32 v6;
	v7 =	vsub.f32 v7, v0  }
0x2a4: {  	v6 =	vld [tilespmem:s0+$0x4030];
	v2 =	vcvt.f32.s32 v9;
	vm3 =	vlt.s32 v15, $0xFFFF;
	v9 =	vsub.f32 v10, v0  }
0x2a5: {  	vm2 =	vlt.s32 v4, $0xFFFF;
	v10 =	vld [tilespmem:s0+$0x4050];
	v13 =	vsub.f32 v13, v0;
	v7 =	vmul.f32 v7, v1  }
0x2a6: {  	v5 =	vsub.f32 v5, v0;
	v8 =	vsub.f32 v8, v0;
	v9 =	vmul.f32 v9, v1  }
0x2a7: {  	[tilespmem:s3+$0xC000] =	vst v11;
	v11 =	vsub.f32 v63, v0;
	v13 =	vmul.f32 v13, v1;
	v7 =	vtrunc.f32 v7  }
0x2a8: {  	vm0 =	vlt.s32 v2, $0xFFFF;
	v17 =	vmul.f32 v5, v1;
	v7 =	vcvt.f32.s32 v7  }
0x2a9: {  	v6 =	vsub.f32 v6, v0;
	v8 =	vmul.f32 v8, v1;
	v11 =	vmul.f32 v11, v1  }
0x2aa: {  	v5 =	vtrunc.f32 v9;
	v10 =	vsub.f32 v10, v0;
	vm15 =	vlt.s32 v7, $0xFFFF  }
0x2ab: {  	[tilespmem:s3+$0xC010] =	vst v12;
	v9 =	vmul.f32 v6, v1;
	v6 =	vtrunc.f32 v13;
	v12 =	vnsel vm15, $0xFFFF, v7  }
0x2ac: {  	v8 =	vtrunc.f32 v8;
	v10 =	vmul.f32 v10, v1;
	[tilespmem:s0+$0xC070] =	vst v12;
	v12 =	vnsel vm14, $0xFFFF, v14  }
0x2ad: {  	s19 =	simm.s32 $0x600;
	s1 =	simm.s32 $0x100;
	v9 =	vtrunc.f32 v9;
	v7 =	vtrunc.f32 v17;
	[tilespmem:s3+$0xC020] =	vst v12;
	v12 =	vnsel vm3, $0xFFFF, v15  }
.LBB2_9:
0x2ae: {  	p1 =	seq.s32 s19, $0xFE00;
	v13 =	vld [tilespmem:s1+$0x4070];
	v10 =	vtrunc.f32 v10;
	v11 =	vtrunc.f32 v11;
	[tilespmem:s3+$0xC030] =	vst v12;
	v4 =	vnsel vm2, $0xFFFF, v4  }
0x2af: {  	v5 =	vcvt.f32.s32 v5;
	v6 =	vcvt.f32.s32 v6;
	v3 =	vnsel vm1, $0xFFFF, v3;
	v12 =	vld [tilespmem:s1+$0x4000];
	[tilespmem:s3+$0xC040] =	vst v4  }
0x2b0: {  	v15 =	vcvt.f32.s32 v7;
	v16 =	vcvt.f32.s32 v9;
	v2 =	vnsel vm0, $0xFFFF, v2;
	v14 =	vld [tilespmem:s1+$0x4010];
	[tilespmem:s3+$0xC050] =	vst v3  }
0x2b1: {  	v4 =	vcvt.f32.s32 v8;
	vm5 =	vlt.s32 v5, $0xFFFF;
	v3 =	vcvt.f32.s32 v10;
	v7 =	vld [tilespmem:s1+$0x4020];
	[tilespmem:s3+$0xC060] =	vst v2;
	s3 =	smov.u32 s0;
	s0 =	smov.u32 s1  }
0x2b2: {  	vm6 =	vlt.s32 v6, $0xFFFF;
	vm4 =	vlt.s32 v15, $0xFFFF;
	v2 =	vcvt.f32.s32 v11;
	v8 =	vld [tilespmem:s0+$0x4030]  }
0x2b3: {  	vm3 =	vlt.s32 v16, $0xFFFF;
	vm2 =	vlt.s32 v4, $0xFFFF;
	v9 =	vld [tilespmem:s0+$0x4040];
	v10 =	vsub.f32 v13, v0  }
0x2b4: {  	vm1 =	vlt.s32 v3, $0xFFFF;
	vm0 =	vlt.s32 v2, $0xFFFF;
	v11 =	vsub.f32 v12, v0;
	v12 =	vld [tilespmem:s0+$0x4050]  }
0x2b5: {  	v5 =	vnsel vm5, $0xFFFF, v5;
	v13 =	vsub.f32 v14, v0;
	v14 =	vld [tilespmem:s0+$0x4060];
	v10 =	vmul.f32 v10, v1  }
0x2b6: {  	v11 =	vmul.f32 v11, v1;
	v7 =	vsub.f32 v7, v0;
	[tilespmem:s3+$0xC000] =	vst v5;
	v5 =	vnsel vm6, $0xFFFF, v6  }
0x2b7: {  	v6 =	vmul.f32 v13, v1;
	v8 =	vsub.f32 v8, v0;
	v10 =	vtrunc.f32 v10;
	[tilespmem:s3+$0xC010] =	vst v5  }
0x2b8: {  	v7 =	vmul.f32 v7, v1;
	v9 =	vsub.f32 v9, v0;
	v13 =	vcvt.f32.s32 v10  }
.Ltmp11:
0x2b9: {  	v5 =	vtrunc.f32 v11;
	v8 =	vmul.f32 v8, v1;
	v10 =	vsub.f32 v12, v0;
	(pc) =	sbr.rel @!p1 .LBB2_9-.Ltmp11, $4  }
0x2ba: {  	v12 =	vmul.f32 v9, v1;
	v9 =	vsub.f32 v14, v0;
	vm5 =	vlt.s32 v13, $0xFFFF  }
0x2bb: {  	v6 =	vtrunc.f32 v6;
	v10 =	vmul.f32 v10, v1;
	v13 =	vnsel vm5, $0xFFFF, v13  }
0x2bc: {  	v7 =	vtrunc.f32 v7;
	v11 =	vmul.f32 v9, v1;
	[tilespmem:s0+$0xC070] =	vst v13;
	v13 =	vnsel vm4, $0xFFFF, v15  }
0x2bd: {  	s1 =	sshra.s32 s19, $0x2;
	s19 =	sadd.s32 $0x200, s19;
	v9 =	vtrunc.f32 v8;
	v8 =	vtrunc.f32 v12;
	v12 =	vnsel vm3, $0xFFFF, v16;
	[tilespmem:s3+$0xC020] =	vst v13  }
0x2be: {  	v13 =	vld [tilespmem:s1+$0x4070];
	[tilespmem:s3+$0xC030] =	vst v12;
	v4 =	vnsel vm2, $0xFFFF, v4;
	v39 =	vtrunc.f32 v10  }
0x2bf: {  	v40 =	vtrunc.f32 v11;
	v3 =	vnsel vm1, $0xFFFF, v3;
	v5 =	vcvt.f32.s32 v5;
	v12 =	vld [tilespmem:s1+$0x4000];
	[tilespmem:s3+$0xC040] =	vst v4  }
0x2c0: {  	v6 =	vcvt.f32.s32 v6;
	v42 =	vcvt.f32.s32 v7;
	v2 =	vnsel vm0, $0xFFFF, v2;
	v41 =	vld [tilespmem:s1+$0x4010];
	[tilespmem:s3+$0xC050] =	vst v3  }
0x2c1: {  	v43 =	vcvt.f32.s32 v9;
	v8 =	vcvt.f32.s32 v8;
	v44 =	vld [tilespmem:s1+$0x4020];
	[tilespmem:s3+$0xC060] =	vst v2  }
0x2c2: {  	v4 =	vcvt.f32.s32 v39;
	v10 =	vcvt.f32.s32 v40;
	v2 =	vld [tilespmem:s1+$0x4030]  }
0x2c3: {  	vm5 =	vlt.s32 v5, $0xFFFF;
	vm6 =	vlt.s32 v6, $0xFFFF;
	vm3 =	vlt.s32 v42, $0xFFFF;
	v14 =	vld [tilespmem:s1+$0x4040]  }
0x2c4: {  	vm4 =	vlt.s32 v43, $0xFFFF;
	vm13 =	vlt.s32 v8, $0xFFFF;
	v15 =	vld [tilespmem:s1+$0x4050];
	v13 =	vsub.f32 v13, v0  }
0x2c5: {  	vm14 =	vlt.s32 v4, $0xFFFF;
	vm15 =	vlt.s32 v10, $0xFFFF;
	v16 =	vld [tilespmem:s1+$0x4060];
	v12 =	vsub.f32 v12, v0  }
0x2c6: {  	v5 =	vnsel vm5, $0xFFFF, v5;
	v11 =	vsub.f32 v41, v0;
	v13 =	vmul.f32 v13, v1  }
0x2c7: {  	v6 =	vnsel vm6, $0xFFFF, v6;
	v49 =	vnsel vm3, $0xFFFF, v42;
	v12 =	vmul.f32 v12, v1  }
0x2c8: {  	v9 =	vsub.f32 v44, v0;
	v11 =	vmul.f32 v11, v1;
	v13 =	vtrunc.f32 v13  }
0x2c9: {  	v2 =	vsub.f32 v2, v0;
	v14 =	vsub.f32 v14, v0;
	v13 =	vcvt.f32.s32 v13  }
0x2ca: {  	v15 =	vsub.f32 v15, v0;
	v46 =	vsub.f32 v16, v0;
	v9 =	vmul.f32 v9, v1  }
0x2cb: {  	[tilespmem:s0+$0xC000] =	vst v5;
	v12 =	vtrunc.f32 v12;
	v2 =	vmul.f32 v2, v1;
	vm8 =	vlt.s32 v13, $0xFFFF  }
0x2cc: {  	[tilespmem:s0+$0xC010] =	vst v6;
	v45 =	vmul.f32 v14, v1;
	v47 =	vtrunc.f32 v11;
	v13 =	vnsel vm8, $0xFFFF, v13  }
0x2cd: {  	v51 =	vnsel vm4, $0xFFFF, v43;
	v48 =	vmul.f32 v15, v1;
	v0 =	vmul.f32 v46, v1;
	[tilespmem:s1+$0xC070] =	vst v13  }
0x2ce: {  	v53 =	vnsel vm13, $0xFFFF, v8;
	v54 =	vcvt.f32.s32 v12;
	v9 =	vtrunc.f32 v9;
	[tilespmem:s0+$0xC020] =	vst v49  }
0x2cf: {  	v55 =	vnsel vm14, $0xFFFF, v4;
	v6 =	vcvt.f32.s32 v47;
	v2 =	vtrunc.f32 v2;
	[tilespmem:s0+$0xC030] =	vst v51  }
0x2d0: {  	v57 =	vnsel vm15, $0xFFFF, v10;
	v50 =	vtrunc.f32 v45;
	v52 =	vtrunc.f32 v48;
	[tilespmem:s0+$0xC040] =	vst v53  }
0x2d1: {  	v0 =	vtrunc.f32 v0;
	v56 =	vcvt.f32.s32 v9;
	vm9 =	vlt.s32 v54, $0xFFFF;
	[tilespmem:s0+$0xC050] =	vst v55  }
0x2d2: {  	v2 =	vcvt.f32.s32 v2;
	vm10 =	vlt.s32 v6, $0xFFFF;
	v58 =	vnsel vm9, $0xFFFF, v54;
	[tilespmem:s0+$0xC060] =	vst v57  }
0x2d3: {  	v3 =	vcvt.f32.s32 v50;
	vm11 =	vlt.s32 v56, $0xFFFF;
	v59 =	vnsel vm10, $0xFFFF, v6;
	[tilespmem:s1+$0xC000] =	vst v58  }
0x2d4: {  	v5 =	vcvt.f32.s32 v52;
	vm12 =	vlt.s32 v2, $0xFFFF;
	[tilespmem:s1+$0xC010] =	vst v59;
	v60 =	vnsel vm11, $0xFFFF, v56  }
.Ltmp12:
0x2d5: {  	v0 =	vcvt.f32.s32 v0;
	vm13 =	vlt.s32 v3, $0xFFFF;
	[tilespmem:s1+$0xC020] =	vst v60;
	v61 =	vnsel vm12, $0xFFFF, v2;
	(pc) =	sbr.rel .LBB2_20-.Ltmp12, $4  }
0x2d6: {  	vm14 =	vlt.s32 v5, $0xFFFF;
	v62 =	vnsel vm13, $0xFFFF, v3;
	[tilespmem:s1+$0xC030] =	vst v61  }
0x2d7: {  	vm15 =	vlt.s32 v0, $0xFFFF;
	v63 =	vnsel vm14, $0xFFFF, v5;
	[tilespmem:s1+$0xC040] =	vst v62  }
0x2d8: {  	v0 =	vnsel vm15, $0xFFFF, v0;
	[tilespmem:s1+$0xC050] =	vst v63  }
0x2d9: {  	[tilespmem:s1+$0xC060] =	vst v0  }
.LBB2_21:
0x2da: {  	_ =	sfence.sel $0x180000  }
0x2db: {  	[bflag:$0x0] =	sbarrier.arrive $0xFFFF  }
0x2dc: {  	_ =	strace $0x90000047  }
0x2dd: {  	s0 =	stileid.u32;
	[bflag:$0x2] =	sbarrier.arrive $0xFFFF  }
0x2de: {  	p0 =	sne.s32 s0, $0x0;
	s0 =	rddreg [dreg:$0x5]  }
0x2df: {  	s0 =	sadd.s32 @!p0 $0x100000, s0  }
0x2e0: {  	[sflag:s0] =	ssyncadd.tile.s32 @!p0 $0x1;
	_ =	shalt  }
.Lfunc_end2:
_tile_overlayer_lowered:
.L_overlay_start_2:
0x2e1: {  	(tag) =	ssettag $0x2  }
0x2e2: {  	s0 =	rddreg [dreg:$0x0];
	s2 =	stileid.u32  }
0x2e3: {  	s1 =	rddreg [dreg:$0x1];
	p0 =	sne.s32 s2, $0x0  }
0x2e4: {  	s3 =	rddreg [dreg:$0x2];
	[bflag:$0x3] =	sbarrier.arrive $0xFFFF;
	s2 =	simm.s32 @!p0 $0x1C06  }
0x2e5: {  	[timem:s3], [sflag:s2] =	dma.local @!p0 [hbm:s0], s1  }
0x2e6: {  	s0 =	simm.s32 @!p0 $0x6  }
0x2e7: {  	_ =	swait.ge @!p0 [sflag:s0], s1  }
0x2e8: {  	s1 =	ssub.s32 @!p0 $0x0, s1;
	[sflag:s0] =	ssyncset.done @!p0 $0x0  }
0x2e9: {  	[sflag:s0] =	ssyncadd.s32 @!p0 s1  }
0x2ea: {  	[bflag:$0x3] =	sbarrier.arrive $0xFFFF  }
0x2eb: {  	_ =	shalt  }

</sc_bundles>
